<compile_context>
chip_gen: v7x
topology: tpu7x:2x2x1
jax: 0.10.2.dev20260603
libtpu: 0.0.44.dev20260713+nightly
codegen_flags: <defaults>
</compile_context>

<pallas_src>
import jax
import jax.numpy as jnp
from jax import lax
from jax.experimental import pallas as pl
from jax.experimental.pallas import tpu as pltpu
from jax.experimental.pallas import tpu_sc as plsc

_K = 1024
_C = 768
_B = 16384
_NC = 2
_NS = 16
_NW = _NC * _NS
_RPW = _B // _NW
_R = 32
_NCHUNK = _RPW // _R
_KPT = _K // _NS
_CW = 128
_BLK = 2048


def _zero_tables(sid, fbuf, cbuf, sums_sh, cnt_sh):
    zero16 = jnp.zeros((16,), jnp.float32)

    def _zr(i, carry):
        for j in range(_C // 16):
            fbuf[i, pl.ds(j * 16, 16)] = zero16
        for j in range(_CW // 16):
            cbuf[i, pl.ds(j * 16, 16)] = zero16
        return carry
    lax.fori_loop(0, _R, _zr, 0)

    ksl = pl.ds(sid * _KPT, _KPT)
    for h in range(_KPT // _R):
        hsl = pl.ds(sid * _KPT + h * _R, _R)
        pltpu.sync_copy(fbuf, sums_sh.at[hsl])
        pltpu.sync_copy(cbuf, cnt_sh.at[hsl])
    plsc.subcore_barrier()
    return ksl


def _pipeline(wid, sums_sh, cnt_sh, fb, cb, lb, isem, ssem, feat, lbl):

    def start_in(g):
        s = g & 1
        base = wid * _RPW + g * _R
        return [
            pltpu.async_copy(lbl.at[pl.ds(base, _R)], lb[s].at[0], isem[s]),
            pltpu.async_copy(feat.at[pl.ds(base, _R), :], fb[s], isem[s]),
        ]

    def start_scatter(g):
        s = g & 1
        return [
            pltpu.async_copy(fb[s], sums_sh.at[lb[s].at[0]], ssem[s],
                             add=True),
            pltpu.async_copy(cb[0], cnt_sh.at[lb[s].at[0]], ssem[s],
                             add=True),
        ]

    ind = {0: start_in(0)}
    scd = {}
    for g in range(_NCHUNK):
        if g + 1 < _NCHUNK:
            if g >= 1:
                for d in scd[g - 1]:
                    d.wait()
            ind[g + 1] = start_in(g + 1)
        for d in ind[g]:
            d.wait()
        scd[g] = start_scatter(g)
    for d in scd[_NCHUNK - 2]:
        d.wait()
    for d in scd[_NCHUNK - 1]:
        d.wait()


def _src_body(feat, lbl, sums_o, cnt_o, sums_sh, cnt_sh,
              fbuf0, fbuf1, cbuf0, cbuf1, lbl0, lbl1,
              isem0, isem1, ssem0, ssem1):
    cid = lax.axis_index("c")
    sid = lax.axis_index("s")
    ksl = _zero_tables(sid, fbuf0, cbuf0, sums_sh, cnt_sh)

    iota16 = lax.iota(jnp.int32, 16)
    one0 = (1 - jnp.minimum(iota16, 1)).astype(jnp.float32)
    zero16 = jnp.zeros((16,), jnp.float32)
    def _fill(i, carry):
        cbuf0[i, pl.ds(0, 16)] = one0
        for j in range(1, _CW // 16):
            cbuf0[i, pl.ds(j * 16, 16)] = zero16
        return carry
    lax.fori_loop(0, _R, _fill, 0)

    wid = sid * _NC + cid
    _pipeline(wid, sums_sh, cnt_sh, (fbuf0, fbuf1), (cbuf0, cbuf1),
              (lbl0, lbl1), (isem0, isem1), (ssem0, ssem1), feat, lbl)

    plsc.subcore_barrier()
    pltpu.sync_copy(sums_sh.at[ksl], sums_o.at[cid, ksl])
    pltpu.sync_copy(cnt_sh.at[ksl], cnt_o.at[cid, ksl])


def _segment_src(src_features, src_labels):
    mesh = plsc.VectorSubcoreMesh(core_axis_name="c", subcore_axis_name="s",
                                  num_cores=_NC, num_subcores=_NS)
    f32 = jnp.float32
    out_type = (
        jax.ShapeDtypeStruct((_NC, _K, _C), f32),
        jax.ShapeDtypeStruct((_NC, _K, _CW), f32),
    )
    scratch = [
        pltpu.VMEM_SHARED((_K, _C), f32),
        pltpu.VMEM_SHARED((_K, _CW), f32),
        pltpu.VMEM((_R, _C), f32),
        pltpu.VMEM((_R, _C), f32),
        pltpu.VMEM((_R, _CW), f32),
        pltpu.VMEM((_R, _CW), f32),
        pltpu.VMEM((1, _R), jnp.int32),
        pltpu.VMEM((1, _R), jnp.int32),
        pltpu.SemaphoreType.DMA,
        pltpu.SemaphoreType.DMA,
        pltpu.SemaphoreType.DMA,
        pltpu.SemaphoreType.DMA,
    ]
    cp = pltpu.CompilerParams(use_tc_tiling_on_sc=False, skip_device_barrier=True)
    return pl.kernel(
        _src_body, out_type=out_type, mesh=mesh, scratch_types=scratch,
        compiler_params=cp,
    )(src_features, src_labels)


def _trgsum_body(lbl_ref, f_ref, c_ref, sums_ref, cnt_ref):
    @pl.when(pl.program_id(0) == 0)
    def _():
        sums_ref[...] = jnp.zeros_like(sums_ref)
        cnt_ref[...] = jnp.zeros_like(cnt_ref)

    k_iota = lax.broadcasted_iota(jnp.int32, (_BLK, _K), 1)
    onehot = (lbl_ref[...] == k_iota).astype(jnp.float32)
    conf = c_ref[...]
    dn0 = (((0,), (0,)), ((), ()))
    sums_ref[...] += lax.dot_general(
        onehot, f_ref[...] * conf, dimension_numbers=dn0,
        preferred_element_type=jnp.float32)
    cw = jnp.concatenate([conf, jnp.ones((_BLK, 1), jnp.float32)], axis=1)
    cnt_ref[...] += lax.dot_general(
        onehot, cw, dimension_numbers=dn0,
        preferred_element_type=jnp.float32)


def _trg_matmul(trg_labels_col, trg_features, conf_col):
    return pl.pallas_call(
        _trgsum_body,
        grid=(_B // _BLK,),
        in_specs=[
            pl.BlockSpec((_BLK, 1), lambda i: (i, 0)),
            pl.BlockSpec((_BLK, _C), lambda i: (i, 0)),
            pl.BlockSpec((_BLK, 1), lambda i: (i, 0)),
        ],
        out_specs=[
            pl.BlockSpec((_K, _C), lambda i: (0, 0)),
            pl.BlockSpec((_K, 2), lambda i: (0, 0)),
        ],
        out_shape=[
            jax.ShapeDtypeStruct((_K, _C), jnp.float32),
            jax.ShapeDtypeStruct((_K, 2), jnp.float32),
        ],
    )(trg_labels_col, trg_features, conf_col)


def _finish_body(ss_ref, sc_ref, ts_ref, tc_ref, o_ref):
    s_sum = ss_ref[0] + ss_ref[1]
    s_cnt = sc_ref[0, :, 0:1] + sc_ref[1, :, 0:1]
    t_wsum = ts_ref[...]
    t_wcnt = tc_ref[:, 0:1]
    t_cnt = tc_ref[:, 1:2]

    s_present = (s_cnt > 0).astype(jnp.float32)
    t_present = (t_cnt > 0).astype(jnp.float32)

    s_ctr = (1.0 - 0.9) * (s_sum / jnp.maximum(s_cnt, 1.0)) * s_present
    t_ctr = (1.0 - 0.9) * (t_wsum / jnp.maximum(t_wcnt, 1e-12)) * t_present

    s_n = jnp.sqrt(jnp.sum(s_ctr * s_ctr, axis=1, keepdims=True))
    t_n = jnp.sqrt(jnp.sum(t_ctr * t_ctr, axis=1, keepdims=True))
    validf = (s_present * t_present
              * (s_n > 1e-6).astype(jnp.float32)
              * (t_n > 1e-6).astype(jnp.float32))
    nv = jnp.sum(validf)

    d = s_ctr - t_ctr
    sq = jnp.sum(d * d * validf)
    denom = jnp.maximum(nv * float(_C), 1.0)
    o_ref[0, 0] = jnp.minimum(nv, 1.0) * (sq / denom)


def _finish(s_sums, s_cnt, t_sums, t_cnt):
    return pl.pallas_call(
        _finish_body,
        out_shape=jax.ShapeDtypeStruct((1, 1), jnp.float32),
        out_specs=pl.BlockSpec(memory_space=pltpu.SMEM),
    )(s_sums, s_cnt, t_sums, t_cnt)


@jax.jit
def kernel(src_features, src_labels, trg_features, trg_pseudo_labels,
           confidence):
    src_labels = src_labels.astype(jnp.int32)
    trg_pseudo_labels = trg_pseudo_labels.astype(jnp.int32)
    conf = confidence.astype(jnp.float32)

    s_sums, s_cnt = _segment_src(src_features, src_labels)
    t_sums, t_cnt = _trg_matmul(trg_pseudo_labels.reshape(_B, 1),
                                trg_features, conf.reshape(_B, 1))
    loss = _finish(s_sums, s_cnt, t_sums, t_cnt)
    return loss[0, 0]

# --- scband reference (transcript-rebuilt; emitter-appended) ---
"""Pipeline reference for scband-class-center-aligner-46127948759228 (READ-ONLY COPY).

The authoritative reference and input builder live on the scoring server;
editing this copy changes nothing except your own understanding.
"""

import jax, jax.numpy as jnp
import numpy as np

NUM_CLASSES = 1024
FEATURE_DIM = 768
MOMENTUM = 0.9
ALIGN_W = 1.0
B = 16384


def setup_inputs(seed: int = 0) -> dict:
    key = jax.random.key(seed)
    k1, k2, k3, k4, k5 = jax.random.split(key, 5)
    return {
        "src_features": jax.random.normal(k1, (B, FEATURE_DIM), dtype=jnp.float32),
        "src_labels": jax.random.randint(k2, (B,), 0, NUM_CLASSES),
        "trg_features": jax.random.normal(k3, (B, FEATURE_DIM), dtype=jnp.float32),
        "trg_pseudo_labels": jax.random.randint(k4, (B,), 0, NUM_CLASSES),
        "confidence": jax.random.uniform(k5, (B,), dtype=jnp.float32),
    }


def _src_centers(features, labels):
    # equivalent to the per-class loop: mean of features where labels == c
    onehot = jax.nn.one_hot(labels, NUM_CLASSES, dtype=features.dtype)  # [B, K]
    counts = onehot.sum(axis=0)                                          # [K]
    sums = onehot.T @ features                                           # [K, C]
    means = sums / jnp.maximum(counts, 1.0)[:, None]
    present = (counts > 0)
    # centers start at zero; update: alpha*0 + (1-alpha)*batch_center for present classes
    centers = jnp.where(present[:, None], (1.0 - MOMENTUM) * means, 0.0)
    return centers, counts


def _trg_centers(features, pseudo_labels, confidence):
    onehot = jax.nn.one_hot(pseudo_labels, NUM_CLASSES, dtype=features.dtype)  # [B, K]
    counts = onehot.sum(axis=0)                                                 # [K]
    wsums = onehot.T @ (features * confidence[:, None])                          # [K, C]
    wcounts = onehot.T @ confidence                                              # [K]
    means = wsums / jnp.maximum(wcounts, 1e-12)[:, None]
    present = (counts > 0)
    centers = jnp.where(present[:, None], (1.0 - MOMENTUM) * means, 0.0)
    return centers, counts


def reference(src_features, src_labels, trg_features, trg_pseudo_labels, confidence):
    src_centers, src_counts = _src_centers(src_features, src_labels)
    trg_centers, trg_counts = _trg_centers(trg_features, trg_pseudo_labels, confidence)

    valid = (src_counts > 0) & (trg_counts > 0)
    src_norm_ok = jnp.linalg.norm(src_centers, axis=1) > 1e-06
    trg_norm_ok = jnp.linalg.norm(trg_centers, axis=1) > 1e-06
    valid = valid & src_norm_ok & trg_norm_ok
    n_valid = valid.sum()

    # F.mse_loss over the selected rows = sum of squared diffs over valid rows / (n_valid * C)
    sq = (src_centers - trg_centers) ** 2
    sq_masked = jnp.where(valid[:, None], sq, 0.0)
    denom = jnp.maximum(n_valid.astype(jnp.float32) * FEATURE_DIM, 1.0)
    mse = sq_masked.sum() / denom
    loss = jnp.where(n_valid > 0, ALIGN_W * mse, 0.0)
    return loss

if __name__ == "__main__":
    import jax
    _d = setup_inputs()
    print(jax.jit(kernel)(*tuple(_d.values())))

</pallas_src>

<mosaic_0001>
#map = affine_map<(d0, d1) -> (0, 0)>
#map1 = affine_map<(d0, d1) -> (0)>
#map2 = affine_map<(d0, d1) -> (0, 0, 0)>
module attributes {stable_mosaic.version = 14 : i64} {
  func.func @_src_body(%arg0: i32, %arg1: i32, %arg2: memref<16384x768xf32, #tpu.memory_space<hbm>>, %arg3: memref<16384xi32, #tpu.memory_space<hbm>>, %arg4: memref<2x1024x768xf32, #tpu.memory_space<hbm>>, %arg5: memref<2x1024x128xf32, #tpu.memory_space<hbm>>, %arg6: memref<1024x768xf32, #tpu.memory_space<vmem_shared>>, %arg7: memref<1024x128xf32, #tpu.memory_space<vmem_shared>>, %arg8: memref<32x768xf32, #tpu.memory_space<vmem>>, %arg9: memref<32x768xf32, #tpu.memory_space<vmem>>, %arg10: memref<32x128xf32, #tpu.memory_space<vmem>>, %arg11: memref<32x128xf32, #tpu.memory_space<vmem>>, %arg12: memref<1x32xi32, #tpu.memory_space<vmem>>, %arg13: memref<1x32xi32, #tpu.memory_space<vmem>>, %arg14: memref<!tpu.dma_semaphore, #tpu.memory_space<semaphore_mem>>, %arg15: memref<!tpu.dma_semaphore, #tpu.memory_space<semaphore_mem>>, %arg16: memref<!tpu.dma_semaphore, #tpu.memory_space<semaphore_mem>>, %arg17: memref<!tpu.dma_semaphore, #tpu.memory_space<semaphore_mem>>) attributes {dimension_semantics = [#tpu.dimension_semantics<core_parallel>, #tpu.dimension_semantics<subcore_parallel>], iteration_bounds = array<i64: 2, 16>, scalar_prefetch = 0 : i64, scratch_operands = 12 : i64, tpu.core_type = #tpu.core_type<sc_vector_subcore>, window_params = [{transform_indices = #map}, {transform_indices = #map1}, {transform_indices = #map2}, {transform_indices = #map2}]} {
    %broadcast_in_dim3A = arith.constant 0.000000e+00 : f32
    %broadcast_in_dim3A_0 = vector.broadcast %broadcast_in_dim3A : f32 to vector<16xf32>
    %scan3A = arith.constant 0 : i32
    %scan3A_1 = arith.constant 0 : i32
    %scan3A_2 = arith.constant 32 : i32
    %scan3A_3 = arith.addi %scan3A_1, %scan3A_2 : i32
    %scan3A_4 = arith.constant 1 : i32
    scf.for %scan3A_956 = %scan3A_1 to %scan3A_3 step %scan3A_4  : i32 {
      %swap3A = arith.index_cast %scan3A_956 : i32 to index
      %swap3A_957 = arith.constant 0 : index
      %swap3A_958 = tpu.vector_load %arg8[%swap3A, %swap3A_957] {strides = array<i32>} : memref<32x768xf32, #tpu.memory_space<vmem>>, vector<1x16xf32>,
      %swap3A_959 = vector.shape_cast %swap3A_958 : vector<1x16xf32> to vector<16xf32>
      %swap3A_960 = vector.shape_cast %broadcast_in_dim3A_0 : vector<16xf32> to vector<1x16xf32>
      tpu.vector_store %arg8[%swap3A, %swap3A_957], %swap3A_960 {strides = array<i32>} : memref<32x768xf32, #tpu.memory_space<vmem>>, vector<1x16xf32>,
      %swap3A_961 = arith.index_cast %scan3A_956 : i32 to index
      %swap3A_962 = arith.constant 16 : index
      %swap3A_963 = tpu.vector_load %arg8[%swap3A_961, %swap3A_962] {strides = array<i32>} : memref<32x768xf32, #tpu.memory_space<vmem>>, vector<1x16xf32>,
      %swap3A_964 = vector.shape_cast %swap3A_963 : vector<1x16xf32> to vector<16xf32>
      %swap3A_965 = vector.shape_cast %broadcast_in_dim3A_0 : vector<16xf32> to vector<1x16xf32>
      tpu.vector_store %arg8[%swap3A_961, %swap3A_962], %swap3A_965 {strides = array<i32>} : memref<32x768xf32, #tpu.memory_space<vmem>>, vector<1x16xf32>,
      %swap3A_966 = arith.index_cast %scan3A_956 : i32 to index
      %swap3A_967 = arith.constant 32 : index
      %swap3A_968 = tpu.vector_load %arg8[%swap3A_966, %swap3A_967] {strides = array<i32>} : memref<32x768xf32, #tpu.memory_space<vmem>>, vector<1x16xf32>,
      %swap3A_969 = vector.shape_cast %swap3A_968 : vector<1x16xf32> to vector<16xf32>
      %swap3A_970 = vector.shape_cast %broadcast_in_dim3A_0 : vector<16xf32> to vector<1x16xf32>
      tpu.vector_store %arg8[%swap3A_966, %swap3A_967], %swap3A_970 {strides = array<i32>} : memref<32x768xf32, #tpu.memory_space<vmem>>, vector<1x16xf32>,
      %swap3A_971 = arith.index_cast %scan3A_956 : i32 to index
      %swap3A_972 = arith.constant 48 : index
      %swap3A_973 = tpu.vector_load %arg8[%swap3A_971, %swap3A_972] {strides = array<i32>} : memref<32x768xf32, #tpu.memory_space<vmem>>, vector<1x16xf32>,
      %swap3A_974 = vector.shape_cast %swap3A_973 : vector<1x16xf32> to vector<16xf32>
      %swap3A_975 = vector.shape_cast %broadcast_in_dim3A_0 : vector<16xf32> to vector<1x16xf32>
      tpu.vector_store %arg8[%swap3A_971, %swap3A_972], %swap3A_975 {strides = array<i32>} : memref<32x768xf32, #tpu.memory_space<vmem>>, vector<1x16xf32>,
      %swap3A_976 = arith.index_cast %scan3A_956 : i32 to index
      %swap3A_977 = arith.constant 64 : index
      %swap3A_978 = tpu.vector_load %arg8[%swap3A_976, %swap3A_977] {strides = array<i32>} : memref<32x768xf32, #tpu.memory_space<vmem>>, vector<1x16xf32>,
      %swap3A_979 = vector.shape_cast %swap3A_978 : vector<1x16xf32> to vector<16xf32>
      %swap3A_980 = vector.shape_cast %broadcast_in_dim3A_0 : vector<16xf32> to vector<1x16xf32>
      tpu.vector_store %arg8[%swap3A_976, %swap3A_977], %swap3A_980 {strides = array<i32>} : memref<32x768xf32, #tpu.memory_space<vmem>>, vector<1x16xf32>,
      %swap3A_981 = arith.index_cast %scan3A_956 : i32 to index
      %swap3A_982 = arith.constant 80 : index
      %swap3A_983 = tpu.vector_load %arg8[%swap3A_981, %swap3A_982] {strides = array<i32>} : memref<32x768xf32, #tpu.memory_space<vmem>>, vector<1x16xf32>,
      %swap3A_984 = vector.shape_cast %swap3A_983 : vector<1x16xf32> to vector<16xf32>
      %swap3A_985 = vector.shape_cast %broadcast_in_dim3A_0 : vector<16xf32> to vector<1x16xf32>
      tpu.vector_store %arg8[%swap3A_981, %swap3A_982], %swap3A_985 {strides = array<i32>} : memref<32x768xf32, #tpu.memory_space<vmem>>, vector<1x16xf32>,
      %swap3A_986 = arith.index_cast %scan3A_956 : i32 to index
      %swap3A_987 = arith.constant 96 : index
      %swap3A_988 = tpu.vector_load %arg8[%swap3A_986, %swap3A_987] {strides = array<i32>} : memref<32x768xf32, #tpu.memory_space<vmem>>, vector<1x16xf32>,
      %swap3A_989 = vector.shape_cast %swap3A_988 : vector<1x16xf32> to vector<16xf32>
      %swap3A_990 = vector.shape_cast %broadcast_in_dim3A_0 : vector<16xf32> to vector<1x16xf32>
      tpu.vector_store %arg8[%swap3A_986, %swap3A_987], %swap3A_990 {strides = array<i32>} : memref<32x768xf32, #tpu.memory_space<vmem>>, vector<1x16xf32>,
      %swap3A_991 = arith.index_cast %scan3A_956 : i32 to index
      %swap3A_992 = arith.constant 112 : index
      %swap3A_993 = tpu.vector_load %arg8[%swap3A_991, %swap3A_992] {strides = array<i32>} : memref<32x768xf32, #tpu.memory_space<vmem>>, vector<1x16xf32>,
      %swap3A_994 = vector.shape_cast %swap3A_993 : vector<1x16xf32> to vector<16xf32>
      %swap3A_995 = vector.shape_cast %broadcast_in_dim3A_0 : vector<16xf32> to vector<1x16xf32>
      tpu.vector_store %arg8[%swap3A_991, %swap3A_992], %swap3A_995 {strides = array<i32>} : memref<32x768xf32, #tpu.memory_space<vmem>>, vector<1x16xf32>,
      %swap3A_996 = arith.index_cast %scan3A_956 : i32 to index
      %swap3A_997 = arith.constant 128 : index
      %swap3A_998 = tpu.vector_load %arg8[%swap3A_996, %swap3A_997] {strides = array<i32>} : memref<32x768xf32, #tpu.memory_space<vmem>>, vector<1x16xf32>,
      %swap3A_999 = vector.shape_cast %swap3A_998 : vector<1x16xf32> to vector<16xf32>
      %swap3A_1000 = vector.shape_cast %broadcast_in_dim3A_0 : vector<16xf32> to vector<1x16xf32>
      tpu.vector_store %arg8[%swap3A_996, %swap3A_997], %swap3A_1000 {strides = array<i32>} : memref<32x768xf32, #tpu.memory_space<vmem>>, vector<1x16xf32>,
      %swap3A_1001 = arith.index_cast %scan3A_956 : i32 to index
      %swap3A_1002 = arith.constant 144 : index
      %swap3A_1003 = tpu.vector_load %arg8[%swap3A_1001, %swap3A_1002] {strides = array<i32>} : memref<32x768xf32, #tpu.memory_space<vmem>>, vector<1x16xf32>,
      %swap3A_1004 = vector.shape_cast %swap3A_1003 : vector<1x16xf32> to vector<16xf32>
      %swap3A_1005 = vector.shape_cast %broadcast_in_dim3A_0 : vector<16xf32> to vector<1x16xf32>
      tpu.vector_store %arg8[%swap3A_1001, %swap3A_1002], %swap3A_1005 {strides = array<i32>} : memref<32x768xf32, #tpu.memory_space<vmem>>, vector<1x16xf32>,
      %swap3A_1006 = arith.index_cast %scan3A_956 : i32 to index
      %swap3A_1007 = arith.constant 160 : index
      %swap3A_1008 = tpu.vector_load %arg8[%swap3A_1006, %swap3A_1007] {strides = array<i32>} : memref<32x768xf32, #tpu.memory_space<vmem>>, vector<1x16xf32>,
      %swap3A_1009 = vector.shape_cast %swap3A_1008 : vector<1x16xf32> to vector<16xf32>
      %swap3A_1010 = vector.shape_cast %broadcast_in_dim3A_0 : vector<16xf32> to vector<1x16xf32>
      tpu.vector_store %arg8[%swap3A_1006, %swap3A_1007], %swap3A_1010 {strides = array<i32>} : memref<32x768xf32, #tpu.memory_space<vmem>>, vector<1x16xf32>,
      %swap3A_1011 = arith.index_cast %scan3A_956 : i32 to index
      %swap3A_1012 = arith.constant 176 : index
      %swap3A_1013 = tpu.vector_load %arg8[%swap3A_1011, %swap3A_1012] {strides = array<i32>} : memref<32x768xf32, #tpu.memory_space<vmem>>, vector<1x16xf32>,
      %swap3A_1014 = vector.shape_cast %swap3A_1013 : vector<1x16xf32> to vector<16xf32>
      %swap3A_1015 = vector.shape_cast %broadcast_in_dim3A_0 : vector<16xf32> to vector<1x16xf32>
      tpu.vector_store %arg8[%swap3A_1011, %swap3A_1012], %swap3A_1015 {strides = array<i32>} : memref<32x768xf32, #tpu.memory_space<vmem>>, vector<1x16xf32>,
      %swap3A_1016 = arith.index_cast %scan3A_956 : i32 to index
      %swap3A_1017 = arith.constant 192 : index
      %swap3A_1018 = tpu.vector_load %arg8[%swap3A_1016, %swap3A_1017] {strides = array<i32>} : memref<32x768xf32, #tpu.memory_space<vmem>>, vector<1x16xf32>,
      %swap3A_1019 = vector.shape_cast %swap3A_1018 : vector<1x16xf32> to vector<16xf32>
      %swap3A_1020 = vector.shape_cast %broadcast_in_dim3A_0 : vector<16xf32> to vector<1x16xf32>
      tpu.vector_store %arg8[%swap3A_1016, %swap3A_1017], %swap3A_1020 {strides = array<i32>} : memref<32x768xf32, #tpu.memory_space<vmem>>, vector<1x16xf32>,
      %swap3A_1021 = arith.index_cast %scan3A_956 : i32 to index
      %swap3A_1022 = arith.constant 208 : index
      %swap3A_1023 = tpu.vector_load %arg8[%swap3A_1021, %swap3A_1022] {strides = array<i32>} : memref<32x768xf32, #tpu.memory_space<vmem>>, vector<1x16xf32>,
      %swap3A_1024 = vector.shape_cast %swap3A_1023 : vector<1x16xf32> to vector<16xf32>
      %swap3A_1025 = vector.shape_cast %broadcast_in_dim3A_0 : vector<16xf32> to vector<1x16xf32>
      tpu.vector_store %arg8[%swap3A_1021, %swap3A_1022], %swap3A_1025 {strides = array<i32>} : memref<32x768xf32, #tpu.memory_space<vmem>>, vector<1x16xf32>,
      %swap3A_1026 = arith.index_cast %scan3A_956 : i32 to index
      %swap3A_1027 = arith.constant 224 : index
      %swap3A_1028 = tpu.vector_load %arg8[%swap3A_1026, %swap3A_1027] {strides = array<i32>} : memref<32x768xf32, #tpu.memory_space<vmem>>, vector<1x16xf32>,
      %swap3A_1029 = vector.shape_cast %swap3A_1028 : vector<1x16xf32> to vector<16xf32>
      %swap3A_1030 = vector.shape_cast %broadcast_in_dim3A_0 : vector<16xf32> to vector<1x16xf32>
      tpu.vector_store %arg8[%swap3A_1026, %swap3A_1027], %swap3A_1030 {strides = array<i32>} : memref<32x768xf32, #tpu.memory_space<vmem>>, vector<1x16xf32>,
      %swap3A_1031 = arith.index_cast %scan3A_956 : i32 to index
      %swap3A_1032 = arith.constant 240 : index
      %swap3A_1033 = tpu.vector_load %arg8[%swap3A_1031, %swap3A_1032] {strides = array<i32>} : memref<32x768xf32, #tpu.memory_space<vmem>>, vector<1x16xf32>,
      %swap3A_1034 = vector.shape_cast %swap3A_1033 : vector<1x16xf32> to vector<16xf32>
      %swap3A_1035 = vector.shape_cast %broadcast_in_dim3A_0 : vector<16xf32> to vector<1x16xf32>
      tpu.vector_store %arg8[%swap3A_1031, %swap3A_1032], %swap3A_1035 {strides = array<i32>} : memref<32x768xf32, #tpu.memory_space<vmem>>, vector<1x16xf32>,
      %swap3A_1036 = arith.index_cast %scan3A_956 : i32 to index
      %swap3A_1037 = arith.constant 256 : index
      %swap3A_1038 = tpu.vector_load %arg8[%swap3A_1036, %swap3A_1037] {strides = array<i32>} : memref<32x768xf32, #tpu.memory_space<vmem>>, vector<1x16xf32>,
      %swap3A_1039 = vector.shape_cast %swap3A_1038 : vector<1x16xf32> to vector<16xf32>
      %swap3A_1040 = vector.shape_cast %broadcast_in_dim3A_0 : vector<16xf32> to vector<1x16xf32>
      tpu.vector_store %arg8[%swap3A_1036, %swap3A_1037], %swap3A_1040 {strides = array<i32>} : memref<32x768xf32, #tpu.memory_space<vmem>>, vector<1x16xf32>,
      %swap3A_1041 = arith.index_cast %scan3A_956 : i32 to index
      %swap3A_1042 = arith.constant 272 : index
      %swap3A_1043 = tpu.vector_load %arg8[%swap3A_1041, %swap3A_1042] {strides = array<i32>} : memref<32x768xf32, #tpu.memory_space<vmem>>, vector<1x16xf32>,
      %swap3A_1044 = vector.shape_cast %swap3A_1043 : vector<1x16xf32> to vector<16xf32>
      %swap3A_1045 = vector.shape_cast %broadcast_in_dim3A_0 : vector<16xf32> to vector<1x16xf32>
      tpu.vector_store %arg8[%swap3A_1041, %swap3A_1042], %swap3A_1045 {strides = array<i32>} : memref<32x768xf32, #tpu.memory_space<vmem>>, vector<1x16xf32>,
      %swap3A_1046 = arith.index_cast %scan3A_956 : i32 to index
      %swap3A_1047 = arith.constant 288 : index
      %swap3A_1048 = tpu.vector_load %arg8[%swap3A_1046, %swap3A_1047] {strides = array<i32>} : memref<32x768xf32, #tpu.memory_space<vmem>>, vector<1x16xf32>,
      %swap3A_1049 = vector.shape_cast %swap3A_1048 : vector<1x16xf32> to vector<16xf32>
      %swap3A_1050 = vector.shape_cast %broadcast_in_dim3A_0 : vector<16xf32> to vector<1x16xf32>
      tpu.vector_store %arg8[%swap3A_1046, %swap3A_1047], %swap3A_1050 {strides = array<i32>} : memref<32x768xf32, #tpu.memory_space<vmem>>, vector<1x16xf32>,
      %swap3A_1051 = arith.index_cast %scan3A_956 : i32 to index
      %swap3A_1052 = arith.constant 304 : index
      %swap3A_1053 = tpu.vector_load %arg8[%swap3A_1051, %swap3A_1052] {strides = array<i32>} : memref<32x768xf32, #tpu.memory_space<vmem>>, vector<1x16xf32>,
      %swap3A_1054 = vector.shape_cast %swap3A_1053 : vector<1x16xf32> to vector<16xf32>
      %swap3A_1055 = vector.shape_cast %broadcast_in_dim3A_0 : vector<16xf32> to vector<1x16xf32>
      tpu.vector_store %arg8[%swap3A_1051, %swap3A_1052], %swap3A_1055 {strides = array<i32>} : memref<32x768xf32, #tpu.memory_space<vmem>>, vector<1x16xf32>,
      %swap3A_1056 = arith.index_cast %scan3A_956 : i32 to index
      %swap3A_1057 = arith.constant 320 : index
      %swap3A_1058 = tpu.vector_load %arg8[%swap3A_1056, %swap3A_1057] {strides = array<i32>} : memref<32x768xf32, #tpu.memory_space<vmem>>, vector<1x16xf32>,
      %swap3A_1059 = vector.shape_cast %swap3A_1058 : vector<1x16xf32> to vector<16xf32>
      %swap3A_1060 = vector.shape_cast %broadcast_in_dim3A_0 : vector<16xf32> to vector<1x16xf32>
      tpu.vector_store %arg8[%swap3A_1056, %swap3A_1057], %swap3A_1060 {strides = array<i32>} : memref<32x768xf32, #tpu.memory_space<vmem>>, vector<1x16xf32>,
      %swap3A_1061 = arith.index_cast %scan3A_956 : i32 to index
      %swap3A_1062 = arith.constant 336 : index
      %swap3A_1063 = tpu.vector_load %arg8[%swap3A_1061, %swap3A_1062] {strides = array<i32>} : memref<32x768xf32, #tpu.memory_space<vmem>>, vector<1x16xf32>,
      %swap3A_1064 = vector.shape_cast %swap3A_1063 : vector<1x16xf32> to vector<16xf32>
      %swap3A_1065 = vector.shape_cast %broadcast_in_dim3A_0 : vector<16xf32> to vector<1x16xf32>
      tpu.vector_store %arg8[%swap3A_1061, %swap3A_1062], %swap3A_1065 {strides = array<i32>} : memref<32x768xf32, #tpu.memory_space<vmem>>, vector<1x16xf32>,
      %swap3A_1066 = arith.index_cast %scan3A_956 : i32 to index
      %swap3A_1067 = arith.constant 352 : index
      %swap3A_1068 = tpu.vector_load %arg8[%swap3A_1066, %swap3A_1067] {strides = array<i32>} : memref<32x768xf32, #tpu.memory_space<vmem>>, vector<1x16xf32>,
      %swap3A_1069 = vector.shape_cast %swap3A_1068 : vector<1x16xf32> to vector<16xf32>
      %swap3A_1070 = vector.shape_cast %broadcast_in_dim3A_0 : vector<16xf32> to vector<1x16xf32>
      tpu.vector_store %arg8[%swap3A_1066, %swap3A_1067], %swap3A_1070 {strides = array<i32>} : memref<32x768xf32, #tpu.memory_space<vmem>>, vector<1x16xf32>,
      %swap3A_1071 = arith.index_cast %scan3A_956 : i32 to index
      %swap3A_1072 = arith.constant 368 : index
      %swap3A_1073 = tpu.vector_load %arg8[%swap3A_1071, %swap3A_1072] {strides = array<i32>} : memref<32x768xf32, #tpu.memory_space<vmem>>, vector<1x16xf32>,
      %swap3A_1074 = vector.shape_cast %swap3A_1073 : vector<1x16xf32> to vector<16xf32>
      %swap3A_1075 = vector.shape_cast %broadcast_in_dim3A_0 : vector<16xf32> to vector<1x16xf32>
      tpu.vector_store %arg8[%swap3A_1071, %swap3A_1072], %swap3A_1075 {strides = array<i32>} : memref<32x768xf32, #tpu.memory_space<vmem>>, vector<1x16xf32>,
      %swap3A_1076 = arith.index_cast %scan3A_956 : i32 to index
      %swap3A_1077 = arith.constant 384 : index
      %swap3A_1078 = tpu.vector_load %arg8[%swap3A_1076, %swap3A_1077] {strides = array<i32>} : memref<32x768xf32, #tpu.memory_space<vmem>>, vector<1x16xf32>,
      %swap3A_1079 = vector.shape_cast %swap3A_1078 : vector<1x16xf32> to vector<16xf32>
      %swap3A_1080 = vector.shape_cast %broadcast_in_dim3A_0 : vector<16xf32> to vector<1x16xf32>
      tpu.vector_store %arg8[%swap3A_1076, %swap3A_1077], %swap3A_1080 {strides = array<i32>} : memref<32x768xf32, #tpu.memory_space<vmem>>, vector<1x16xf32>,
      %swap3A_1081 = arith.index_cast %scan3A_956 : i32 to index
      %swap3A_1082 = arith.constant 400 : index
      %swap3A_1083 = tpu.vector_load %arg8[%swap3A_1081, %swap3A_1082] {strides = array<i32>} : memref<32x768xf32, #tpu.memory_space<vmem>>, vector<1x16xf32>,
      %swap3A_1084 = vector.shape_cast %swap3A_1083 : vector<1x16xf32> to vector<16xf32>
      %swap3A_1085 = vector.shape_cast %broadcast_in_dim3A_0 : vector<16xf32> to vector<1x16xf32>
      tpu.vector_store %arg8[%swap3A_1081, %swap3A_1082], %swap3A_1085 {strides = array<i32>} : memref<32x768xf32, #tpu.memory_space<vmem>>, vector<1x16xf32>,
      %swap3A_1086 = arith.index_cast %scan3A_956 : i32 to index
      %swap3A_1087 = arith.constant 416 : index
      %swap3A_1088 = tpu.vector_load %arg8[%swap3A_1086, %swap3A_1087] {strides = array<i32>} : memref<32x768xf32, #tpu.memory_space<vmem>>, vector<1x16xf32>,
      %swap3A_1089 = vector.shape_cast %swap3A_1088 : vector<1x16xf32> to vector<16xf32>
      %swap3A_1090 = vector.shape_cast %broadcast_in_dim3A_0 : vector<16xf32> to vector<1x16xf32>
      tpu.vector_store %arg8[%swap3A_1086, %swap3A_1087], %swap3A_1090 {strides = array<i32>} : memref<32x768xf32, #tpu.memory_space<vmem>>, vector<1x16xf32>,
      %swap3A_1091 = arith.index_cast %scan3A_956 : i32 to index
      %swap3A_1092 = arith.constant 432 : index
      %swap3A_1093 = tpu.vector_load %arg8[%swap3A_1091, %swap3A_1092] {strides = array<i32>} : memref<32x768xf32, #tpu.memory_space<vmem>>, vector<1x16xf32>,
      %swap3A_1094 = vector.shape_cast %swap3A_1093 : vector<1x16xf32> to vector<16xf32>
      %swap3A_1095 = vector.shape_cast %broadcast_in_dim3A_0 : vector<16xf32> to vector<1x16xf32>
      tpu.vector_store %arg8[%swap3A_1091, %swap3A_1092], %swap3A_1095 {strides = array<i32>} : memref<32x768xf32, #tpu.memory_space<vmem>>, vector<1x16xf32>,
      %swap3A_1096 = arith.index_cast %scan3A_956 : i32 to index
      %swap3A_1097 = arith.constant 448 : index
      %swap3A_1098 = tpu.vector_load %arg8[%swap3A_1096, %swap3A_1097] {strides = array<i32>} : memref<32x768xf32, #tpu.memory_space<vmem>>, vector<1x16xf32>,
      %swap3A_1099 = vector.shape_cast %swap3A_1098 : vector<1x16xf32> to vector<16xf32>
      %swap3A_1100 = vector.shape_cast %broadcast_in_dim3A_0 : vector<16xf32> to vector<1x16xf32>
      tpu.vector_store %arg8[%swap3A_1096, %swap3A_1097], %swap3A_1100 {strides = array<i32>} : memref<32x768xf32, #tpu.memory_space<vmem>>, vector<1x16xf32>,
      %swap3A_1101 = arith.index_cast %scan3A_956 : i32 to index
      %swap3A_1102 = arith.constant 464 : index
      %swap3A_1103 = tpu.vector_load %arg8[%swap3A_1101, %swap3A_1102] {strides = array<i32>} : memref<32x768xf32, #tpu.memory_space<vmem>>, vector<1x16xf32>,
      %swap3A_1104 = vector.shape_cast %swap3A_1103 : vector<1x16xf32> to vector<16xf32>
      %swap3A_1105 = vector.shape_cast %broadcast_in_dim3A_0 : vector<16xf32> to vector<1x16xf32>
      tpu.vector_store %arg8[%swap3A_1101, %swap3A_1102], %swap3A_1105 {strides = array<i32>} : memref<32x768xf32, #tpu.memory_space<vmem>>, vector<1x16xf32>,
      %swap3A_1106 = arith.index_cast %scan3A_956 : i32 to index
      %swap3A_1107 = arith.constant 480 : index
      %swap3A_1108 = tpu.vector_load %arg8[%swap3A_1106, %swap3A_1107] {strides = array<i32>} : memref<32x768xf32, #tpu.memory_space<vmem>>, vector<1x16xf32>,
      %swap3A_1109 = vector.shape_cast %swap3A_1108 : vector<1x16xf32> to vector<16xf32>
      %swap3A_1110 = vector.shape_cast %broadcast_in_dim3A_0 : vector<16xf32> to vector<1x16xf32>
      tpu.vector_store %arg8[%swap3A_1106, %swap3A_1107], %swap3A_1110 {strides = array<i32>} : memref<32x768xf32, #tpu.memory_space<vmem>>, vector<1x16xf32>,
      %swap3A_1111 = arith.index_cast %scan3A_956 : i32 to index
      %swap3A_1112 = arith.constant 496 : index
      %swap3A_1113 = tpu.vector_load %arg8[%swap3A_1111, %swap3A_1112] {strides = array<i32>} : memref<32x768xf32, #tpu.memory_space<vmem>>, vector<1x16xf32>,
      %swap3A_1114 = vector.shape_cast %swap3A_1113 : vector<1x16xf32> to vector<16xf32>
      %swap3A_1115 = vector.shape_cast %broadcast_in_dim3A_0 : vector<16xf32> to vector<1x16xf32>
      tpu.vector_store %arg8[%swap3A_1111, %swap3A_1112], %swap3A_1115 {strides = array<i32>} : memref<32x768xf32, #tpu.memory_space<vmem>>, vector<1x16xf32>,
      %swap3A_1116 = arith.index_cast %scan3A_956 : i32 to index
      %swap3A_1117 = arith.constant 512 : index
      %swap3A_1118 = tpu.vector_load %arg8[%swap3A_1116, %swap3A_1117] {strides = array<i32>} : memref<32x768xf32, #tpu.memory_space<vmem>>, vector<1x16xf32>,
      %swap3A_1119 = vector.shape_cast %swap3A_1118 : vector<1x16xf32> to vector<16xf32>
      %swap3A_1120 = vector.shape_cast %broadcast_in_dim3A_0 : vector<16xf32> to vector<1x16xf32>
      tpu.vector_store %arg8[%swap3A_1116, %swap3A_1117], %swap3A_1120 {strides = array<i32>} : memref<32x768xf32, #tpu.memory_space<vmem>>, vector<1x16xf32>,
      %swap3A_1121 = arith.index_cast %scan3A_956 : i32 to index
      %swap3A_1122 = arith.constant 528 : index
      %swap3A_1123 = tpu.vector_load %arg8[%swap3A_1121, %swap3A_1122] {strides = array<i32>} : memref<32x768xf32, #tpu.memory_space<vmem>>, vector<1x16xf32>,
      %swap3A_1124 = vector.shape_cast %swap3A_1123 : vector<1x16xf32> to vector<16xf32>
      %swap3A_1125 = vector.shape_cast %broadcast_in_dim3A_0 : vector<16xf32> to vector<1x16xf32>
      tpu.vector_store %arg8[%swap3A_1121, %swap3A_1122], %swap3A_1125 {strides = array<i32>} : memref<32x768xf32, #tpu.memory_space<vmem>>, vector<1x16xf32>,
      %swap3A_1126 = arith.index_cast %scan3A_956 : i32 to index
      %swap3A_1127 = arith.constant 544 : index
      %swap3A_1128 = tpu.vector_load %arg8[%swap3A_1126, %swap3A_1127] {strides = array<i32>} : memref<32x768xf32, #tpu.memory_space<vmem>>, vector<1x16xf32>,
      %swap3A_1129 = vector.shape_cast %swap3A_1128 : vector<1x16xf32> to vector<16xf32>
      %swap3A_1130 = vector.shape_cast %broadcast_in_dim3A_0 : vector<16xf32> to vector<1x16xf32>
      tpu.vector_store %arg8[%swap3A_1126, %swap3A_1127], %swap3A_1130 {strides = array<i32>} : memref<32x768xf32, #tpu.memory_space<vmem>>, vector<1x16xf32>,
      %swap3A_1131 = arith.index_cast %scan3A_956 : i32 to index
      %swap3A_1132 = arith.constant 560 : index
      %swap3A_1133 = tpu.vector_load %arg8[%swap3A_1131, %swap3A_1132] {strides = array<i32>} : memref<32x768xf32, #tpu.memory_space<vmem>>, vector<1x16xf32>,
      %swap3A_1134 = vector.shape_cast %swap3A_1133 : vector<1x16xf32> to vector<16xf32>
      %swap3A_1135 = vector.shape_cast %broadcast_in_dim3A_0 : vector<16xf32> to vector<1x16xf32>
      tpu.vector_store %arg8[%swap3A_1131, %swap3A_1132], %swap3A_1135 {strides = array<i32>} : memref<32x768xf32, #tpu.memory_space<vmem>>, vector<1x16xf32>,
      %swap3A_1136 = arith.index_cast %scan3A_956 : i32 to index
      %swap3A_1137 = arith.constant 576 : index
      %swap3A_1138 = tpu.vector_load %arg8[%swap3A_1136, %swap3A_1137] {strides = array<i32>} : memref<32x768xf32, #tpu.memory_space<vmem>>, vector<1x16xf32>,
      %swap3A_1139 = vector.shape_cast %swap3A_1138 : vector<1x16xf32> to vector<16xf32>
      %swap3A_1140 = vector.shape_cast %broadcast_in_dim3A_0 : vector<16xf32> to vector<1x16xf32>
      tpu.vector_store %arg8[%swap3A_1136, %swap3A_1137], %swap3A_1140 {strides = array<i32>} : memref<32x768xf32, #tpu.memory_space<vmem>>, vector<1x16xf32>,
      %swap3A_1141 = arith.index_cast %scan3A_956 : i32 to index
      %swap3A_1142 = arith.constant 592 : index
      %swap3A_1143 = tpu.vector_load %arg8[%swap3A_1141, %swap3A_1142] {strides = array<i32>} : memref<32x768xf32, #tpu.memory_space<vmem>>, vector<1x16xf32>,
      %swap3A_1144 = vector.shape_cast %swap3A_1143 : vector<1x16xf32> to vector<16xf32>
      %swap3A_1145 = vector.shape_cast %broadcast_in_dim3A_0 : vector<16xf32> to vector<1x16xf32>
      tpu.vector_store %arg8[%swap3A_1141, %swap3A_1142], %swap3A_1145 {strides = array<i32>} : memref<32x768xf32, #tpu.memory_space<vmem>>, vector<1x16xf32>,
      %swap3A_1146 = arith.index_cast %scan3A_956 : i32 to index
      %swap3A_1147 = arith.constant 608 : index
      %swap3A_1148 = tpu.vector_load %arg8[%swap3A_1146, %swap3A_1147] {strides = array<i32>} : memref<32x768xf32, #tpu.memory_space<vmem>>, vector<1x16xf32>,
      %swap3A_1149 = vector.shape_cast %swap3A_1148 : vector<1x16xf32> to vector<16xf32>
      %swap3A_1150 = vector.shape_cast %broadcast_in_dim3A_0 : vector<16xf32> to vector<1x16xf32>
      tpu.vector_store %arg8[%swap3A_1146, %swap3A_1147], %swap3A_1150 {strides = array<i32>} : memref<32x768xf32, #tpu.memory_space<vmem>>, vector<1x16xf32>,
      %swap3A_1151 = arith.index_cast %scan3A_956 : i32 to index
      %swap3A_1152 = arith.constant 624 : index
      %swap3A_1153 = tpu.vector_load %arg8[%swap3A_1151, %swap3A_1152] {strides = array<i32>} : memref<32x768xf32, #tpu.memory_space<vmem>>, vector<1x16xf32>,
      %swap3A_1154 = vector.shape_cast %swap3A_1153 : vector<1x16xf32> to vector<16xf32>
      %swap3A_1155 = vector.shape_cast %broadcast_in_dim3A_0 : vector<16xf32> to vector<1x16xf32>
      tpu.vector_store %arg8[%swap3A_1151, %swap3A_1152], %swap3A_1155 {strides = array<i32>} : memref<32x768xf32, #tpu.memory_space<vmem>>, vector<1x16xf32>,
      %swap3A_1156 = arith.index_cast %scan3A_956 : i32 to index
      %swap3A_1157 = arith.constant 640 : index
      %swap3A_1158 = tpu.vector_load %arg8[%swap3A_1156, %swap3A_1157] {strides = array<i32>} : memref<32x768xf32, #tpu.memory_space<vmem>>, vector<1x16xf32>,
      %swap3A_1159 = vector.shape_cast %swap3A_1158 : vector<1x16xf32> to vector<16xf32>
      %swap3A_1160 = vector.shape_cast %broadcast_in_dim3A_0 : vector<16xf32> to vector<1x16xf32>
      tpu.vector_store %arg8[%swap3A_1156, %swap3A_1157], %swap3A_1160 {strides = array<i32>} : memref<32x768xf32, #tpu.memory_space<vmem>>, vector<1x16xf32>,
      %swap3A_1161 = arith.index_cast %scan3A_956 : i32 to index
      %swap3A_1162 = arith.constant 656 : index
      %swap3A_1163 = tpu.vector_load %arg8[%swap3A_1161, %swap3A_1162] {strides = array<i32>} : memref<32x768xf32, #tpu.memory_space<vmem>>, vector<1x16xf32>,
      %swap3A_1164 = vector.shape_cast %swap3A_1163 : vector<1x16xf32> to vector<16xf32>
      %swap3A_1165 = vector.shape_cast %broadcast_in_dim3A_0 : vector<16xf32> to vector<1x16xf32>
      tpu.vector_store %arg8[%swap3A_1161, %swap3A_1162], %swap3A_1165 {strides = array<i32>} : memref<32x768xf32, #tpu.memory_space<vmem>>, vector<1x16xf32>,
      %swap3A_1166 = arith.index_cast %scan3A_956 : i32 to index
      %swap3A_1167 = arith.constant 672 : index
      %swap3A_1168 = tpu.vector_load %arg8[%swap3A_1166, %swap3A_1167] {strides = array<i32>} : memref<32x768xf32, #tpu.memory_space<vmem>>, vector<1x16xf32>,
      %swap3A_1169 = vector.shape_cast %swap3A_1168 : vector<1x16xf32> to vector<16xf32>
      %swap3A_1170 = vector.shape_cast %broadcast_in_dim3A_0 : vector<16xf32> to vector<1x16xf32>
      tpu.vector_store %arg8[%swap3A_1166, %swap3A_1167], %swap3A_1170 {strides = array<i32>} : memref<32x768xf32, #tpu.memory_space<vmem>>, vector<1x16xf32>,
      %swap3A_1171 = arith.index_cast %scan3A_956 : i32 to index
      %swap3A_1172 = arith.constant 688 : index
      %swap3A_1173 = tpu.vector_load %arg8[%swap3A_1171, %swap3A_1172] {strides = array<i32>} : memref<32x768xf32, #tpu.memory_space<vmem>>, vector<1x16xf32>,
      %swap3A_1174 = vector.shape_cast %swap3A_1173 : vector<1x16xf32> to vector<16xf32>
      %swap3A_1175 = vector.shape_cast %broadcast_in_dim3A_0 : vector<16xf32> to vector<1x16xf32>
      tpu.vector_store %arg8[%swap3A_1171, %swap3A_1172], %swap3A_1175 {strides = array<i32>} : memref<32x768xf32, #tpu.memory_space<vmem>>, vector<1x16xf32>,
      %swap3A_1176 = arith.index_cast %scan3A_956 : i32 to index
      %swap3A_1177 = arith.constant 704 : index
      %swap3A_1178 = tpu.vector_load %arg8[%swap3A_1176, %swap3A_1177] {strides = array<i32>} : memref<32x768xf32, #tpu.memory_space<vmem>>, vector<1x16xf32>,
      %swap3A_1179 = vector.shape_cast %swap3A_1178 : vector<1x16xf32> to vector<16xf32>
      %swap3A_1180 = vector.shape_cast %broadcast_in_dim3A_0 : vector<16xf32> to vector<1x16xf32>
      tpu.vector_store %arg8[%swap3A_1176, %swap3A_1177], %swap3A_1180 {strides = array<i32>} : memref<32x768xf32, #tpu.memory_space<vmem>>, vector<1x16xf32>,
      %swap3A_1181 = arith.index_cast %scan3A_956 : i32 to index
      %swap3A_1182 = arith.constant 720 : index
      %swap3A_1183 = tpu.vector_load %arg8[%swap3A_1181, %swap3A_1182] {strides = array<i32>} : memref<32x768xf32, #tpu.memory_space<vmem>>, vector<1x16xf32>,
      %swap3A_1184 = vector.shape_cast %swap3A_1183 : vector<1x16xf32> to vector<16xf32>
      %swap3A_1185 = vector.shape_cast %broadcast_in_dim3A_0 : vector<16xf32> to vector<1x16xf32>
      tpu.vector_store %arg8[%swap3A_1181, %swap3A_1182], %swap3A_1185 {strides = array<i32>} : memref<32x768xf32, #tpu.memory_space<vmem>>, vector<1x16xf32>,
      %swap3A_1186 = arith.index_cast %scan3A_956 : i32 to index
      %swap3A_1187 = arith.constant 736 : index
      %swap3A_1188 = tpu.vector_load %arg8[%swap3A_1186, %swap3A_1187] {strides = array<i32>} : memref<32x768xf32, #tpu.memory_space<vmem>>, vector<1x16xf32>,
      %swap3A_1189 = vector.shape_cast %swap3A_1188 : vector<1x16xf32> to vector<16xf32>
      %swap3A_1190 = vector.shape_cast %broadcast_in_dim3A_0 : vector<16xf32> to vector<1x16xf32>
      tpu.vector_store %arg8[%swap3A_1186, %swap3A_1187], %swap3A_1190 {strides = array<i32>} : memref<32x768xf32, #tpu.memory_space<vmem>>, vector<1x16xf32>,
      %swap3A_1191 = arith.index_cast %scan3A_956 : i32 to index
      %swap3A_1192 = arith.constant 752 : index
      %swap3A_1193 = tpu.vector_load %arg8[%swap3A_1191, %swap3A_1192] {strides = array<i32>} : memref<32x768xf32, #tpu.memory_space<vmem>>, vector<1x16xf32>,
      %swap3A_1194 = vector.shape_cast %swap3A_1193 : vector<1x16xf32> to vector<16xf32>
      %swap3A_1195 = vector.shape_cast %broadcast_in_dim3A_0 : vector<16xf32> to vector<1x16xf32>
      tpu.vector_store %arg8[%swap3A_1191, %swap3A_1192], %swap3A_1195 {strides = array<i32>} : memref<32x768xf32, #tpu.memory_space<vmem>>, vector<1x16xf32>,
      %swap3A_1196 = arith.index_cast %scan3A_956 : i32 to index
      %swap3A_1197 = arith.constant 0 : index
      %swap3A_1198 = tpu.vector_load %arg10[%swap3A_1196, %swap3A_1197] {strides = array<i32>} : memref<32x128xf32, #tpu.memory_space<vmem>>, vector<1x16xf32>,
      %swap3A_1199 = vector.shape_cast %swap3A_1198 : vector<1x16xf32> to vector<16xf32>
      %swap3A_1200 = vector.shape_cast %broadcast_in_dim3A_0 : vector<16xf32> to vector<1x16xf32>
      tpu.vector_store %arg10[%swap3A_1196, %swap3A_1197], %swap3A_1200 {strides = array<i32>} : memref<32x128xf32, #tpu.memory_space<vmem>>, vector<1x16xf32>,
      %swap3A_1201 = arith.index_cast %scan3A_956 : i32 to index
      %swap3A_1202 = arith.constant 16 : index
      %swap3A_1203 = tpu.vector_load %arg10[%swap3A_1201, %swap3A_1202] {strides = array<i32>} : memref<32x128xf32, #tpu.memory_space<vmem>>, vector<1x16xf32>,
      %swap3A_1204 = vector.shape_cast %swap3A_1203 : vector<1x16xf32> to vector<16xf32>
      %swap3A_1205 = vector.shape_cast %broadcast_in_dim3A_0 : vector<16xf32> to vector<1x16xf32>
      tpu.vector_store %arg10[%swap3A_1201, %swap3A_1202], %swap3A_1205 {strides = array<i32>} : memref<32x128xf32, #tpu.memory_space<vmem>>, vector<1x16xf32>,
      %swap3A_1206 = arith.index_cast %scan3A_956 : i32 to index
      %swap3A_1207 = arith.constant 32 : index
      %swap3A_1208 = tpu.vector_load %arg10[%swap3A_1206, %swap3A_1207] {strides = array<i32>} : memref<32x128xf32, #tpu.memory_space<vmem>>, vector<1x16xf32>,
      %swap3A_1209 = vector.shape_cast %swap3A_1208 : vector<1x16xf32> to vector<16xf32>
      %swap3A_1210 = vector.shape_cast %broadcast_in_dim3A_0 : vector<16xf32> to vector<1x16xf32>
      tpu.vector_store %arg10[%swap3A_1206, %swap3A_1207], %swap3A_1210 {strides = array<i32>} : memref<32x128xf32, #tpu.memory_space<vmem>>, vector<1x16xf32>,
      %swap3A_1211 = arith.index_cast %scan3A_956 : i32 to index
      %swap3A_1212 = arith.constant 48 : index
      %swap3A_1213 = tpu.vector_load %arg10[%swap3A_1211, %swap3A_1212] {strides = array<i32>} : memref<32x128xf32, #tpu.memory_space<vmem>>, vector<1x16xf32>,
      %swap3A_1214 = vector.shape_cast %swap3A_1213 : vector<1x16xf32> to vector<16xf32>
      %swap3A_1215 = vector.shape_cast %broadcast_in_dim3A_0 : vector<16xf32> to vector<1x16xf32>
      tpu.vector_store %arg10[%swap3A_1211, %swap3A_1212], %swap3A_1215 {strides = array<i32>} : memref<32x128xf32, #tpu.memory_space<vmem>>, vector<1x16xf32>,
      %swap3A_1216 = arith.index_cast %scan3A_956 : i32 to index
      %swap3A_1217 = arith.constant 64 : index
      %swap3A_1218 = tpu.vector_load %arg10[%swap3A_1216, %swap3A_1217] {strides = array<i32>} : memref<32x128xf32, #tpu.memory_space<vmem>>, vector<1x16xf32>,
      %swap3A_1219 = vector.shape_cast %swap3A_1218 : vector<1x16xf32> to vector<16xf32>
      %swap3A_1220 = vector.shape_cast %broadcast_in_dim3A_0 : vector<16xf32> to vector<1x16xf32>
      tpu.vector_store %arg10[%swap3A_1216, %swap3A_1217], %swap3A_1220 {strides = array<i32>} : memref<32x128xf32, #tpu.memory_space<vmem>>, vector<1x16xf32>,
      %swap3A_1221 = arith.index_cast %scan3A_956 : i32 to index
      %swap3A_1222 = arith.constant 80 : index
      %swap3A_1223 = tpu.vector_load %arg10[%swap3A_1221, %swap3A_1222] {strides = array<i32>} : memref<32x128xf32, #tpu.memory_space<vmem>>, vector<1x16xf32>,
      %swap3A_1224 = vector.shape_cast %swap3A_1223 : vector<1x16xf32> to vector<16xf32>
      %swap3A_1225 = vector.shape_cast %broadcast_in_dim3A_0 : vector<16xf32> to vector<1x16xf32>
      tpu.vector_store %arg10[%swap3A_1221, %swap3A_1222], %swap3A_1225 {strides = array<i32>} : memref<32x128xf32, #tpu.memory_space<vmem>>, vector<1x16xf32>,
      %swap3A_1226 = arith.index_cast %scan3A_956 : i32 to index
      %swap3A_1227 = arith.constant 96 : index
      %swap3A_1228 = tpu.vector_load %arg10[%swap3A_1226, %swap3A_1227] {strides = array<i32>} : memref<32x128xf32, #tpu.memory_space<vmem>>, vector<1x16xf32>,
      %swap3A_1229 = vector.shape_cast %swap3A_1228 : vector<1x16xf32> to vector<16xf32>
      %swap3A_1230 = vector.shape_cast %broadcast_in_dim3A_0 : vector<16xf32> to vector<1x16xf32>
      tpu.vector_store %arg10[%swap3A_1226, %swap3A_1227], %swap3A_1230 {strides = array<i32>} : memref<32x128xf32, #tpu.memory_space<vmem>>, vector<1x16xf32>,
      %swap3A_1231 = arith.index_cast %scan3A_956 : i32 to index
      %swap3A_1232 = arith.constant 112 : index
      %swap3A_1233 = tpu.vector_load %arg10[%swap3A_1231, %swap3A_1232] {strides = array<i32>} : memref<32x128xf32, #tpu.memory_space<vmem>>, vector<1x16xf32>,
      %swap3A_1234 = vector.shape_cast %swap3A_1233 : vector<1x16xf32> to vector<16xf32>
      %swap3A_1235 = vector.shape_cast %broadcast_in_dim3A_0 : vector<16xf32> to vector<1x16xf32>
      tpu.vector_store %arg10[%swap3A_1231, %swap3A_1232], %swap3A_1235 {strides = array<i32>} : memref<32x128xf32, #tpu.memory_space<vmem>>, vector<1x16xf32>,
    }
    %scan3A_5 = arith.constant 32 : i32
    %mul3A = arith.constant 64 : i32
    %mul3A_6 = arith.muli %arg1, %mul3A : i32
    %mul3A_7 = arith.constant 64 : i32
    %mul3A_8 = arith.muli %arg1, %mul3A_7 : i32
    %add3A = arith.constant 0 : i32
    %add3A_9 = arith.addi %mul3A_8, %add3A : i32
    "tpu.region"() ({
      %run_scoped3A = tpu.sem_alloc : memref<!tpu.dma_semaphore, #tpu.memory_space<semaphore_mem>>
      %dma_start3A_956 = arith.constant 0 : i32
      %dma_start3A_957 = tpu.memref_slice %arg6[%add3A_9, %dma_start3A_956] : memref<1024x768xf32, #tpu.memory_space<vmem_shared>> -> memref<32x768xf32, #tpu.memory_space<vmem_shared>>
      %dma_start3A_958 = arith.constant 0 : i32
      %dma_start3A_959 = tpu.memref_slice %arg6[%add3A_9, %dma_start3A_958] : memref<1024x768xf32, #tpu.memory_space<vmem_shared>> -> memref<32x768xf32, #tpu.memory_space<vmem_shared>>
      tpu.enqueue_dma source(%arg8 : memref<32x768xf32, #tpu.memory_space<vmem>>) target(%dma_start3A_959 : memref<32x768xf32, #tpu.memory_space<vmem_shared>>) target_semaphore(%run_scoped3A : memref<!tpu.dma_semaphore, #tpu.memory_space<semaphore_mem>>)
      %dma_wait3A_960 = arith.constant 0 : i32
      %dma_wait3A_961 = tpu.memref_slice %arg6[%add3A_9, %dma_wait3A_960] : memref<1024x768xf32, #tpu.memory_space<vmem_shared>> -> memref<32x768xf32, #tpu.memory_space<vmem_shared>>
      %dma_wait3A_962 = arith.constant 0 : i32
      %dma_wait3A_963 = tpu.memref_slice %arg6[%add3A_9, %dma_wait3A_962] : memref<1024x768xf32, #tpu.memory_space<vmem_shared>> -> memref<32x768xf32, #tpu.memory_space<vmem_shared>>
      tpu.wait_dma2 semaphore(%run_scoped3A : memref<!tpu.dma_semaphore, #tpu.memory_space<semaphore_mem>>) src(%arg8 : memref<32x768xf32, #tpu.memory_space<vmem>>) dst(%dma_wait3A_963 : memref<32x768xf32, #tpu.memory_space<vmem_shared>>)
      tpu.yield
    }) : () -> ()
    "tpu.region"() ({
      %run_scoped3A = tpu.sem_alloc : memref<!tpu.dma_semaphore, #tpu.memory_space<semaphore_mem>>
      %dma_start3A_956 = arith.constant 0 : i32
      %dma_start3A_957 = tpu.memref_slice %arg7[%add3A_9, %dma_start3A_956] : memref<1024x128xf32, #tpu.memory_space<vmem_shared>> -> memref<32x128xf32, #tpu.memory_space<vmem_shared>>
      %dma_start3A_958 = arith.constant 0 : i32
      %dma_start3A_959 = tpu.memref_slice %arg7[%add3A_9, %dma_start3A_958] : memref<1024x128xf32, #tpu.memory_space<vmem_shared>> -> memref<32x128xf32, #tpu.memory_space<vmem_shared>>
      tpu.enqueue_dma source(%arg10 : memref<32x128xf32, #tpu.memory_space<vmem>>) target(%dma_start3A_959 : memref<32x128xf32, #tpu.memory_space<vmem_shared>>) target_semaphore(%run_scoped3A : memref<!tpu.dma_semaphore, #tpu.memory_space<semaphore_mem>>)
      %dma_wait3A_960 = arith.constant 0 : i32
      %dma_wait3A_961 = tpu.memref_slice %arg7[%add3A_9, %dma_wait3A_960] : memref<1024x128xf32, #tpu.memory_space<vmem_shared>> -> memref<32x128xf32, #tpu.memory_space<vmem_shared>>
      %dma_wait3A_962 = arith.constant 0 : i32
      %dma_wait3A_963 = tpu.memref_slice %arg7[%add3A_9, %dma_wait3A_962] : memref<1024x128xf32, #tpu.memory_space<vmem_shared>> -> memref<32x128xf32, #tpu.memory_space<vmem_shared>>
      tpu.wait_dma2 semaphore(%run_scoped3A : memref<!tpu.dma_semaphore, #tpu.memory_space<semaphore_mem>>) src(%arg10 : memref<32x128xf32, #tpu.memory_space<vmem>>) dst(%dma_wait3A_963 : memref<32x128xf32, #tpu.memory_space<vmem_shared>>)
      tpu.yield
    }) : () -> ()
    %mul3A_10 = arith.constant 64 : i32
    %mul3A_11 = arith.muli %arg1, %mul3A_10 : i32
    %add3A_12 = arith.constant 32 : i32
    %add3A_13 = arith.addi %mul3A_11, %add3A_12 : i32
    "tpu.region"() ({
      %run_scoped3A = tpu.sem_alloc : memref<!tpu.dma_semaphore, #tpu.memory_space<semaphore_mem>>
      %dma_start3A_956 = arith.constant 0 : i32
      %dma_start3A_957 = tpu.memref_slice %arg6[%add3A_13, %dma_start3A_956] : memref<1024x768xf32, #tpu.memory_space<vmem_shared>> -> memref<32x768xf32, #tpu.memory_space<vmem_shared>>
      %dma_start3A_958 = arith.constant 0 : i32
      %dma_start3A_959 = tpu.memref_slice %arg6[%add3A_13, %dma_start3A_958] : memref<1024x768xf32, #tpu.memory_space<vmem_shared>> -> memref<32x768xf32, #tpu.memory_space<vmem_shared>>
      tpu.enqueue_dma source(%arg8 : memref<32x768xf32, #tpu.memory_space<vmem>>) target(%dma_start3A_959 : memref<32x768xf32, #tpu.memory_space<vmem_shared>>) target_semaphore(%run_scoped3A : memref<!tpu.dma_semaphore, #tpu.memory_space<semaphore_mem>>)
      %dma_wait3A_960 = arith.constant 0 : i32
      %dma_wait3A_961 = tpu.memref_slice %arg6[%add3A_13, %dma_wait3A_960] : memref<1024x768xf32, #tpu.memory_space<vmem_shared>> -> memref<32x768xf32, #tpu.memory_space<vmem_shared>>
      %dma_wait3A_962 = arith.constant 0 : i32
      %dma_wait3A_963 = tpu.memref_slice %arg6[%add3A_13, %dma_wait3A_962] : memref<1024x768xf32, #tpu.memory_space<vmem_shared>> -> memref<32x768xf32, #tpu.memory_space<vmem_shared>>
      tpu.wait_dma2 semaphore(%run_scoped3A : memref<!tpu.dma_semaphore, #tpu.memory_space<semaphore_mem>>) src(%arg8 : memref<32x768xf32, #tpu.memory_space<vmem>>) dst(%dma_wait3A_963 : memref<32x768xf32, #tpu.memory_space<vmem_shared>>)
      tpu.yield
    }) : () -> ()
    "tpu.region"() ({
      %run_scoped3A = tpu.sem_alloc : memref<!tpu.dma_semaphore, #tpu.memory_space<semaphore_mem>>
      %dma_start3A_956 = arith.constant 0 : i32
      %dma_start3A_957 = tpu.memref_slice %arg7[%add3A_13, %dma_start3A_956] : memref<1024x128xf32, #tpu.memory_space<vmem_shared>> -> memref<32x128xf32, #tpu.memory_space<vmem_shared>>
      %dma_start3A_958 = arith.constant 0 : i32
      %dma_start3A_959 = tpu.memref_slice %arg7[%add3A_13, %dma_start3A_958] : memref<1024x128xf32, #tpu.memory_space<vmem_shared>> -> memref<32x128xf32, #tpu.memory_space<vmem_shared>>
      tpu.enqueue_dma source(%arg10 : memref<32x128xf32, #tpu.memory_space<vmem>>) target(%dma_start3A_959 : memref<32x128xf32, #tpu.memory_space<vmem_shared>>) target_semaphore(%run_scoped3A : memref<!tpu.dma_semaphore, #tpu.memory_space<semaphore_mem>>)
      %dma_wait3A_960 = arith.constant 0 : i32
      %dma_wait3A_961 = tpu.memref_slice %arg7[%add3A_13, %dma_wait3A_960] : memref<1024x128xf32, #tpu.memory_space<vmem_shared>> -> memref<32x128xf32, #tpu.memory_space<vmem_shared>>
      %dma_wait3A_962 = arith.constant 0 : i32
      %dma_wait3A_963 = tpu.memref_slice %arg7[%add3A_13, %dma_wait3A_962] : memref<1024x128xf32, #tpu.memory_space<vmem_shared>> -> memref<32x128xf32, #tpu.memory_space<vmem_shared>>
      tpu.wait_dma2 semaphore(%run_scoped3A : memref<!tpu.dma_semaphore, #tpu.memory_space<semaphore_mem>>) src(%arg10 : memref<32x128xf32, #tpu.memory_space<vmem>>) dst(%dma_wait3A_963 : memref<32x128xf32, #tpu.memory_space<vmem_shared>>)
      tpu.yield
    }) : () -> ()
    %barrier3A = arith.constant 0 : index
    tpu.barrier barrier_id(%barrier3A)
    %iota3A = tpu.iota {dimensions = array<i32: 0>} : vector<16xi32>
    %min3A = arith.constant 1 : i32
    %min3A_14 = vector.broadcast %min3A : i32 to vector<16xi32>
    %min3A_15 = arith.minsi %iota3A, %min3A_14 : vector<16xi32>
    %sub3A = arith.constant 1 : i32
    %sub3A_16 = vector.broadcast %sub3A : i32 to vector<16xi32>
    %sub3A_17 = arith.subi %sub3A_16, %min3A_15 : vector<16xi32>
    %convert_element_type3A = arith.sitofp %sub3A_17 : vector<16xi32> to vector<16xf32>
    %broadcast_in_dim3A_18 = arith.constant 0.000000e+00 : f32
    %broadcast_in_dim3A_19 = vector.broadcast %broadcast_in_dim3A_18 : f32 to vector<16xf32>
    %scan3A_20 = arith.constant 0 : i32
    %scan3A_21 = arith.constant 0 : i32
    %scan3A_22 = arith.constant 32 : i32
    %scan3A_23 = arith.addi %scan3A_21, %scan3A_22 : i32
    %scan3A_24 = arith.constant 1 : i32
    scf.for %scan3A_956 = %scan3A_21 to %scan3A_23 step %scan3A_24  : i32 {
      %swap3A = arith.index_cast %scan3A_956 : i32 to index
      %swap3A_957 = arith.constant 0 : index
      %swap3A_958 = tpu.vector_load %arg10[%swap3A, %swap3A_957] {strides = array<i32>} : memref<32x128xf32, #tpu.memory_space<vmem>>, vector<1x16xf32>,
      %swap3A_959 = vector.shape_cast %swap3A_958 : vector<1x16xf32> to vector<16xf32>
      %swap3A_960 = vector.shape_cast %convert_element_type3A : vector<16xf32> to vector<1x16xf32>
      tpu.vector_store %arg10[%swap3A, %swap3A_957], %swap3A_960 {strides = array<i32>} : memref<32x128xf32, #tpu.memory_space<vmem>>, vector<1x16xf32>,
      %swap3A_961 = arith.index_cast %scan3A_956 : i32 to index
      %swap3A_962 = arith.constant 16 : index
      %swap3A_963 = tpu.vector_load %arg10[%swap3A_961, %swap3A_962] {strides = array<i32>} : memref<32x128xf32, #tpu.memory_space<vmem>>, vector<1x16xf32>,
      %swap3A_964 = vector.shape_cast %swap3A_963 : vector<1x16xf32> to vector<16xf32>
      %swap3A_965 = vector.shape_cast %broadcast_in_dim3A_19 : vector<16xf32> to vector<1x16xf32>
      tpu.vector_store %arg10[%swap3A_961, %swap3A_962], %swap3A_965 {strides = array<i32>} : memref<32x128xf32, #tpu.memory_space<vmem>>, vector<1x16xf32>,
      %swap3A_966 = arith.index_cast %scan3A_956 : i32 to index
      %swap3A_967 = arith.constant 32 : index
      %swap3A_968 = tpu.vector_load %arg10[%swap3A_966, %swap3A_967] {strides = array<i32>} : memref<32x128xf32, #tpu.memory_space<vmem>>, vector<1x16xf32>,
      %swap3A_969 = vector.shape_cast %swap3A_968 : vector<1x16xf32> to vector<16xf32>
      %swap3A_970 = vector.shape_cast %broadcast_in_dim3A_19 : vector<16xf32> to vector<1x16xf32>
      tpu.vector_store %arg10[%swap3A_966, %swap3A_967], %swap3A_970 {strides = array<i32>} : memref<32x128xf32, #tpu.memory_space<vmem>>, vector<1x16xf32>,
      %swap3A_971 = arith.index_cast %scan3A_956 : i32 to index
      %swap3A_972 = arith.constant 48 : index
      %swap3A_973 = tpu.vector_load %arg10[%swap3A_971, %swap3A_972] {strides = array<i32>} : memref<32x128xf32, #tpu.memory_space<vmem>>, vector<1x16xf32>,
      %swap3A_974 = vector.shape_cast %swap3A_973 : vector<1x16xf32> to vector<16xf32>
      %swap3A_975 = vector.shape_cast %broadcast_in_dim3A_19 : vector<16xf32> to vector<1x16xf32>
      tpu.vector_store %arg10[%swap3A_971, %swap3A_972], %swap3A_975 {strides = array<i32>} : memref<32x128xf32, #tpu.memory_space<vmem>>, vector<1x16xf32>,
      %swap3A_976 = arith.index_cast %scan3A_956 : i32 to index
      %swap3A_977 = arith.constant 64 : index
      %swap3A_978 = tpu.vector_load %arg10[%swap3A_976, %swap3A_977] {strides = array<i32>} : memref<32x128xf32, #tpu.memory_space<vmem>>, vector<1x16xf32>,
      %swap3A_979 = vector.shape_cast %swap3A_978 : vector<1x16xf32> to vector<16xf32>
      %swap3A_980 = vector.shape_cast %broadcast_in_dim3A_19 : vector<16xf32> to vector<1x16xf32>
      tpu.vector_store %arg10[%swap3A_976, %swap3A_977], %swap3A_980 {strides = array<i32>} : memref<32x128xf32, #tpu.memory_space<vmem>>, vector<1x16xf32>,
      %swap3A_981 = arith.index_cast %scan3A_956 : i32 to index
      %swap3A_982 = arith.constant 80 : index
      %swap3A_983 = tpu.vector_load %arg10[%swap3A_981, %swap3A_982] {strides = array<i32>} : memref<32x128xf32, #tpu.memory_space<vmem>>, vector<1x16xf32>,
      %swap3A_984 = vector.shape_cast %swap3A_983 : vector<1x16xf32> to vector<16xf32>
      %swap3A_985 = vector.shape_cast %broadcast_in_dim3A_19 : vector<16xf32> to vector<1x16xf32>
      tpu.vector_store %arg10[%swap3A_981, %swap3A_982], %swap3A_985 {strides = array<i32>} : memref<32x128xf32, #tpu.memory_space<vmem>>, vector<1x16xf32>,
      %swap3A_986 = arith.index_cast %scan3A_956 : i32 to index
      %swap3A_987 = arith.constant 96 : index
      %swap3A_988 = tpu.vector_load %arg10[%swap3A_986, %swap3A_987] {strides = array<i32>} : memref<32x128xf32, #tpu.memory_space<vmem>>, vector<1x16xf32>,
      %swap3A_989 = vector.shape_cast %swap3A_988 : vector<1x16xf32> to vector<16xf32>
      %swap3A_990 = vector.shape_cast %broadcast_in_dim3A_19 : vector<16xf32> to vector<1x16xf32>
      tpu.vector_store %arg10[%swap3A_986, %swap3A_987], %swap3A_990 {strides = array<i32>} : memref<32x128xf32, #tpu.memory_space<vmem>>, vector<1x16xf32>,
      %swap3A_991 = arith.index_cast %scan3A_956 : i32 to index
      %swap3A_992 = arith.constant 112 : index
      %swap3A_993 = tpu.vector_load %arg10[%swap3A_991, %swap3A_992] {strides = array<i32>} : memref<32x128xf32, #tpu.memory_space<vmem>>, vector<1x16xf32>,
      %swap3A_994 = vector.shape_cast %swap3A_993 : vector<1x16xf32> to vector<16xf32>
      %swap3A_995 = vector.shape_cast %broadcast_in_dim3A_19 : vector<16xf32> to vector<1x16xf32>
      tpu.vector_store %arg10[%swap3A_991, %swap3A_992], %swap3A_995 {strides = array<i32>} : memref<32x128xf32, #tpu.memory_space<vmem>>, vector<1x16xf32>,
    }
    %scan3A_25 = arith.constant 32 : i32
    %mul3A_26 = arith.constant 2 : i32
    %mul3A_27 = arith.muli %arg1, %mul3A_26 : i32
    %add3A_28 = arith.addi %mul3A_27, %arg0 : i32
    %mul3A_29 = arith.constant 512 : i32
    %mul3A_30 = arith.muli %add3A_28, %mul3A_29 : i32
    %add3A_31 = arith.constant 0 : i32
    %add3A_32 = arith.addi %mul3A_30, %add3A_31 : i32
    %dma_start3A = arith.constant 0 : i32
    %dma_start3A_33 = arith.constant 0 : i32
    %dma_start3A_34 = tpu.memref_slice %arg12[%dma_start3A, %dma_start3A_33] : memref<1x32xi32, #tpu.memory_space<vmem>> -> memref<1x32xi32, #tpu.memory_space<vmem>>
    %dma_start3A_35 = tpu.memref_squeeze %dma_start3A_34 : memref<1x32xi32, #tpu.memory_space<vmem>> -> memref<32xi32, #tpu.memory_space<vmem>>
    %dma_start3A_36 = tpu.memref_slice %arg3[%add3A_32] : memref<16384xi32, #tpu.memory_space<hbm>> -> memref<32xi32, #tpu.memory_space<hbm>>
    %dma_start3A_37 = arith.constant 0 : i32
    %dma_start3A_38 = tpu.memref_slice %arg12[%dma_start3A, %dma_start3A_37] : memref<1x32xi32, #tpu.memory_space<vmem>> -> memref<1x32xi32, #tpu.memory_space<vmem>>
    %dma_start3A_39 = tpu.memref_squeeze %dma_start3A_38 : memref<1x32xi32, #tpu.memory_space<vmem>> -> memref<32xi32, #tpu.memory_space<vmem>>
    %dma_start3A_40 = tpu.memref_slice %arg3[%add3A_32] : memref<16384xi32, #tpu.memory_space<hbm>> -> memref<32xi32, #tpu.memory_space<hbm>>
    tpu.enqueue_dma source(%dma_start3A_40 : memref<32xi32, #tpu.memory_space<hbm>>) target(%dma_start3A_39 : memref<32xi32, #tpu.memory_space<vmem>>) target_semaphore(%arg14 : memref<!tpu.dma_semaphore, #tpu.memory_space<semaphore_mem>>)
    %dma_start3A_41 = arith.constant 0 : i32
    %dma_start3A_42 = tpu.memref_slice %arg2[%add3A_32, %dma_start3A_41] : memref<16384x768xf32, #tpu.memory_space<hbm>> -> memref<32x768xf32, #tpu.memory_space<hbm>>
    %dma_start3A_43 = arith.constant 0 : i32
    %dma_start3A_44 = tpu.memref_slice %arg2[%add3A_32, %dma_start3A_43] : memref<16384x768xf32, #tpu.memory_space<hbm>> -> memref<32x768xf32, #tpu.memory_space<hbm>>
    tpu.enqueue_dma source(%dma_start3A_44 : memref<32x768xf32, #tpu.memory_space<hbm>>) target(%arg8 : memref<32x768xf32, #tpu.memory_space<vmem>>) target_semaphore(%arg14 : memref<!tpu.dma_semaphore, #tpu.memory_space<semaphore_mem>>)
    %mul3A_45 = arith.constant 512 : i32
    %mul3A_46 = arith.muli %add3A_28, %mul3A_45 : i32
    %add3A_47 = arith.constant 32 : i32
    %add3A_48 = arith.addi %mul3A_46, %add3A_47 : i32
    %dma_start3A_49 = arith.constant 0 : i32
    %dma_start3A_50 = arith.constant 0 : i32
    %dma_start3A_51 = tpu.memref_slice %arg13[%dma_start3A_49, %dma_start3A_50] : memref<1x32xi32, #tpu.memory_space<vmem>> -> memref<1x32xi32, #tpu.memory_space<vmem>>
    %dma_start3A_52 = tpu.memref_squeeze %dma_start3A_51 : memref<1x32xi32, #tpu.memory_space<vmem>> -> memref<32xi32, #tpu.memory_space<vmem>>
    %dma_start3A_53 = tpu.memref_slice %arg3[%add3A_48] : memref<16384xi32, #tpu.memory_space<hbm>> -> memref<32xi32, #tpu.memory_space<hbm>>
    %dma_start3A_54 = arith.constant 0 : i32
    %dma_start3A_55 = tpu.memref_slice %arg13[%dma_start3A_49, %dma_start3A_54] : memref<1x32xi32, #tpu.memory_space<vmem>> -> memref<1x32xi32, #tpu.memory_space<vmem>>
    %dma_start3A_56 = tpu.memref_squeeze %dma_start3A_55 : memref<1x32xi32, #tpu.memory_space<vmem>> -> memref<32xi32, #tpu.memory_space<vmem>>
    %dma_start3A_57 = tpu.memref_slice %arg3[%add3A_48] : memref<16384xi32, #tpu.memory_space<hbm>> -> memref<32xi32, #tpu.memory_space<hbm>>
    tpu.enqueue_dma source(%dma_start3A_57 : memref<32xi32, #tpu.memory_space<hbm>>) target(%dma_start3A_56 : memref<32xi32, #tpu.memory_space<vmem>>) target_semaphore(%arg15 : memref<!tpu.dma_semaphore, #tpu.memory_space<semaphore_mem>>)
    %dma_start3A_58 = arith.constant 0 : i32
    %dma_start3A_59 = tpu.memref_slice %arg2[%add3A_48, %dma_start3A_58] : memref<16384x768xf32, #tpu.memory_space<hbm>> -> memref<32x768xf32, #tpu.memory_space<hbm>>
    %dma_start3A_60 = arith.constant 0 : i32
    %dma_start3A_61 = tpu.memref_slice %arg2[%add3A_48, %dma_start3A_60] : memref<16384x768xf32, #tpu.memory_space<hbm>> -> memref<32x768xf32, #tpu.memory_space<hbm>>
    tpu.enqueue_dma source(%dma_start3A_61 : memref<32x768xf32, #tpu.memory_space<hbm>>) target(%arg9 : memref<32x768xf32, #tpu.memory_space<vmem>>) target_semaphore(%arg15 : memref<!tpu.dma_semaphore, #tpu.memory_space<semaphore_mem>>)
    %dma_wait3A = arith.constant 0 : i32
    %dma_wait3A_62 = arith.constant 0 : i32
    %dma_wait3A_63 = tpu.memref_slice %arg12[%dma_wait3A, %dma_wait3A_62] : memref<1x32xi32, #tpu.memory_space<vmem>> -> memref<1x32xi32, #tpu.memory_space<vmem>>
    %dma_wait3A_64 = tpu.memref_squeeze %dma_wait3A_63 : memref<1x32xi32, #tpu.memory_space<vmem>> -> memref<32xi32, #tpu.memory_space<vmem>>
    %dma_wait3A_65 = tpu.memref_slice %arg3[%add3A_32] : memref<16384xi32, #tpu.memory_space<hbm>> -> memref<32xi32, #tpu.memory_space<hbm>>
    %dma_wait3A_66 = arith.constant 0 : i32
    %dma_wait3A_67 = tpu.memref_slice %arg12[%dma_wait3A, %dma_wait3A_66] : memref<1x32xi32, #tpu.memory_space<vmem>> -> memref<1x32xi32, #tpu.memory_space<vmem>>
    %dma_wait3A_68 = tpu.memref_squeeze %dma_wait3A_67 : memref<1x32xi32, #tpu.memory_space<vmem>> -> memref<32xi32, #tpu.memory_space<vmem>>
    %dma_wait3A_69 = tpu.memref_slice %arg3[%add3A_32] : memref<16384xi32, #tpu.memory_space<hbm>> -> memref<32xi32, #tpu.memory_space<hbm>>
    tpu.wait_dma2 semaphore(%arg14 : memref<!tpu.dma_semaphore, #tpu.memory_space<semaphore_mem>>) src(%dma_wait3A_69 : memref<32xi32, #tpu.memory_space<hbm>>) dst(%dma_wait3A_68 : memref<32xi32, #tpu.memory_space<vmem>>)
    %dma_wait3A_70 = arith.constant 0 : i32
    %dma_wait3A_71 = tpu.memref_slice %arg2[%add3A_32, %dma_wait3A_70] : memref<16384x768xf32, #tpu.memory_space<hbm>> -> memref<32x768xf32, #tpu.memory_space<hbm>>
    %dma_wait3A_72 = arith.constant 0 : i32
    %dma_wait3A_73 = tpu.memref_slice %arg2[%add3A_32, %dma_wait3A_72] : memref<16384x768xf32, #tpu.memory_space<hbm>> -> memref<32x768xf32, #tpu.memory_space<hbm>>
    tpu.wait_dma2 semaphore(%arg14 : memref<!tpu.dma_semaphore, #tpu.memory_space<semaphore_mem>>) src(%dma_wait3A_73 : memref<32x768xf32, #tpu.memory_space<hbm>>) dst(%arg8 : memref<32x768xf32, #tpu.memory_space<vmem>>)
    %dma_start3A_74 = arith.constant 0 : i32
    %dma_start3A_75 = arith.constant 0 : i32
    %dma_start3A_76 = tpu.memref_slice %arg12[%dma_start3A_74, %dma_start3A_75] : memref<1x32xi32, #tpu.memory_space<vmem>> -> memref<1x32xi32, #tpu.memory_space<vmem>>
    %dma_start3A_77 = tpu.memref_squeeze %dma_start3A_76 : memref<1x32xi32, #tpu.memory_space<vmem>> -> memref<32xi32, #tpu.memory_space<vmem>>
    %dma_start3A_78 = arith.constant 0 : i32
    %dma_start3A_79 = arith.constant 0 : i32
    %dma_start3A_80 = tpu.memref_slice %arg6[%dma_start3A_78, %dma_start3A_79] : memref<1024x768xf32, #tpu.memory_space<vmem_shared>> -> memref<1024x768xf32, #tpu.memory_space<vmem_shared>>
    tpu.enqueue_indirect_dma source(%arg8 : memref<32x768xf32, #tpu.memory_space<vmem>>) target(%dma_start3A_80 : memref<1024x768xf32, #tpu.memory_space<vmem_shared>>) offsets(%dma_start3A_77 : memref<32xi32, #tpu.memory_space<vmem>>) semaphore(%arg16 : memref<!tpu.dma_semaphore, #tpu.memory_space<semaphore_mem>>) {add = true}
    %dma_start3A_81 = arith.constant 0 : i32
    %dma_start3A_82 = arith.constant 0 : i32
    %dma_start3A_83 = tpu.memref_slice %arg12[%dma_start3A_81, %dma_start3A_82] : memref<1x32xi32, #tpu.memory_space<vmem>> -> memref<1x32xi32, #tpu.memory_space<vmem>>
    %dma_start3A_84 = tpu.memref_squeeze %dma_start3A_83 : memref<1x32xi32, #tpu.memory_space<vmem>> -> memref<32xi32, #tpu.memory_space<vmem>>
    %dma_start3A_85 = arith.constant 0 : i32
    %dma_start3A_86 = arith.constant 0 : i32
    %dma_start3A_87 = tpu.memref_slice %arg7[%dma_start3A_85, %dma_start3A_86] : memref<1024x128xf32, #tpu.memory_space<vmem_shared>> -> memref<1024x128xf32, #tpu.memory_space<vmem_shared>>
    tpu.enqueue_indirect_dma source(%arg10 : memref<32x128xf32, #tpu.memory_space<vmem>>) target(%dma_start3A_87 : memref<1024x128xf32, #tpu.memory_space<vmem_shared>>) offsets(%dma_start3A_84 : memref<32xi32, #tpu.memory_space<vmem>>) semaphore(%arg16 : memref<!tpu.dma_semaphore, #tpu.memory_space<semaphore_mem>>) {add = true}
    %dma_wait3A_88 = arith.constant 0 : i32
    %dma_wait3A_89 = arith.constant 0 : i32
    %dma_wait3A_90 = tpu.memref_slice %arg12[%dma_wait3A_88, %dma_wait3A_89] : memref<1x32xi32, #tpu.memory_space<vmem>> -> memref<1x32xi32, #tpu.memory_space<vmem>>
    %dma_wait3A_91 = tpu.memref_squeeze %dma_wait3A_90 : memref<1x32xi32, #tpu.memory_space<vmem>> -> memref<32xi32, #tpu.memory_space<vmem>>
    %dma_wait3A_92 = arith.constant 0 : i32
    %dma_wait3A_93 = arith.constant 0 : i32
    %dma_wait3A_94 = tpu.memref_slice %arg6[%dma_wait3A_92, %dma_wait3A_93] : memref<1024x768xf32, #tpu.memory_space<vmem_shared>> -> memref<1024x768xf32, #tpu.memory_space<vmem_shared>>
    tpu.wait_indirect_dma semaphore(%arg16 : memref<!tpu.dma_semaphore, #tpu.memory_space<semaphore_mem>>) src(%arg8 : memref<32x768xf32, #tpu.memory_space<vmem>>) dst(%dma_wait3A_94 : memref<1024x768xf32, #tpu.memory_space<vmem_shared>>)
    %dma_wait3A_95 = arith.constant 0 : i32
    %dma_wait3A_96 = arith.constant 0 : i32
    %dma_wait3A_97 = tpu.memref_slice %arg12[%dma_wait3A_95, %dma_wait3A_96] : memref<1x32xi32, #tpu.memory_space<vmem>> -> memref<1x32xi32, #tpu.memory_space<vmem>>
    %dma_wait3A_98 = tpu.memref_squeeze %dma_wait3A_97 : memref<1x32xi32, #tpu.memory_space<vmem>> -> memref<32xi32, #tpu.memory_space<vmem>>
    %dma_wait3A_99 = arith.constant 0 : i32
    %dma_wait3A_100 = arith.constant 0 : i32
    %dma_wait3A_101 = tpu.memref_slice %arg7[%dma_wait3A_99, %dma_wait3A_100] : memref<1024x128xf32, #tpu.memory_space<vmem_shared>> -> memref<1024x128xf32, #tpu.memory_space<vmem_shared>>
    tpu.wait_indirect_dma semaphore(%arg16 : memref<!tpu.dma_semaphore, #tpu.memory_space<semaphore_mem>>) src(%arg10 : memref<32x128xf32, #tpu.memory_space<vmem>>) dst(%dma_wait3A_101 : memref<1024x128xf32, #tpu.memory_space<vmem_shared>>)
    %mul3A_102 = arith.constant 512 : i32
    %mul3A_103 = arith.muli %add3A_28, %mul3A_102 : i32
    %add3A_104 = arith.constant 64 : i32
    %add3A_105 = arith.addi %mul3A_103, %add3A_104 : i32
    %dma_start3A_106 = arith.constant 0 : i32
    %dma_start3A_107 = arith.constant 0 : i32
    %dma_start3A_108 = tpu.memref_slice %arg12[%dma_start3A_106, %dma_start3A_107] : memref<1x32xi32, #tpu.memory_space<vmem>> -> memref<1x32xi32, #tpu.memory_space<vmem>>
    %dma_start3A_109 = tpu.memref_squeeze %dma_start3A_108 : memref<1x32xi32, #tpu.memory_space<vmem>> -> memref<32xi32, #tpu.memory_space<vmem>>
    %dma_start3A_110 = tpu.memref_slice %arg3[%add3A_105] : memref<16384xi32, #tpu.memory_space<hbm>> -> memref<32xi32, #tpu.memory_space<hbm>>
    %dma_start3A_111 = arith.constant 0 : i32
    %dma_start3A_112 = tpu.memref_slice %arg12[%dma_start3A_106, %dma_start3A_111] : memref<1x32xi32, #tpu.memory_space<vmem>> -> memref<1x32xi32, #tpu.memory_space<vmem>>
    %dma_start3A_113 = tpu.memref_squeeze %dma_start3A_112 : memref<1x32xi32, #tpu.memory_space<vmem>> -> memref<32xi32, #tpu.memory_space<vmem>>
    %dma_start3A_114 = tpu.memref_slice %arg3[%add3A_105] : memref<16384xi32, #tpu.memory_space<hbm>> -> memref<32xi32, #tpu.memory_space<hbm>>
    tpu.enqueue_dma source(%dma_start3A_114 : memref<32xi32, #tpu.memory_space<hbm>>) target(%dma_start3A_113 : memref<32xi32, #tpu.memory_space<vmem>>) target_semaphore(%arg14 : memref<!tpu.dma_semaphore, #tpu.memory_space<semaphore_mem>>)
    %dma_start3A_115 = arith.constant 0 : i32
    %dma_start3A_116 = tpu.memref_slice %arg2[%add3A_105, %dma_start3A_115] : memref<16384x768xf32, #tpu.memory_space<hbm>> -> memref<32x768xf32, #tpu.memory_space<hbm>>
    %dma_start3A_117 = arith.constant 0 : i32
    %dma_start3A_118 = tpu.memref_slice %arg2[%add3A_105, %dma_start3A_117] : memref<16384x768xf32, #tpu.memory_space<hbm>> -> memref<32x768xf32, #tpu.memory_space<hbm>>
    tpu.enqueue_dma source(%dma_start3A_118 : memref<32x768xf32, #tpu.memory_space<hbm>>) target(%arg8 : memref<32x768xf32, #tpu.memory_space<vmem>>) target_semaphore(%arg14 : memref<!tpu.dma_semaphore, #tpu.memory_space<semaphore_mem>>)
    %dma_wait3A_119 = arith.constant 0 : i32
    %dma_wait3A_120 = arith.constant 0 : i32
    %dma_wait3A_121 = tpu.memref_slice %arg13[%dma_wait3A_119, %dma_wait3A_120] : memref<1x32xi32, #tpu.memory_space<vmem>> -> memref<1x32xi32, #tpu.memory_space<vmem>>
    %dma_wait3A_122 = tpu.memref_squeeze %dma_wait3A_121 : memref<1x32xi32, #tpu.memory_space<vmem>> -> memref<32xi32, #tpu.memory_space<vmem>>
    %dma_wait3A_123 = tpu.memref_slice %arg3[%add3A_48] : memref<16384xi32, #tpu.memory_space<hbm>> -> memref<32xi32, #tpu.memory_space<hbm>>
    %dma_wait3A_124 = arith.constant 0 : i32
    %dma_wait3A_125 = tpu.memref_slice %arg13[%dma_wait3A_119, %dma_wait3A_124] : memref<1x32xi32, #tpu.memory_space<vmem>> -> memref<1x32xi32, #tpu.memory_space<vmem>>
    %dma_wait3A_126 = tpu.memref_squeeze %dma_wait3A_125 : memref<1x32xi32, #tpu.memory_space<vmem>> -> memref<32xi32, #tpu.memory_space<vmem>>
    %dma_wait3A_127 = tpu.memref_slice %arg3[%add3A_48] : memref<16384xi32, #tpu.memory_space<hbm>> -> memref<32xi32, #tpu.memory_space<hbm>>
    tpu.wait_dma2 semaphore(%arg15 : memref<!tpu.dma_semaphore, #tpu.memory_space<semaphore_mem>>) src(%dma_wait3A_127 : memref<32xi32, #tpu.memory_space<hbm>>) dst(%dma_wait3A_126 : memref<32xi32, #tpu.memory_space<vmem>>)
    %dma_wait3A_128 = arith.constant 0 : i32
    %dma_wait3A_129 = tpu.memref_slice %arg2[%add3A_48, %dma_wait3A_128] : memref<16384x768xf32, #tpu.memory_space<hbm>> -> memref<32x768xf32, #tpu.memory_space<hbm>>
    %dma_wait3A_130 = arith.constant 0 : i32
    %dma_wait3A_131 = tpu.memref_slice %arg2[%add3A_48, %dma_wait3A_130] : memref<16384x768xf32, #tpu.memory_space<hbm>> -> memref<32x768xf32, #tpu.memory_space<hbm>>
    tpu.wait_dma2 semaphore(%arg15 : memref<!tpu.dma_semaphore, #tpu.memory_space<semaphore_mem>>) src(%dma_wait3A_131 : memref<32x768xf32, #tpu.memory_space<hbm>>) dst(%arg9 : memref<32x768xf32, #tpu.memory_space<vmem>>)
    %dma_start3A_132 = arith.constant 0 : i32
    %dma_start3A_133 = arith.constant 0 : i32
    %dma_start3A_134 = tpu.memref_slice %arg13[%dma_start3A_132, %dma_start3A_133] : memref<1x32xi32, #tpu.memory_space<vmem>> -> memref<1x32xi32, #tpu.memory_space<vmem>>
    %dma_start3A_135 = tpu.memref_squeeze %dma_start3A_134 : memref<1x32xi32, #tpu.memory_space<vmem>> -> memref<32xi32, #tpu.memory_space<vmem>>
    %dma_start3A_136 = arith.constant 0 : i32
    %dma_start3A_137 = arith.constant 0 : i32
    %dma_start3A_138 = tpu.memref_slice %arg6[%dma_start3A_136, %dma_start3A_137] : memref<1024x768xf32, #tpu.memory_space<vmem_shared>> -> memref<1024x768xf32, #tpu.memory_space<vmem_shared>>
    tpu.enqueue_indirect_dma source(%arg9 : memref<32x768xf32, #tpu.memory_space<vmem>>) target(%dma_start3A_138 : memref<1024x768xf32, #tpu.memory_space<vmem_shared>>) offsets(%dma_start3A_135 : memref<32xi32, #tpu.memory_space<vmem>>) semaphore(%arg17 : memref<!tpu.dma_semaphore, #tpu.memory_space<semaphore_mem>>) {add = true}
    %dma_start3A_139 = arith.constant 0 : i32
    %dma_start3A_140 = arith.constant 0 : i32
    %dma_start3A_141 = tpu.memref_slice %arg13[%dma_start3A_139, %dma_start3A_140] : memref<1x32xi32, #tpu.memory_space<vmem>> -> memref<1x32xi32, #tpu.memory_space<vmem>>
    %dma_start3A_142 = tpu.memref_squeeze %dma_start3A_141 : memref<1x32xi32, #tpu.memory_space<vmem>> -> memref<32xi32, #tpu.memory_space<vmem>>
    %dma_start3A_143 = arith.constant 0 : i32
    %dma_start3A_144 = arith.constant 0 : i32
    %dma_start3A_145 = tpu.memref_slice %arg7[%dma_start3A_143, %dma_start3A_144] : memref<1024x128xf32, #tpu.memory_space<vmem_shared>> -> memref<1024x128xf32, #tpu.memory_space<vmem_shared>>
    tpu.enqueue_indirect_dma source(%arg10 : memref<32x128xf32, #tpu.memory_space<vmem>>) target(%dma_start3A_145 : memref<1024x128xf32, #tpu.memory_space<vmem_shared>>) offsets(%dma_start3A_142 : memref<32xi32, #tpu.memory_space<vmem>>) semaphore(%arg17 : memref<!tpu.dma_semaphore, #tpu.memory_space<semaphore_mem>>) {add = true}
    %dma_wait3A_146 = arith.constant 0 : i32
    %dma_wait3A_147 = arith.constant 0 : i32
    %dma_wait3A_148 = tpu.memref_slice %arg13[%dma_wait3A_146, %dma_wait3A_147] : memref<1x32xi32, #tpu.memory_space<vmem>> -> memref<1x32xi32, #tpu.memory_space<vmem>>
    %dma_wait3A_149 = tpu.memref_squeeze %dma_wait3A_148 : memref<1x32xi32, #tpu.memory_space<vmem>> -> memref<32xi32, #tpu.memory_space<vmem>>
    %dma_wait3A_150 = arith.constant 0 : i32
    %dma_wait3A_151 = arith.constant 0 : i32
    %dma_wait3A_152 = tpu.memref_slice %arg6[%dma_wait3A_150, %dma_wait3A_151] : memref<1024x768xf32, #tpu.memory_space<vmem_shared>> -> memref<1024x768xf32, #tpu.memory_space<vmem_shared>>
    tpu.wait_indirect_dma semaphore(%arg17 : memref<!tpu.dma_semaphore, #tpu.memory_space<semaphore_mem>>) src(%arg9 : memref<32x768xf32, #tpu.memory_space<vmem>>) dst(%dma_wait3A_152 : memref<1024x768xf32, #tpu.memory_space<vmem_shared>>)
    %dma_wait3A_153 = arith.constant 0 : i32
    %dma_wait3A_154 = arith.constant 0 : i32
    %dma_wait3A_155 = tpu.memref_slice %arg13[%dma_wait3A_153, %dma_wait3A_154] : memref<1x32xi32, #tpu.memory_space<vmem>> -> memref<1x32xi32, #tpu.memory_space<vmem>>
    %dma_wait3A_156 = tpu.memref_squeeze %dma_wait3A_155 : memref<1x32xi32, #tpu.memory_space<vmem>> -> memref<32xi32, #tpu.memory_space<vmem>>
    %dma_wait3A_157 = arith.constant 0 : i32
    %dma_wait3A_158 = arith.constant 0 : i32
    %dma_wait3A_159 = tpu.memref_slice %arg7[%dma_wait3A_157, %dma_wait3A_158] : memref<1024x128xf32, #tpu.memory_space<vmem_shared>> -> memref<1024x128xf32, #tpu.memory_space<vmem_shared>>
    tpu.wait_indirect_dma semaphore(%arg17 : memref<!tpu.dma_semaphore, #tpu.memory_space<semaphore_mem>>) src(%arg10 : memref<32x128xf32, #tpu.memory_space<vmem>>) dst(%dma_wait3A_159 : memref<1024x128xf32, #tpu.memory_space<vmem_shared>>)
    %mul3A_160 = arith.constant 512 : i32
    %mul3A_161 = arith.muli %add3A_28, %mul3A_160 : i32
    %add3A_162 = arith.constant 96 : i32
    %add3A_163 = arith.addi %mul3A_161, %add3A_162 : i32
    %dma_start3A_164 = arith.constant 0 : i32
    %dma_start3A_165 = arith.constant 0 : i32
    %dma_start3A_166 = tpu.memref_slice %arg13[%dma_start3A_164, %dma_start3A_165] : memref<1x32xi32, #tpu.memory_space<vmem>> -> memref<1x32xi32, #tpu.memory_space<vmem>>
    %dma_start3A_167 = tpu.memref_squeeze %dma_start3A_166 : memref<1x32xi32, #tpu.memory_space<vmem>> -> memref<32xi32, #tpu.memory_space<vmem>>
    %dma_start3A_168 = tpu.memref_slice %arg3[%add3A_163] : memref<16384xi32, #tpu.memory_space<hbm>> -> memref<32xi32, #tpu.memory_space<hbm>>
    %dma_start3A_169 = arith.constant 0 : i32
    %dma_start3A_170 = tpu.memref_slice %arg13[%dma_start3A_164, %dma_start3A_169] : memref<1x32xi32, #tpu.memory_space<vmem>> -> memref<1x32xi32, #tpu.memory_space<vmem>>
    %dma_start3A_171 = tpu.memref_squeeze %dma_start3A_170 : memref<1x32xi32, #tpu.memory_space<vmem>> -> memref<32xi32, #tpu.memory_space<vmem>>
    %dma_start3A_172 = tpu.memref_slice %arg3[%add3A_163] : memref<16384xi32, #tpu.memory_space<hbm>> -> memref<32xi32, #tpu.memory_space<hbm>>
    tpu.enqueue_dma source(%dma_start3A_172 : memref<32xi32, #tpu.memory_space<hbm>>) target(%dma_start3A_171 : memref<32xi32, #tpu.memory_space<vmem>>) target_semaphore(%arg15 : memref<!tpu.dma_semaphore, #tpu.memory_space<semaphore_mem>>)
    %dma_start3A_173 = arith.constant 0 : i32
    %dma_start3A_174 = tpu.memref_slice %arg2[%add3A_163, %dma_start3A_173] : memref<16384x768xf32, #tpu.memory_space<hbm>> -> memref<32x768xf32, #tpu.memory_space<hbm>>
    %dma_start3A_175 = arith.constant 0 : i32
    %dma_start3A_176 = tpu.memref_slice %arg2[%add3A_163, %dma_start3A_175] : memref<16384x768xf32, #tpu.memory_space<hbm>> -> memref<32x768xf32, #tpu.memory_space<hbm>>
    tpu.enqueue_dma source(%dma_start3A_176 : memref<32x768xf32, #tpu.memory_space<hbm>>) target(%arg9 : memref<32x768xf32, #tpu.memory_space<vmem>>) target_semaphore(%arg15 : memref<!tpu.dma_semaphore, #tpu.memory_space<semaphore_mem>>)
    %dma_wait3A_177 = arith.constant 0 : i32
    %dma_wait3A_178 = arith.constant 0 : i32
    %dma_wait3A_179 = tpu.memref_slice %arg12[%dma_wait3A_177, %dma_wait3A_178] : memref<1x32xi32, #tpu.memory_space<vmem>> -> memref<1x32xi32, #tpu.memory_space<vmem>>
    %dma_wait3A_180 = tpu.memref_squeeze %dma_wait3A_179 : memref<1x32xi32, #tpu.memory_space<vmem>> -> memref<32xi32, #tpu.memory_space<vmem>>
    %dma_wait3A_181 = tpu.memref_slice %arg3[%add3A_105] : memref<16384xi32, #tpu.memory_space<hbm>> -> memref<32xi32, #tpu.memory_space<hbm>>
    %dma_wait3A_182 = arith.constant 0 : i32
    %dma_wait3A_183 = tpu.memref_slice %arg12[%dma_wait3A_177, %dma_wait3A_182] : memref<1x32xi32, #tpu.memory_space<vmem>> -> memref<1x32xi32, #tpu.memory_space<vmem>>
    %dma_wait3A_184 = tpu.memref_squeeze %dma_wait3A_183 : memref<1x32xi32, #tpu.memory_space<vmem>> -> memref<32xi32, #tpu.memory_space<vmem>>
    %dma_wait3A_185 = tpu.memref_slice %arg3[%add3A_105] : memref<16384xi32, #tpu.memory_space<hbm>> -> memref<32xi32, #tpu.memory_space<hbm>>
    tpu.wait_dma2 semaphore(%arg14 : memref<!tpu.dma_semaphore, #tpu.memory_space<semaphore_mem>>) src(%dma_wait3A_185 : memref<32xi32, #tpu.memory_space<hbm>>) dst(%dma_wait3A_184 : memref<32xi32, #tpu.memory_space<vmem>>)
    %dma_wait3A_186 = arith.constant 0 : i32
    %dma_wait3A_187 = tpu.memref_slice %arg2[%add3A_105, %dma_wait3A_186] : memref<16384x768xf32, #tpu.memory_space<hbm>> -> memref<32x768xf32, #tpu.memory_space<hbm>>
    %dma_wait3A_188 = arith.constant 0 : i32
    %dma_wait3A_189 = tpu.memref_slice %arg2[%add3A_105, %dma_wait3A_188] : memref<16384x768xf32, #tpu.memory_space<hbm>> -> memref<32x768xf32, #tpu.memory_space<hbm>>
    tpu.wait_dma2 semaphore(%arg14 : memref<!tpu.dma_semaphore, #tpu.memory_space<semaphore_mem>>) src(%dma_wait3A_189 : memref<32x768xf32, #tpu.memory_space<hbm>>) dst(%arg8 : memref<32x768xf32, #tpu.memory_space<vmem>>)
    %dma_start3A_190 = arith.constant 0 : i32
    %dma_start3A_191 = arith.constant 0 : i32
    %dma_start3A_192 = tpu.memref_slice %arg12[%dma_start3A_190, %dma_start3A_191] : memref<1x32xi32, #tpu.memory_space<vmem>> -> memref<1x32xi32, #tpu.memory_space<vmem>>
    %dma_start3A_193 = tpu.memref_squeeze %dma_start3A_192 : memref<1x32xi32, #tpu.memory_space<vmem>> -> memref<32xi32, #tpu.memory_space<vmem>>
    %dma_start3A_194 = arith.constant 0 : i32
    %dma_start3A_195 = arith.constant 0 : i32
    %dma_start3A_196 = tpu.memref_slice %arg6[%dma_start3A_194, %dma_start3A_195] : memref<1024x768xf32, #tpu.memory_space<vmem_shared>> -> memref<1024x768xf32, #tpu.memory_space<vmem_shared>>
    tpu.enqueue_indirect_dma source(%arg8 : memref<32x768xf32, #tpu.memory_space<vmem>>) target(%dma_start3A_196 : memref<1024x768xf32, #tpu.memory_space<vmem_shared>>) offsets(%dma_start3A_193 : memref<32xi32, #tpu.memory_space<vmem>>) semaphore(%arg16 : memref<!tpu.dma_semaphore, #tpu.memory_space<semaphore_mem>>) {add = true}
    %dma_start3A_197 = arith.constant 0 : i32
    %dma_start3A_198 = arith.constant 0 : i32
    %dma_start3A_199 = tpu.memref_slice %arg12[%dma_start3A_197, %dma_start3A_198] : memref<1x32xi32, #tpu.memory_space<vmem>> -> memref<1x32xi32, #tpu.memory_space<vmem>>
    %dma_start3A_200 = tpu.memref_squeeze %dma_start3A_199 : memref<1x32xi32, #tpu.memory_space<vmem>> -> memref<32xi32, #tpu.memory_space<vmem>>
    %dma_start3A_201 = arith.constant 0 : i32
    %dma_start3A_202 = arith.constant 0 : i32
    %dma_start3A_203 = tpu.memref_slice %arg7[%dma_start3A_201, %dma_start3A_202] : memref<1024x128xf32, #tpu.memory_space<vmem_shared>> -> memref<1024x128xf32, #tpu.memory_space<vmem_shared>>
    tpu.enqueue_indirect_dma source(%arg10 : memref<32x128xf32, #tpu.memory_space<vmem>>) target(%dma_start3A_203 : memref<1024x128xf32, #tpu.memory_space<vmem_shared>>) offsets(%dma_start3A_200 : memref<32xi32, #tpu.memory_space<vmem>>) semaphore(%arg16 : memref<!tpu.dma_semaphore, #tpu.memory_space<semaphore_mem>>) {add = true}
    %dma_wait3A_204 = arith.constant 0 : i32
    %dma_wait3A_205 = arith.constant 0 : i32
    %dma_wait3A_206 = tpu.memref_slice %arg12[%dma_wait3A_204, %dma_wait3A_205] : memref<1x32xi32, #tpu.memory_space<vmem>> -> memref<1x32xi32, #tpu.memory_space<vmem>>
    %dma_wait3A_207 = tpu.memref_squeeze %dma_wait3A_206 : memref<1x32xi32, #tpu.memory_space<vmem>> -> memref<32xi32, #tpu.memory_space<vmem>>
    %dma_wait3A_208 = arith.constant 0 : i32
    %dma_wait3A_209 = arith.constant 0 : i32
    %dma_wait3A_210 = tpu.memref_slice %arg6[%dma_wait3A_208, %dma_wait3A_209] : memref<1024x768xf32, #tpu.memory_space<vmem_shared>> -> memref<1024x768xf32, #tpu.memory_space<vmem_shared>>
    tpu.wait_indirect_dma semaphore(%arg16 : memref<!tpu.dma_semaphore, #tpu.memory_space<semaphore_mem>>) src(%arg8 : memref<32x768xf32, #tpu.memory_space<vmem>>) dst(%dma_wait3A_210 : memref<1024x768xf32, #tpu.memory_space<vmem_shared>>)
    %dma_wait3A_211 = arith.constant 0 : i32
    %dma_wait3A_212 = arith.constant 0 : i32
    %dma_wait3A_213 = tpu.memref_slice %arg12[%dma_wait3A_211, %dma_wait3A_212] : memref<1x32xi32, #tpu.memory_space<vmem>> -> memref<1x32xi32, #tpu.memory_space<vmem>>
    %dma_wait3A_214 = tpu.memref_squeeze %dma_wait3A_213 : memref<1x32xi32, #tpu.memory_space<vmem>> -> memref<32xi32, #tpu.memory_space<vmem>>
    %dma_wait3A_215 = arith.constant 0 : i32
    %dma_wait3A_216 = arith.constant 0 : i32
    %dma_wait3A_217 = tpu.memref_slice %arg7[%dma_wait3A_215, %dma_wait3A_216] : memref<1024x128xf32, #tpu.memory_space<vmem_shared>> -> memref<1024x128xf32, #tpu.memory_space<vmem_shared>>
    tpu.wait_indirect_dma semaphore(%arg16 : memref<!tpu.dma_semaphore, #tpu.memory_space<semaphore_mem>>) src(%arg10 : memref<32x128xf32, #tpu.memory_space<vmem>>) dst(%dma_wait3A_217 : memref<1024x128xf32, #tpu.memory_space<vmem_shared>>)
    %mul3A_218 = arith.constant 512 : i32
    %mul3A_219 = arith.muli %add3A_28, %mul3A_218 : i32
    %add3A_220 = arith.constant 128 : i32
    %add3A_221 = arith.addi %mul3A_219, %add3A_220 : i32
    %dma_start3A_222 = arith.constant 0 : i32
    %dma_start3A_223 = arith.constant 0 : i32
    %dma_start3A_224 = tpu.memref_slice %arg12[%dma_start3A_222, %dma_start3A_223] : memref<1x32xi32, #tpu.memory_space<vmem>> -> memref<1x32xi32, #tpu.memory_space<vmem>>
    %dma_start3A_225 = tpu.memref_squeeze %dma_start3A_224 : memref<1x32xi32, #tpu.memory_space<vmem>> -> memref<32xi32, #tpu.memory_space<vmem>>
    %dma_start3A_226 = tpu.memref_slice %arg3[%add3A_221] : memref<16384xi32, #tpu.memory_space<hbm>> -> memref<32xi32, #tpu.memory_space<hbm>>
    %dma_start3A_227 = arith.constant 0 : i32
    %dma_start3A_228 = tpu.memref_slice %arg12[%dma_start3A_222, %dma_start3A_227] : memref<1x32xi32, #tpu.memory_space<vmem>> -> memref<1x32xi32, #tpu.memory_space<vmem>>
    %dma_start3A_229 = tpu.memref_squeeze %dma_start3A_228 : memref<1x32xi32, #tpu.memory_space<vmem>> -> memref<32xi32, #tpu.memory_space<vmem>>
    %dma_start3A_230 = tpu.memref_slice %arg3[%add3A_221] : memref<16384xi32, #tpu.memory_space<hbm>> -> memref<32xi32, #tpu.memory_space<hbm>>
    tpu.enqueue_dma source(%dma_start3A_230 : memref<32xi32, #tpu.memory_space<hbm>>) target(%dma_start3A_229 : memref<32xi32, #tpu.memory_space<vmem>>) target_semaphore(%arg14 : memref<!tpu.dma_semaphore, #tpu.memory_space<semaphore_mem>>)
    %dma_start3A_231 = arith.constant 0 : i32
    %dma_start3A_232 = tpu.memref_slice %arg2[%add3A_221, %dma_start3A_231] : memref<16384x768xf32, #tpu.memory_space<hbm>> -> memref<32x768xf32, #tpu.memory_space<hbm>>
    %dma_start3A_233 = arith.constant 0 : i32
    %dma_start3A_234 = tpu.memref_slice %arg2[%add3A_221, %dma_start3A_233] : memref<16384x768xf32, #tpu.memory_space<hbm>> -> memref<32x768xf32, #tpu.memory_space<hbm>>
    tpu.enqueue_dma source(%dma_start3A_234 : memref<32x768xf32, #tpu.memory_space<hbm>>) target(%arg8 : memref<32x768xf32, #tpu.memory_space<vmem>>) target_semaphore(%arg14 : memref<!tpu.dma_semaphore, #tpu.memory_space<semaphore_mem>>)
    %dma_wait3A_235 = arith.constant 0 : i32
    %dma_wait3A_236 = arith.constant 0 : i32
    %dma_wait3A_237 = tpu.memref_slice %arg13[%dma_wait3A_235, %dma_wait3A_236] : memref<1x32xi32, #tpu.memory_space<vmem>> -> memref<1x32xi32, #tpu.memory_space<vmem>>
    %dma_wait3A_238 = tpu.memref_squeeze %dma_wait3A_237 : memref<1x32xi32, #tpu.memory_space<vmem>> -> memref<32xi32, #tpu.memory_space<vmem>>
    %dma_wait3A_239 = tpu.memref_slice %arg3[%add3A_163] : memref<16384xi32, #tpu.memory_space<hbm>> -> memref<32xi32, #tpu.memory_space<hbm>>
    %dma_wait3A_240 = arith.constant 0 : i32
    %dma_wait3A_241 = tpu.memref_slice %arg13[%dma_wait3A_235, %dma_wait3A_240] : memref<1x32xi32, #tpu.memory_space<vmem>> -> memref<1x32xi32, #tpu.memory_space<vmem>>
    %dma_wait3A_242 = tpu.memref_squeeze %dma_wait3A_241 : memref<1x32xi32, #tpu.memory_space<vmem>> -> memref<32xi32, #tpu.memory_space<vmem>>
    %dma_wait3A_243 = tpu.memref_slice %arg3[%add3A_163] : memref<16384xi32, #tpu.memory_space<hbm>> -> memref<32xi32, #tpu.memory_space<hbm>>
    tpu.wait_dma2 semaphore(%arg15 : memref<!tpu.dma_semaphore, #tpu.memory_space<semaphore_mem>>) src(%dma_wait3A_243 : memref<32xi32, #tpu.memory_space<hbm>>) dst(%dma_wait3A_242 : memref<32xi32, #tpu.memory_space<vmem>>)
    %dma_wait3A_244 = arith.constant 0 : i32
    %dma_wait3A_245 = tpu.memref_slice %arg2[%add3A_163, %dma_wait3A_244] : memref<16384x768xf32, #tpu.memory_space<hbm>> -> memref<32x768xf32, #tpu.memory_space<hbm>>
    %dma_wait3A_246 = arith.constant 0 : i32
    %dma_wait3A_247 = tpu.memref_slice %arg2[%add3A_163, %dma_wait3A_246] : memref<16384x768xf32, #tpu.memory_space<hbm>> -> memref<32x768xf32, #tpu.memory_space<hbm>>
    tpu.wait_dma2 semaphore(%arg15 : memref<!tpu.dma_semaphore, #tpu.memory_space<semaphore_mem>>) src(%dma_wait3A_247 : memref<32x768xf32, #tpu.memory_space<hbm>>) dst(%arg9 : memref<32x768xf32, #tpu.memory_space<vmem>>)
    %dma_start3A_248 = arith.constant 0 : i32
    %dma_start3A_249 = arith.constant 0 : i32
    %dma_start3A_250 = tpu.memref_slice %arg13[%dma_start3A_248, %dma_start3A_249] : memref<1x32xi32, #tpu.memory_space<vmem>> -> memref<1x32xi32, #tpu.memory_space<vmem>>
    %dma_start3A_251 = tpu.memref_squeeze %dma_start3A_250 : memref<1x32xi32, #tpu.memory_space<vmem>> -> memref<32xi32, #tpu.memory_space<vmem>>
    %dma_start3A_252 = arith.constant 0 : i32
    %dma_start3A_253 = arith.constant 0 : i32
    %dma_start3A_254 = tpu.memref_slice %arg6[%dma_start3A_252, %dma_start3A_253] : memref<1024x768xf32, #tpu.memory_space<vmem_shared>> -> memref<1024x768xf32, #tpu.memory_space<vmem_shared>>
    tpu.enqueue_indirect_dma source(%arg9 : memref<32x768xf32, #tpu.memory_space<vmem>>) target(%dma_start3A_254 : memref<1024x768xf32, #tpu.memory_space<vmem_shared>>) offsets(%dma_start3A_251 : memref<32xi32, #tpu.memory_space<vmem>>) semaphore(%arg17 : memref<!tpu.dma_semaphore, #tpu.memory_space<semaphore_mem>>) {add = true}
    %dma_start3A_255 = arith.constant 0 : i32
    %dma_start3A_256 = arith.constant 0 : i32
    %dma_start3A_257 = tpu.memref_slice %arg13[%dma_start3A_255, %dma_start3A_256] : memref<1x32xi32, #tpu.memory_space<vmem>> -> memref<1x32xi32, #tpu.memory_space<vmem>>
    %dma_start3A_258 = tpu.memref_squeeze %dma_start3A_257 : memref<1x32xi32, #tpu.memory_space<vmem>> -> memref<32xi32, #tpu.memory_space<vmem>>
    %dma_start3A_259 = arith.constant 0 : i32
    %dma_start3A_260 = arith.constant 0 : i32
    %dma_start3A_261 = tpu.memref_slice %arg7[%dma_start3A_259, %dma_start3A_260] : memref<1024x128xf32, #tpu.memory_space<vmem_shared>> -> memref<1024x128xf32, #tpu.memory_space<vmem_shared>>
    tpu.enqueue_indirect_dma source(%arg10 : memref<32x128xf32, #tpu.memory_space<vmem>>) target(%dma_start3A_261 : memref<1024x128xf32, #tpu.memory_space<vmem_shared>>) offsets(%dma_start3A_258 : memref<32xi32, #tpu.memory_space<vmem>>) semaphore(%arg17 : memref<!tpu.dma_semaphore, #tpu.memory_space<semaphore_mem>>) {add = true}
    %dma_wait3A_262 = arith.constant 0 : i32
    %dma_wait3A_263 = arith.constant 0 : i32
    %dma_wait3A_264 = tpu.memref_slice %arg13[%dma_wait3A_262, %dma_wait3A_263] : memref<1x32xi32, #tpu.memory_space<vmem>> -> memref<1x32xi32, #tpu.memory_space<vmem>>
    %dma_wait3A_265 = tpu.memref_squeeze %dma_wait3A_264 : memref<1x32xi32, #tpu.memory_space<vmem>> -> memref<32xi32, #tpu.memory_space<vmem>>
    %dma_wait3A_266 = arith.constant 0 : i32
    %dma_wait3A_267 = arith.constant 0 : i32
    %dma_wait3A_268 = tpu.memref_slice %arg6[%dma_wait3A_266, %dma_wait3A_267] : memref<1024x768xf32, #tpu.memory_space<vmem_shared>> -> memref<1024x768xf32, #tpu.memory_space<vmem_shared>>
    tpu.wait_indirect_dma semaphore(%arg17 : memref<!tpu.dma_semaphore, #tpu.memory_space<semaphore_mem>>) src(%arg9 : memref<32x768xf32, #tpu.memory_space<vmem>>) dst(%dma_wait3A_268 : memref<1024x768xf32, #tpu.memory_space<vmem_shared>>)
    %dma_wait3A_269 = arith.constant 0 : i32
    %dma_wait3A_270 = arith.constant 0 : i32
    %dma_wait3A_271 = tpu.memref_slice %arg13[%dma_wait3A_269, %dma_wait3A_270] : memref<1x32xi32, #tpu.memory_space<vmem>> -> memref<1x32xi32, #tpu.memory_space<vmem>>
    %dma_wait3A_272 = tpu.memref_squeeze %dma_wait3A_271 : memref<1x32xi32, #tpu.memory_space<vmem>> -> memref<32xi32, #tpu.memory_space<vmem>>
    %dma_wait3A_273 = arith.constant 0 : i32
    %dma_wait3A_274 = arith.constant 0 : i32
    %dma_wait3A_275 = tpu.memref_slice %arg7[%dma_wait3A_273, %dma_wait3A_274] : memref<1024x128xf32, #tpu.memory_space<vmem_shared>> -> memref<1024x128xf32, #tpu.memory_space<vmem_shared>>
    tpu.wait_indirect_dma semaphore(%arg17 : memref<!tpu.dma_semaphore, #tpu.memory_space<semaphore_mem>>) src(%arg10 : memref<32x128xf32, #tpu.memory_space<vmem>>) dst(%dma_wait3A_275 : memref<1024x128xf32, #tpu.memory_space<vmem_shared>>)
    %mul3A_276 = arith.constant 512 : i32
    %mul3A_277 = arith.muli %add3A_28, %mul3A_276 : i32
    %add3A_278 = arith.constant 160 : i32
    %add3A_279 = arith.addi %mul3A_277, %add3A_278 : i32
    %dma_start3A_280 = arith.constant 0 : i32
    %dma_start3A_281 = arith.constant 0 : i32
    %dma_start3A_282 = tpu.memref_slice %arg13[%dma_start3A_280, %dma_start3A_281] : memref<1x32xi32, #tpu.memory_space<vmem>> -> memref<1x32xi32, #tpu.memory_space<vmem>>
    %dma_start3A_283 = tpu.memref_squeeze %dma_start3A_282 : memref<1x32xi32, #tpu.memory_space<vmem>> -> memref<32xi32, #tpu.memory_space<vmem>>
    %dma_start3A_284 = tpu.memref_slice %arg3[%add3A_279] : memref<16384xi32, #tpu.memory_space<hbm>> -> memref<32xi32, #tpu.memory_space<hbm>>
    %dma_start3A_285 = arith.constant 0 : i32
    %dma_start3A_286 = tpu.memref_slice %arg13[%dma_start3A_280, %dma_start3A_285] : memref<1x32xi32, #tpu.memory_space<vmem>> -> memref<1x32xi32, #tpu.memory_space<vmem>>
    %dma_start3A_287 = tpu.memref_squeeze %dma_start3A_286 : memref<1x32xi32, #tpu.memory_space<vmem>> -> memref<32xi32, #tpu.memory_space<vmem>>
    %dma_start3A_288 = tpu.memref_slice %arg3[%add3A_279] : memref<16384xi32, #tpu.memory_space<hbm>> -> memref<32xi32, #tpu.memory_space<hbm>>
    tpu.enqueue_dma source(%dma_start3A_288 : memref<32xi32, #tpu.memory_space<hbm>>) target(%dma_start3A_287 : memref<32xi32, #tpu.memory_space<vmem>>) target_semaphore(%arg15 : memref<!tpu.dma_semaphore, #tpu.memory_space<semaphore_mem>>)
    %dma_start3A_289 = arith.constant 0 : i32
    %dma_start3A_290 = tpu.memref_slice %arg2[%add3A_279, %dma_start3A_289] : memref<16384x768xf32, #tpu.memory_space<hbm>> -> memref<32x768xf32, #tpu.memory_space<hbm>>
    %dma_start3A_291 = arith.constant 0 : i32
    %dma_start3A_292 = tpu.memref_slice %arg2[%add3A_279, %dma_start3A_291] : memref<16384x768xf32, #tpu.memory_space<hbm>> -> memref<32x768xf32, #tpu.memory_space<hbm>>
    tpu.enqueue_dma source(%dma_start3A_292 : memref<32x768xf32, #tpu.memory_space<hbm>>) target(%arg9 : memref<32x768xf32, #tpu.memory_space<vmem>>) target_semaphore(%arg15 : memref<!tpu.dma_semaphore, #tpu.memory_space<semaphore_mem>>)
    %dma_wait3A_293 = arith.constant 0 : i32
    %dma_wait3A_294 = arith.constant 0 : i32
    %dma_wait3A_295 = tpu.memref_slice %arg12[%dma_wait3A_293, %dma_wait3A_294] : memref<1x32xi32, #tpu.memory_space<vmem>> -> memref<1x32xi32, #tpu.memory_space<vmem>>
    %dma_wait3A_296 = tpu.memref_squeeze %dma_wait3A_295 : memref<1x32xi32, #tpu.memory_space<vmem>> -> memref<32xi32, #tpu.memory_space<vmem>>
    %dma_wait3A_297 = tpu.memref_slice %arg3[%add3A_221] : memref<16384xi32, #tpu.memory_space<hbm>> -> memref<32xi32, #tpu.memory_space<hbm>>
    %dma_wait3A_298 = arith.constant 0 : i32
    %dma_wait3A_299 = tpu.memref_slice %arg12[%dma_wait3A_293, %dma_wait3A_298] : memref<1x32xi32, #tpu.memory_space<vmem>> -> memref<1x32xi32, #tpu.memory_space<vmem>>
    %dma_wait3A_300 = tpu.memref_squeeze %dma_wait3A_299 : memref<1x32xi32, #tpu.memory_space<vmem>> -> memref<32xi32, #tpu.memory_space<vmem>>
    %dma_wait3A_301 = tpu.memref_slice %arg3[%add3A_221] : memref<16384xi32, #tpu.memory_space<hbm>> -> memref<32xi32, #tpu.memory_space<hbm>>
    tpu.wait_dma2 semaphore(%arg14 : memref<!tpu.dma_semaphore, #tpu.memory_space<semaphore_mem>>) src(%dma_wait3A_301 : memref<32xi32, #tpu.memory_space<hbm>>) dst(%dma_wait3A_300 : memref<32xi32, #tpu.memory_space<vmem>>)
    %dma_wait3A_302 = arith.constant 0 : i32
    %dma_wait3A_303 = tpu.memref_slice %arg2[%add3A_221, %dma_wait3A_302] : memref<16384x768xf32, #tpu.memory_space<hbm>> -> memref<32x768xf32, #tpu.memory_space<hbm>>
    %dma_wait3A_304 = arith.constant 0 : i32
    %dma_wait3A_305 = tpu.memref_slice %arg2[%add3A_221, %dma_wait3A_304] : memref<16384x768xf32, #tpu.memory_space<hbm>> -> memref<32x768xf32, #tpu.memory_space<hbm>>
    tpu.wait_dma2 semaphore(%arg14 : memref<!tpu.dma_semaphore, #tpu.memory_space<semaphore_mem>>) src(%dma_wait3A_305 : memref<32x768xf32, #tpu.memory_space<hbm>>) dst(%arg8 : memref<32x768xf32, #tpu.memory_space<vmem>>)
    %dma_start3A_306 = arith.constant 0 : i32
    %dma_start3A_307 = arith.constant 0 : i32
    %dma_start3A_308 = tpu.memref_slice %arg12[%dma_start3A_306, %dma_start3A_307] : memref<1x32xi32, #tpu.memory_space<vmem>> -> memref<1x32xi32, #tpu.memory_space<vmem>>
    %dma_start3A_309 = tpu.memref_squeeze %dma_start3A_308 : memref<1x32xi32, #tpu.memory_space<vmem>> -> memref<32xi32, #tpu.memory_space<vmem>>
    %dma_start3A_310 = arith.constant 0 : i32
    %dma_start3A_311 = arith.constant 0 : i32
    %dma_start3A_312 = tpu.memref_slice %arg6[%dma_start3A_310, %dma_start3A_311] : memref<1024x768xf32, #tpu.memory_space<vmem_shared>> -> memref<1024x768xf32, #tpu.memory_space<vmem_shared>>
    tpu.enqueue_indirect_dma source(%arg8 : memref<32x768xf32, #tpu.memory_space<vmem>>) target(%dma_start3A_312 : memref<1024x768xf32, #tpu.memory_space<vmem_shared>>) offsets(%dma_start3A_309 : memref<32xi32, #tpu.memory_space<vmem>>) semaphore(%arg16 : memref<!tpu.dma_semaphore, #tpu.memory_space<semaphore_mem>>) {add = true}
    %dma_start3A_313 = arith.constant 0 : i32
    %dma_start3A_314 = arith.constant 0 : i32
    %dma_start3A_315 = tpu.memref_slice %arg12[%dma_start3A_313, %dma_start3A_314] : memref<1x32xi32, #tpu.memory_space<vmem>> -> memref<1x32xi32, #tpu.memory_space<vmem>>
    %dma_start3A_316 = tpu.memref_squeeze %dma_start3A_315 : memref<1x32xi32, #tpu.memory_space<vmem>> -> memref<32xi32, #tpu.memory_space<vmem>>
    %dma_start3A_317 = arith.constant 0 : i32
    %dma_start3A_318 = arith.constant 0 : i32
    %dma_start3A_319 = tpu.memref_slice %arg7[%dma_start3A_317, %dma_start3A_318] : memref<1024x128xf32, #tpu.memory_space<vmem_shared>> -> memref<1024x128xf32, #tpu.memory_space<vmem_shared>>
    tpu.enqueue_indirect_dma source(%arg10 : memref<32x128xf32, #tpu.memory_space<vmem>>) target(%dma_start3A_319 : memref<1024x128xf32, #tpu.memory_space<vmem_shared>>) offsets(%dma_start3A_316 : memref<32xi32, #tpu.memory_space<vmem>>) semaphore(%arg16 : memref<!tpu.dma_semaphore, #tpu.memory_space<semaphore_mem>>) {add = true}
    %dma_wait3A_320 = arith.constant 0 : i32
    %dma_wait3A_321 = arith.constant 0 : i32
    %dma_wait3A_322 = tpu.memref_slice %arg12[%dma_wait3A_320, %dma_wait3A_321] : memref<1x32xi32, #tpu.memory_space<vmem>> -> memref<1x32xi32, #tpu.memory_space<vmem>>
    %dma_wait3A_323 = tpu.memref_squeeze %dma_wait3A_322 : memref<1x32xi32, #tpu.memory_space<vmem>> -> memref<32xi32, #tpu.memory_space<vmem>>
    %dma_wait3A_324 = arith.constant 0 : i32
    %dma_wait3A_325 = arith.constant 0 : i32
    %dma_wait3A_326 = tpu.memref_slice %arg6[%dma_wait3A_324, %dma_wait3A_325] : memref<1024x768xf32, #tpu.memory_space<vmem_shared>> -> memref<1024x768xf32, #tpu.memory_space<vmem_shared>>
    tpu.wait_indirect_dma semaphore(%arg16 : memref<!tpu.dma_semaphore, #tpu.memory_space<semaphore_mem>>) src(%arg8 : memref<32x768xf32, #tpu.memory_space<vmem>>) dst(%dma_wait3A_326 : memref<1024x768xf32, #tpu.memory_space<vmem_shared>>)
    %dma_wait3A_327 = arith.constant 0 : i32
    %dma_wait3A_328 = arith.constant 0 : i32
    %dma_wait3A_329 = tpu.memref_slice %arg12[%dma_wait3A_327, %dma_wait3A_328] : memref<1x32xi32, #tpu.memory_space<vmem>> -> memref<1x32xi32, #tpu.memory_space<vmem>>
    %dma_wait3A_330 = tpu.memref_squeeze %dma_wait3A_329 : memref<1x32xi32, #tpu.memory_space<vmem>> -> memref<32xi32, #tpu.memory_space<vmem>>
    %dma_wait3A_331 = arith.constant 0 : i32
    %dma_wait3A_332 = arith.constant 0 : i32
    %dma_wait3A_333 = tpu.memref_slice %arg7[%dma_wait3A_331, %dma_wait3A_332] : memref<1024x128xf32, #tpu.memory_space<vmem_shared>> -> memref<1024x128xf32, #tpu.memory_space<vmem_shared>>
    tpu.wait_indirect_dma semaphore(%arg16 : memref<!tpu.dma_semaphore, #tpu.memory_space<semaphore_mem>>) src(%arg10 : memref<32x128xf32, #tpu.memory_space<vmem>>) dst(%dma_wait3A_333 : memref<1024x128xf32, #tpu.memory_space<vmem_shared>>)
    %mul3A_334 = arith.constant 512 : i32
    %mul3A_335 = arith.muli %add3A_28, %mul3A_334 : i32
    %add3A_336 = arith.constant 192 : i32
    %add3A_337 = arith.addi %mul3A_335, %add3A_336 : i32
    %dma_start3A_338 = arith.constant 0 : i32
    %dma_start3A_339 = arith.constant 0 : i32
    %dma_start3A_340 = tpu.memref_slice %arg12[%dma_start3A_338, %dma_start3A_339] : memref<1x32xi32, #tpu.memory_space<vmem>> -> memref<1x32xi32, #tpu.memory_space<vmem>>
    %dma_start3A_341 = tpu.memref_squeeze %dma_start3A_340 : memref<1x32xi32, #tpu.memory_space<vmem>> -> memref<32xi32, #tpu.memory_space<vmem>>
    %dma_start3A_342 = tpu.memref_slice %arg3[%add3A_337] : memref<16384xi32, #tpu.memory_space<hbm>> -> memref<32xi32, #tpu.memory_space<hbm>>
    %dma_start3A_343 = arith.constant 0 : i32
    %dma_start3A_344 = tpu.memref_slice %arg12[%dma_start3A_338, %dma_start3A_343] : memref<1x32xi32, #tpu.memory_space<vmem>> -> memref<1x32xi32, #tpu.memory_space<vmem>>
    %dma_start3A_345 = tpu.memref_squeeze %dma_start3A_344 : memref<1x32xi32, #tpu.memory_space<vmem>> -> memref<32xi32, #tpu.memory_space<vmem>>
    %dma_start3A_346 = tpu.memref_slice %arg3[%add3A_337] : memref<16384xi32, #tpu.memory_space<hbm>> -> memref<32xi32, #tpu.memory_space<hbm>>
    tpu.enqueue_dma source(%dma_start3A_346 : memref<32xi32, #tpu.memory_space<hbm>>) target(%dma_start3A_345 : memref<32xi32, #tpu.memory_space<vmem>>) target_semaphore(%arg14 : memref<!tpu.dma_semaphore, #tpu.memory_space<semaphore_mem>>)
    %dma_start3A_347 = arith.constant 0 : i32
    %dma_start3A_348 = tpu.memref_slice %arg2[%add3A_337, %dma_start3A_347] : memref<16384x768xf32, #tpu.memory_space<hbm>> -> memref<32x768xf32, #tpu.memory_space<hbm>>
    %dma_start3A_349 = arith.constant 0 : i32
    %dma_start3A_350 = tpu.memref_slice %arg2[%add3A_337, %dma_start3A_349] : memref<16384x768xf32, #tpu.memory_space<hbm>> -> memref<32x768xf32, #tpu.memory_space<hbm>>
    tpu.enqueue_dma source(%dma_start3A_350 : memref<32x768xf32, #tpu.memory_space<hbm>>) target(%arg8 : memref<32x768xf32, #tpu.memory_space<vmem>>) target_semaphore(%arg14 : memref<!tpu.dma_semaphore, #tpu.memory_space<semaphore_mem>>)
    %dma_wait3A_351 = arith.constant 0 : i32
    %dma_wait3A_352 = arith.constant 0 : i32
    %dma_wait3A_353 = tpu.memref_slice %arg13[%dma_wait3A_351, %dma_wait3A_352] : memref<1x32xi32, #tpu.memory_space<vmem>> -> memref<1x32xi32, #tpu.memory_space<vmem>>
    %dma_wait3A_354 = tpu.memref_squeeze %dma_wait3A_353 : memref<1x32xi32, #tpu.memory_space<vmem>> -> memref<32xi32, #tpu.memory_space<vmem>>
    %dma_wait3A_355 = tpu.memref_slice %arg3[%add3A_279] : memref<16384xi32, #tpu.memory_space<hbm>> -> memref<32xi32, #tpu.memory_space<hbm>>
    %dma_wait3A_356 = arith.constant 0 : i32
    %dma_wait3A_357 = tpu.memref_slice %arg13[%dma_wait3A_351, %dma_wait3A_356] : memref<1x32xi32, #tpu.memory_space<vmem>> -> memref<1x32xi32, #tpu.memory_space<vmem>>
    %dma_wait3A_358 = tpu.memref_squeeze %dma_wait3A_357 : memref<1x32xi32, #tpu.memory_space<vmem>> -> memref<32xi32, #tpu.memory_space<vmem>>
    %dma_wait3A_359 = tpu.memref_slice %arg3[%add3A_279] : memref<16384xi32, #tpu.memory_space<hbm>> -> memref<32xi32, #tpu.memory_space<hbm>>
    tpu.wait_dma2 semaphore(%arg15 : memref<!tpu.dma_semaphore, #tpu.memory_space<semaphore_mem>>) src(%dma_wait3A_359 : memref<32xi32, #tpu.memory_space<hbm>>) dst(%dma_wait3A_358 : memref<32xi32, #tpu.memory_space<vmem>>)
    %dma_wait3A_360 = arith.constant 0 : i32
    %dma_wait3A_361 = tpu.memref_slice %arg2[%add3A_279, %dma_wait3A_360] : memref<16384x768xf32, #tpu.memory_space<hbm>> -> memref<32x768xf32, #tpu.memory_space<hbm>>
    %dma_wait3A_362 = arith.constant 0 : i32
    %dma_wait3A_363 = tpu.memref_slice %arg2[%add3A_279, %dma_wait3A_362] : memref<16384x768xf32, #tpu.memory_space<hbm>> -> memref<32x768xf32, #tpu.memory_space<hbm>>
    tpu.wait_dma2 semaphore(%arg15 : memref<!tpu.dma_semaphore, #tpu.memory_space<semaphore_mem>>) src(%dma_wait3A_363 : memref<32x768xf32, #tpu.memory_space<hbm>>) dst(%arg9 : memref<32x768xf32, #tpu.memory_space<vmem>>)
    %dma_start3A_364 = arith.constant 0 : i32
    %dma_start3A_365 = arith.constant 0 : i32
    %dma_start3A_366 = tpu.memref_slice %arg13[%dma_start3A_364, %dma_start3A_365] : memref<1x32xi32, #tpu.memory_space<vmem>> -> memref<1x32xi32, #tpu.memory_space<vmem>>
    %dma_start3A_367 = tpu.memref_squeeze %dma_start3A_366 : memref<1x32xi32, #tpu.memory_space<vmem>> -> memref<32xi32, #tpu.memory_space<vmem>>
    %dma_start3A_368 = arith.constant 0 : i32
    %dma_start3A_369 = arith.constant 0 : i32
    %dma_start3A_370 = tpu.memref_slice %arg6[%dma_start3A_368, %dma_start3A_369] : memref<1024x768xf32, #tpu.memory_space<vmem_shared>> -> memref<1024x768xf32, #tpu.memory_space<vmem_shared>>
    tpu.enqueue_indirect_dma source(%arg9 : memref<32x768xf32, #tpu.memory_space<vmem>>) target(%dma_start3A_370 : memref<1024x768xf32, #tpu.memory_space<vmem_shared>>) offsets(%dma_start3A_367 : memref<32xi32, #tpu.memory_space<vmem>>) semaphore(%arg17 : memref<!tpu.dma_semaphore, #tpu.memory_space<semaphore_mem>>) {add = true}
    %dma_start3A_371 = arith.constant 0 : i32
    %dma_start3A_372 = arith.constant 0 : i32
    %dma_start3A_373 = tpu.memref_slice %arg13[%dma_start3A_371, %dma_start3A_372] : memref<1x32xi32, #tpu.memory_space<vmem>> -> memref<1x32xi32, #tpu.memory_space<vmem>>
    %dma_start3A_374 = tpu.memref_squeeze %dma_start3A_373 : memref<1x32xi32, #tpu.memory_space<vmem>> -> memref<32xi32, #tpu.memory_space<vmem>>
    %dma_start3A_375 = arith.constant 0 : i32
    %dma_start3A_376 = arith.constant 0 : i32
    %dma_start3A_377 = tpu.memref_slice %arg7[%dma_start3A_375, %dma_start3A_376] : memref<1024x128xf32, #tpu.memory_space<vmem_shared>> -> memref<1024x128xf32, #tpu.memory_space<vmem_shared>>
    tpu.enqueue_indirect_dma source(%arg10 : memref<32x128xf32, #tpu.memory_space<vmem>>) target(%dma_start3A_377 : memref<1024x128xf32, #tpu.memory_space<vmem_shared>>) offsets(%dma_start3A_374 : memref<32xi32, #tpu.memory_space<vmem>>) semaphore(%arg17 : memref<!tpu.dma_semaphore, #tpu.memory_space<semaphore_mem>>) {add = true}
    %dma_wait3A_378 = arith.constant 0 : i32
    %dma_wait3A_379 = arith.constant 0 : i32
    %dma_wait3A_380 = tpu.memref_slice %arg13[%dma_wait3A_378, %dma_wait3A_379] : memref<1x32xi32, #tpu.memory_space<vmem>> -> memref<1x32xi32, #tpu.memory_space<vmem>>
    %dma_wait3A_381 = tpu.memref_squeeze %dma_wait3A_380 : memref<1x32xi32, #tpu.memory_space<vmem>> -> memref<32xi32, #tpu.memory_space<vmem>>
    %dma_wait3A_382 = arith.constant 0 : i32
    %dma_wait3A_383 = arith.constant 0 : i32
    %dma_wait3A_384 = tpu.memref_slice %arg6[%dma_wait3A_382, %dma_wait3A_383] : memref<1024x768xf32, #tpu.memory_space<vmem_shared>> -> memref<1024x768xf32, #tpu.memory_space<vmem_shared>>
    tpu.wait_indirect_dma semaphore(%arg17 : memref<!tpu.dma_semaphore, #tpu.memory_space<semaphore_mem>>) src(%arg9 : memref<32x768xf32, #tpu.memory_space<vmem>>) dst(%dma_wait3A_384 : memref<1024x768xf32, #tpu.memory_space<vmem_shared>>)
    %dma_wait3A_385 = arith.constant 0 : i32
    %dma_wait3A_386 = arith.constant 0 : i32
    %dma_wait3A_387 = tpu.memref_slice %arg13[%dma_wait3A_385, %dma_wait3A_386] : memref<1x32xi32, #tpu.memory_space<vmem>> -> memref<1x32xi32, #tpu.memory_space<vmem>>
    %dma_wait3A_388 = tpu.memref_squeeze %dma_wait3A_387 : memref<1x32xi32, #tpu.memory_space<vmem>> -> memref<32xi32, #tpu.memory_space<vmem>>
    %dma_wait3A_389 = arith.constant 0 : i32
    %dma_wait3A_390 = arith.constant 0 : i32
    %dma_wait3A_391 = tpu.memref_slice %arg7[%dma_wait3A_389, %dma_wait3A_390] : memref<1024x128xf32, #tpu.memory_space<vmem_shared>> -> memref<1024x128xf32, #tpu.memory_space<vmem_shared>>
    tpu.wait_indirect_dma semaphore(%arg17 : memref<!tpu.dma_semaphore, #tpu.memory_space<semaphore_mem>>) src(%arg10 : memref<32x128xf32, #tpu.memory_space<vmem>>) dst(%dma_wait3A_391 : memref<1024x128xf32, #tpu.memory_space<vmem_shared>>)
    %mul3A_392 = arith.constant 512 : i32
    %mul3A_393 = arith.muli %add3A_28, %mul3A_392 : i32
    %add3A_394 = arith.constant 224 : i32
    %add3A_395 = arith.addi %mul3A_393, %add3A_394 : i32
    %dma_start3A_396 = arith.constant 0 : i32
    %dma_start3A_397 = arith.constant 0 : i32
    %dma_start3A_398 = tpu.memref_slice %arg13[%dma_start3A_396, %dma_start3A_397] : memref<1x32xi32, #tpu.memory_space<vmem>> -> memref<1x32xi32, #tpu.memory_space<vmem>>
    %dma_start3A_399 = tpu.memref_squeeze %dma_start3A_398 : memref<1x32xi32, #tpu.memory_space<vmem>> -> memref<32xi32, #tpu.memory_space<vmem>>
    %dma_start3A_400 = tpu.memref_slice %arg3[%add3A_395] : memref<16384xi32, #tpu.memory_space<hbm>> -> memref<32xi32, #tpu.memory_space<hbm>>
    %dma_start3A_401 = arith.constant 0 : i32
    %dma_start3A_402 = tpu.memref_slice %arg13[%dma_start3A_396, %dma_start3A_401] : memref<1x32xi32, #tpu.memory_space<vmem>> -> memref<1x32xi32, #tpu.memory_space<vmem>>
    %dma_start3A_403 = tpu.memref_squeeze %dma_start3A_402 : memref<1x32xi32, #tpu.memory_space<vmem>> -> memref<32xi32, #tpu.memory_space<vmem>>
    %dma_start3A_404 = tpu.memref_slice %arg3[%add3A_395] : memref<16384xi32, #tpu.memory_space<hbm>> -> memref<32xi32, #tpu.memory_space<hbm>>
    tpu.enqueue_dma source(%dma_start3A_404 : memref<32xi32, #tpu.memory_space<hbm>>) target(%dma_start3A_403 : memref<32xi32, #tpu.memory_space<vmem>>) target_semaphore(%arg15 : memref<!tpu.dma_semaphore, #tpu.memory_space<semaphore_mem>>)
    %dma_start3A_405 = arith.constant 0 : i32
    %dma_start3A_406 = tpu.memref_slice %arg2[%add3A_395, %dma_start3A_405] : memref<16384x768xf32, #tpu.memory_space<hbm>> -> memref<32x768xf32, #tpu.memory_space<hbm>>
    %dma_start3A_407 = arith.constant 0 : i32
    %dma_start3A_408 = tpu.memref_slice %arg2[%add3A_395, %dma_start3A_407] : memref<16384x768xf32, #tpu.memory_space<hbm>> -> memref<32x768xf32, #tpu.memory_space<hbm>>
    tpu.enqueue_dma source(%dma_start3A_408 : memref<32x768xf32, #tpu.memory_space<hbm>>) target(%arg9 : memref<32x768xf32, #tpu.memory_space<vmem>>) target_semaphore(%arg15 : memref<!tpu.dma_semaphore, #tpu.memory_space<semaphore_mem>>)
    %dma_wait3A_409 = arith.constant 0 : i32
    %dma_wait3A_410 = arith.constant 0 : i32
    %dma_wait3A_411 = tpu.memref_slice %arg12[%dma_wait3A_409, %dma_wait3A_410] : memref<1x32xi32, #tpu.memory_space<vmem>> -> memref<1x32xi32, #tpu.memory_space<vmem>>
    %dma_wait3A_412 = tpu.memref_squeeze %dma_wait3A_411 : memref<1x32xi32, #tpu.memory_space<vmem>> -> memref<32xi32, #tpu.memory_space<vmem>>
    %dma_wait3A_413 = tpu.memref_slice %arg3[%add3A_337] : memref<16384xi32, #tpu.memory_space<hbm>> -> memref<32xi32, #tpu.memory_space<hbm>>
    %dma_wait3A_414 = arith.constant 0 : i32
    %dma_wait3A_415 = tpu.memref_slice %arg12[%dma_wait3A_409, %dma_wait3A_414] : memref<1x32xi32, #tpu.memory_space<vmem>> -> memref<1x32xi32, #tpu.memory_space<vmem>>
    %dma_wait3A_416 = tpu.memref_squeeze %dma_wait3A_415 : memref<1x32xi32, #tpu.memory_space<vmem>> -> memref<32xi32, #tpu.memory_space<vmem>>
    %dma_wait3A_417 = tpu.memref_slice %arg3[%add3A_337] : memref<16384xi32, #tpu.memory_space<hbm>> -> memref<32xi32, #tpu.memory_space<hbm>>
    tpu.wait_dma2 semaphore(%arg14 : memref<!tpu.dma_semaphore, #tpu.memory_space<semaphore_mem>>) src(%dma_wait3A_417 : memref<32xi32, #tpu.memory_space<hbm>>) dst(%dma_wait3A_416 : memref<32xi32, #tpu.memory_space<vmem>>)
    %dma_wait3A_418 = arith.constant 0 : i32
    %dma_wait3A_419 = tpu.memref_slice %arg2[%add3A_337, %dma_wait3A_418] : memref<16384x768xf32, #tpu.memory_space<hbm>> -> memref<32x768xf32, #tpu.memory_space<hbm>>
    %dma_wait3A_420 = arith.constant 0 : i32
    %dma_wait3A_421 = tpu.memref_slice %arg2[%add3A_337, %dma_wait3A_420] : memref<16384x768xf32, #tpu.memory_space<hbm>> -> memref<32x768xf32, #tpu.memory_space<hbm>>
    tpu.wait_dma2 semaphore(%arg14 : memref<!tpu.dma_semaphore, #tpu.memory_space<semaphore_mem>>) src(%dma_wait3A_421 : memref<32x768xf32, #tpu.memory_space<hbm>>) dst(%arg8 : memref<32x768xf32, #tpu.memory_space<vmem>>)
    %dma_start3A_422 = arith.constant 0 : i32
    %dma_start3A_423 = arith.constant 0 : i32
    %dma_start3A_424 = tpu.memref_slice %arg12[%dma_start3A_422, %dma_start3A_423] : memref<1x32xi32, #tpu.memory_space<vmem>> -> memref<1x32xi32, #tpu.memory_space<vmem>>
    %dma_start3A_425 = tpu.memref_squeeze %dma_start3A_424 : memref<1x32xi32, #tpu.memory_space<vmem>> -> memref<32xi32, #tpu.memory_space<vmem>>
    %dma_start3A_426 = arith.constant 0 : i32
    %dma_start3A_427 = arith.constant 0 : i32
    %dma_start3A_428 = tpu.memref_slice %arg6[%dma_start3A_426, %dma_start3A_427] : memref<1024x768xf32, #tpu.memory_space<vmem_shared>> -> memref<1024x768xf32, #tpu.memory_space<vmem_shared>>
    tpu.enqueue_indirect_dma source(%arg8 : memref<32x768xf32, #tpu.memory_space<vmem>>) target(%dma_start3A_428 : memref<1024x768xf32, #tpu.memory_space<vmem_shared>>) offsets(%dma_start3A_425 : memref<32xi32, #tpu.memory_space<vmem>>) semaphore(%arg16 : memref<!tpu.dma_semaphore, #tpu.memory_space<semaphore_mem>>) {add = true}
    %dma_start3A_429 = arith.constant 0 : i32
    %dma_start3A_430 = arith.constant 0 : i32
    %dma_start3A_431 = tpu.memref_slice %arg12[%dma_start3A_429, %dma_start3A_430] : memref<1x32xi32, #tpu.memory_space<vmem>> -> memref<1x32xi32, #tpu.memory_space<vmem>>
    %dma_start3A_432 = tpu.memref_squeeze %dma_start3A_431 : memref<1x32xi32, #tpu.memory_space<vmem>> -> memref<32xi32, #tpu.memory_space<vmem>>
    %dma_start3A_433 = arith.constant 0 : i32
    %dma_start3A_434 = arith.constant 0 : i32
    %dma_start3A_435 = tpu.memref_slice %arg7[%dma_start3A_433, %dma_start3A_434] : memref<1024x128xf32, #tpu.memory_space<vmem_shared>> -> memref<1024x128xf32, #tpu.memory_space<vmem_shared>>
    tpu.enqueue_indirect_dma source(%arg10 : memref<32x128xf32, #tpu.memory_space<vmem>>) target(%dma_start3A_435 : memref<1024x128xf32, #tpu.memory_space<vmem_shared>>) offsets(%dma_start3A_432 : memref<32xi32, #tpu.memory_space<vmem>>) semaphore(%arg16 : memref<!tpu.dma_semaphore, #tpu.memory_space<semaphore_mem>>) {add = true}
    %dma_wait3A_436 = arith.constant 0 : i32
    %dma_wait3A_437 = arith.constant 0 : i32
    %dma_wait3A_438 = tpu.memref_slice %arg12[%dma_wait3A_436, %dma_wait3A_437] : memref<1x32xi32, #tpu.memory_space<vmem>> -> memref<1x32xi32, #tpu.memory_space<vmem>>
    %dma_wait3A_439 = tpu.memref_squeeze %dma_wait3A_438 : memref<1x32xi32, #tpu.memory_space<vmem>> -> memref<32xi32, #tpu.memory_space<vmem>>
    %dma_wait3A_440 = arith.constant 0 : i32
    %dma_wait3A_441 = arith.constant 0 : i32
    %dma_wait3A_442 = tpu.memref_slice %arg6[%dma_wait3A_440, %dma_wait3A_441] : memref<1024x768xf32, #tpu.memory_space<vmem_shared>> -> memref<1024x768xf32, #tpu.memory_space<vmem_shared>>
    tpu.wait_indirect_dma semaphore(%arg16 : memref<!tpu.dma_semaphore, #tpu.memory_space<semaphore_mem>>) src(%arg8 : memref<32x768xf32, #tpu.memory_space<vmem>>) dst(%dma_wait3A_442 : memref<1024x768xf32, #tpu.memory_space<vmem_shared>>)
    %dma_wait3A_443 = arith.constant 0 : i32
    %dma_wait3A_444 = arith.constant 0 : i32
    %dma_wait3A_445 = tpu.memref_slice %arg12[%dma_wait3A_443, %dma_wait3A_444] : memref<1x32xi32, #tpu.memory_space<vmem>> -> memref<1x32xi32, #tpu.memory_space<vmem>>
    %dma_wait3A_446 = tpu.memref_squeeze %dma_wait3A_445 : memref<1x32xi32, #tpu.memory_space<vmem>> -> memref<32xi32, #tpu.memory_space<vmem>>
    %dma_wait3A_447 = arith.constant 0 : i32
    %dma_wait3A_448 = arith.constant 0 : i32
    %dma_wait3A_449 = tpu.memref_slice %arg7[%dma_wait3A_447, %dma_wait3A_448] : memref<1024x128xf32, #tpu.memory_space<vmem_shared>> -> memref<1024x128xf32, #tpu.memory_space<vmem_shared>>
    tpu.wait_indirect_dma semaphore(%arg16 : memref<!tpu.dma_semaphore, #tpu.memory_space<semaphore_mem>>) src(%arg10 : memref<32x128xf32, #tpu.memory_space<vmem>>) dst(%dma_wait3A_449 : memref<1024x128xf32, #tpu.memory_space<vmem_shared>>)
    %mul3A_450 = arith.constant 512 : i32
    %mul3A_451 = arith.muli %add3A_28, %mul3A_450 : i32
    %add3A_452 = arith.constant 256 : i32
    %add3A_453 = arith.addi %mul3A_451, %add3A_452 : i32
    %dma_start3A_454 = arith.constant 0 : i32
    %dma_start3A_455 = arith.constant 0 : i32
    %dma_start3A_456 = tpu.memref_slice %arg12[%dma_start3A_454, %dma_start3A_455] : memref<1x32xi32, #tpu.memory_space<vmem>> -> memref<1x32xi32, #tpu.memory_space<vmem>>
    %dma_start3A_457 = tpu.memref_squeeze %dma_start3A_456 : memref<1x32xi32, #tpu.memory_space<vmem>> -> memref<32xi32, #tpu.memory_space<vmem>>
    %dma_start3A_458 = tpu.memref_slice %arg3[%add3A_453] : memref<16384xi32, #tpu.memory_space<hbm>> -> memref<32xi32, #tpu.memory_space<hbm>>
    %dma_start3A_459 = arith.constant 0 : i32
    %dma_start3A_460 = tpu.memref_slice %arg12[%dma_start3A_454, %dma_start3A_459] : memref<1x32xi32, #tpu.memory_space<vmem>> -> memref<1x32xi32, #tpu.memory_space<vmem>>
    %dma_start3A_461 = tpu.memref_squeeze %dma_start3A_460 : memref<1x32xi32, #tpu.memory_space<vmem>> -> memref<32xi32, #tpu.memory_space<vmem>>
    %dma_start3A_462 = tpu.memref_slice %arg3[%add3A_453] : memref<16384xi32, #tpu.memory_space<hbm>> -> memref<32xi32, #tpu.memory_space<hbm>>
    tpu.enqueue_dma source(%dma_start3A_462 : memref<32xi32, #tpu.memory_space<hbm>>) target(%dma_start3A_461 : memref<32xi32, #tpu.memory_space<vmem>>) target_semaphore(%arg14 : memref<!tpu.dma_semaphore, #tpu.memory_space<semaphore_mem>>)
    %dma_start3A_463 = arith.constant 0 : i32
    %dma_start3A_464 = tpu.memref_slice %arg2[%add3A_453, %dma_start3A_463] : memref<16384x768xf32, #tpu.memory_space<hbm>> -> memref<32x768xf32, #tpu.memory_space<hbm>>
    %dma_start3A_465 = arith.constant 0 : i32
    %dma_start3A_466 = tpu.memref_slice %arg2[%add3A_453, %dma_start3A_465] : memref<16384x768xf32, #tpu.memory_space<hbm>> -> memref<32x768xf32, #tpu.memory_space<hbm>>
    tpu.enqueue_dma source(%dma_start3A_466 : memref<32x768xf32, #tpu.memory_space<hbm>>) target(%arg8 : memref<32x768xf32, #tpu.memory_space<vmem>>) target_semaphore(%arg14 : memref<!tpu.dma_semaphore, #tpu.memory_space<semaphore_mem>>)
    %dma_wait3A_467 = arith.constant 0 : i32
    %dma_wait3A_468 = arith.constant 0 : i32
    %dma_wait3A_469 = tpu.memref_slice %arg13[%dma_wait3A_467, %dma_wait3A_468] : memref<1x32xi32, #tpu.memory_space<vmem>> -> memref<1x32xi32, #tpu.memory_space<vmem>>
    %dma_wait3A_470 = tpu.memref_squeeze %dma_wait3A_469 : memref<1x32xi32, #tpu.memory_space<vmem>> -> memref<32xi32, #tpu.memory_space<vmem>>
    %dma_wait3A_471 = tpu.memref_slice %arg3[%add3A_395] : memref<16384xi32, #tpu.memory_space<hbm>> -> memref<32xi32, #tpu.memory_space<hbm>>
    %dma_wait3A_472 = arith.constant 0 : i32
    %dma_wait3A_473 = tpu.memref_slice %arg13[%dma_wait3A_467, %dma_wait3A_472] : memref<1x32xi32, #tpu.memory_space<vmem>> -> memref<1x32xi32, #tpu.memory_space<vmem>>
    %dma_wait3A_474 = tpu.memref_squeeze %dma_wait3A_473 : memref<1x32xi32, #tpu.memory_space<vmem>> -> memref<32xi32, #tpu.memory_space<vmem>>
    %dma_wait3A_475 = tpu.memref_slice %arg3[%add3A_395] : memref<16384xi32, #tpu.memory_space<hbm>> -> memref<32xi32, #tpu.memory_space<hbm>>
    tpu.wait_dma2 semaphore(%arg15 : memref<!tpu.dma_semaphore, #tpu.memory_space<semaphore_mem>>) src(%dma_wait3A_475 : memref<32xi32, #tpu.memory_space<hbm>>) dst(%dma_wait3A_474 : memref<32xi32, #tpu.memory_space<vmem>>)
    %dma_wait3A_476 = arith.constant 0 : i32
    %dma_wait3A_477 = tpu.memref_slice %arg2[%add3A_395, %dma_wait3A_476] : memref<16384x768xf32, #tpu.memory_space<hbm>> -> memref<32x768xf32, #tpu.memory_space<hbm>>
    %dma_wait3A_478 = arith.constant 0 : i32
    %dma_wait3A_479 = tpu.memref_slice %arg2[%add3A_395, %dma_wait3A_478] : memref<16384x768xf32, #tpu.memory_space<hbm>> -> memref<32x768xf32, #tpu.memory_space<hbm>>
    tpu.wait_dma2 semaphore(%arg15 : memref<!tpu.dma_semaphore, #tpu.memory_space<semaphore_mem>>) src(%dma_wait3A_479 : memref<32x768xf32, #tpu.memory_space<hbm>>) dst(%arg9 : memref<32x768xf32, #tpu.memory_space<vmem>>)
    %dma_start3A_480 = arith.constant 0 : i32
    %dma_start3A_481 = arith.constant 0 : i32
    %dma_start3A_482 = tpu.memref_slice %arg13[%dma_start3A_480, %dma_start3A_481] : memref<1x32xi32, #tpu.memory_space<vmem>> -> memref<1x32xi32, #tpu.memory_space<vmem>>
    %dma_start3A_483 = tpu.memref_squeeze %dma_start3A_482 : memref<1x32xi32, #tpu.memory_space<vmem>> -> memref<32xi32, #tpu.memory_space<vmem>>
    %dma_start3A_484 = arith.constant 0 : i32
    %dma_start3A_485 = arith.constant 0 : i32
    %dma_start3A_486 = tpu.memref_slice %arg6[%dma_start3A_484, %dma_start3A_485] : memref<1024x768xf32, #tpu.memory_space<vmem_shared>> -> memref<1024x768xf32, #tpu.memory_space<vmem_shared>>
    tpu.enqueue_indirect_dma source(%arg9 : memref<32x768xf32, #tpu.memory_space<vmem>>) target(%dma_start3A_486 : memref<1024x768xf32, #tpu.memory_space<vmem_shared>>) offsets(%dma_start3A_483 : memref<32xi32, #tpu.memory_space<vmem>>) semaphore(%arg17 : memref<!tpu.dma_semaphore, #tpu.memory_space<semaphore_mem>>) {add = true}
    %dma_start3A_487 = arith.constant 0 : i32
    %dma_start3A_488 = arith.constant 0 : i32
    %dma_start3A_489 = tpu.memref_slice %arg13[%dma_start3A_487, %dma_start3A_488] : memref<1x32xi32, #tpu.memory_space<vmem>> -> memref<1x32xi32, #tpu.memory_space<vmem>>
    %dma_start3A_490 = tpu.memref_squeeze %dma_start3A_489 : memref<1x32xi32, #tpu.memory_space<vmem>> -> memref<32xi32, #tpu.memory_space<vmem>>
    %dma_start3A_491 = arith.constant 0 : i32
    %dma_start3A_492 = arith.constant 0 : i32
    %dma_start3A_493 = tpu.memref_slice %arg7[%dma_start3A_491, %dma_start3A_492] : memref<1024x128xf32, #tpu.memory_space<vmem_shared>> -> memref<1024x128xf32, #tpu.memory_space<vmem_shared>>
    tpu.enqueue_indirect_dma source(%arg10 : memref<32x128xf32, #tpu.memory_space<vmem>>) target(%dma_start3A_493 : memref<1024x128xf32, #tpu.memory_space<vmem_shared>>) offsets(%dma_start3A_490 : memref<32xi32, #tpu.memory_space<vmem>>) semaphore(%arg17 : memref<!tpu.dma_semaphore, #tpu.memory_space<semaphore_mem>>) {add = true}
    %dma_wait3A_494 = arith.constant 0 : i32
    %dma_wait3A_495 = arith.constant 0 : i32
    %dma_wait3A_496 = tpu.memref_slice %arg13[%dma_wait3A_494, %dma_wait3A_495] : memref<1x32xi32, #tpu.memory_space<vmem>> -> memref<1x32xi32, #tpu.memory_space<vmem>>
    %dma_wait3A_497 = tpu.memref_squeeze %dma_wait3A_496 : memref<1x32xi32, #tpu.memory_space<vmem>> -> memref<32xi32, #tpu.memory_space<vmem>>
    %dma_wait3A_498 = arith.constant 0 : i32
    %dma_wait3A_499 = arith.constant 0 : i32
    %dma_wait3A_500 = tpu.memref_slice %arg6[%dma_wait3A_498, %dma_wait3A_499] : memref<1024x768xf32, #tpu.memory_space<vmem_shared>> -> memref<1024x768xf32, #tpu.memory_space<vmem_shared>>
    tpu.wait_indirect_dma semaphore(%arg17 : memref<!tpu.dma_semaphore, #tpu.memory_space<semaphore_mem>>) src(%arg9 : memref<32x768xf32, #tpu.memory_space<vmem>>) dst(%dma_wait3A_500 : memref<1024x768xf32, #tpu.memory_space<vmem_shared>>)
    %dma_wait3A_501 = arith.constant 0 : i32
    %dma_wait3A_502 = arith.constant 0 : i32
    %dma_wait3A_503 = tpu.memref_slice %arg13[%dma_wait3A_501, %dma_wait3A_502] : memref<1x32xi32, #tpu.memory_space<vmem>> -> memref<1x32xi32, #tpu.memory_space<vmem>>
    %dma_wait3A_504 = tpu.memref_squeeze %dma_wait3A_503 : memref<1x32xi32, #tpu.memory_space<vmem>> -> memref<32xi32, #tpu.memory_space<vmem>>
    %dma_wait3A_505 = arith.constant 0 : i32
    %dma_wait3A_506 = arith.constant 0 : i32
    %dma_wait3A_507 = tpu.memref_slice %arg7[%dma_wait3A_505, %dma_wait3A_506] : memref<1024x128xf32, #tpu.memory_space<vmem_shared>> -> memref<1024x128xf32, #tpu.memory_space<vmem_shared>>
    tpu.wait_indirect_dma semaphore(%arg17 : memref<!tpu.dma_semaphore, #tpu.memory_space<semaphore_mem>>) src(%arg10 : memref<32x128xf32, #tpu.memory_space<vmem>>) dst(%dma_wait3A_507 : memref<1024x128xf32, #tpu.memory_space<vmem_shared>>)
    %mul3A_508 = arith.constant 512 : i32
    %mul3A_509 = arith.muli %add3A_28, %mul3A_508 : i32
    %add3A_510 = arith.constant 288 : i32
    %add3A_511 = arith.addi %mul3A_509, %add3A_510 : i32
    %dma_start3A_512 = arith.constant 0 : i32
    %dma_start3A_513 = arith.constant 0 : i32
    %dma_start3A_514 = tpu.memref_slice %arg13[%dma_start3A_512, %dma_start3A_513] : memref<1x32xi32, #tpu.memory_space<vmem>> -> memref<1x32xi32, #tpu.memory_space<vmem>>
    %dma_start3A_515 = tpu.memref_squeeze %dma_start3A_514 : memref<1x32xi32, #tpu.memory_space<vmem>> -> memref<32xi32, #tpu.memory_space<vmem>>
    %dma_start3A_516 = tpu.memref_slice %arg3[%add3A_511] : memref<16384xi32, #tpu.memory_space<hbm>> -> memref<32xi32, #tpu.memory_space<hbm>>
    %dma_start3A_517 = arith.constant 0 : i32
    %dma_start3A_518 = tpu.memref_slice %arg13[%dma_start3A_512, %dma_start3A_517] : memref<1x32xi32, #tpu.memory_space<vmem>> -> memref<1x32xi32, #tpu.memory_space<vmem>>
    %dma_start3A_519 = tpu.memref_squeeze %dma_start3A_518 : memref<1x32xi32, #tpu.memory_space<vmem>> -> memref<32xi32, #tpu.memory_space<vmem>>
    %dma_start3A_520 = tpu.memref_slice %arg3[%add3A_511] : memref<16384xi32, #tpu.memory_space<hbm>> -> memref<32xi32, #tpu.memory_space<hbm>>
    tpu.enqueue_dma source(%dma_start3A_520 : memref<32xi32, #tpu.memory_space<hbm>>) target(%dma_start3A_519 : memref<32xi32, #tpu.memory_space<vmem>>) target_semaphore(%arg15 : memref<!tpu.dma_semaphore, #tpu.memory_space<semaphore_mem>>)
    %dma_start3A_521 = arith.constant 0 : i32
    %dma_start3A_522 = tpu.memref_slice %arg2[%add3A_511, %dma_start3A_521] : memref<16384x768xf32, #tpu.memory_space<hbm>> -> memref<32x768xf32, #tpu.memory_space<hbm>>
    %dma_start3A_523 = arith.constant 0 : i32
    %dma_start3A_524 = tpu.memref_slice %arg2[%add3A_511, %dma_start3A_523] : memref<16384x768xf32, #tpu.memory_space<hbm>> -> memref<32x768xf32, #tpu.memory_space<hbm>>
    tpu.enqueue_dma source(%dma_start3A_524 : memref<32x768xf32, #tpu.memory_space<hbm>>) target(%arg9 : memref<32x768xf32, #tpu.memory_space<vmem>>) target_semaphore(%arg15 : memref<!tpu.dma_semaphore, #tpu.memory_space<semaphore_mem>>)
    %dma_wait3A_525 = arith.constant 0 : i32
    %dma_wait3A_526 = arith.constant 0 : i32
    %dma_wait3A_527 = tpu.memref_slice %arg12[%dma_wait3A_525, %dma_wait3A_526] : memref<1x32xi32, #tpu.memory_space<vmem>> -> memref<1x32xi32, #tpu.memory_space<vmem>>
    %dma_wait3A_528 = tpu.memref_squeeze %dma_wait3A_527 : memref<1x32xi32, #tpu.memory_space<vmem>> -> memref<32xi32, #tpu.memory_space<vmem>>
    %dma_wait3A_529 = tpu.memref_slice %arg3[%add3A_453] : memref<16384xi32, #tpu.memory_space<hbm>> -> memref<32xi32, #tpu.memory_space<hbm>>
    %dma_wait3A_530 = arith.constant 0 : i32
    %dma_wait3A_531 = tpu.memref_slice %arg12[%dma_wait3A_525, %dma_wait3A_530] : memref<1x32xi32, #tpu.memory_space<vmem>> -> memref<1x32xi32, #tpu.memory_space<vmem>>
    %dma_wait3A_532 = tpu.memref_squeeze %dma_wait3A_531 : memref<1x32xi32, #tpu.memory_space<vmem>> -> memref<32xi32, #tpu.memory_space<vmem>>
    %dma_wait3A_533 = tpu.memref_slice %arg3[%add3A_453] : memref<16384xi32, #tpu.memory_space<hbm>> -> memref<32xi32, #tpu.memory_space<hbm>>
    tpu.wait_dma2 semaphore(%arg14 : memref<!tpu.dma_semaphore, #tpu.memory_space<semaphore_mem>>) src(%dma_wait3A_533 : memref<32xi32, #tpu.memory_space<hbm>>) dst(%dma_wait3A_532 : memref<32xi32, #tpu.memory_space<vmem>>)
    %dma_wait3A_534 = arith.constant 0 : i32
    %dma_wait3A_535 = tpu.memref_slice %arg2[%add3A_453, %dma_wait3A_534] : memref<16384x768xf32, #tpu.memory_space<hbm>> -> memref<32x768xf32, #tpu.memory_space<hbm>>
    %dma_wait3A_536 = arith.constant 0 : i32
    %dma_wait3A_537 = tpu.memref_slice %arg2[%add3A_453, %dma_wait3A_536] : memref<16384x768xf32, #tpu.memory_space<hbm>> -> memref<32x768xf32, #tpu.memory_space<hbm>>
    tpu.wait_dma2 semaphore(%arg14 : memref<!tpu.dma_semaphore, #tpu.memory_space<semaphore_mem>>) src(%dma_wait3A_537 : memref<32x768xf32, #tpu.memory_space<hbm>>) dst(%arg8 : memref<32x768xf32, #tpu.memory_space<vmem>>)
    %dma_start3A_538 = arith.constant 0 : i32
    %dma_start3A_539 = arith.constant 0 : i32
    %dma_start3A_540 = tpu.memref_slice %arg12[%dma_start3A_538, %dma_start3A_539] : memref<1x32xi32, #tpu.memory_space<vmem>> -> memref<1x32xi32, #tpu.memory_space<vmem>>
    %dma_start3A_541 = tpu.memref_squeeze %dma_start3A_540 : memref<1x32xi32, #tpu.memory_space<vmem>> -> memref<32xi32, #tpu.memory_space<vmem>>
    %dma_start3A_542 = arith.constant 0 : i32
    %dma_start3A_543 = arith.constant 0 : i32
    %dma_start3A_544 = tpu.memref_slice %arg6[%dma_start3A_542, %dma_start3A_543] : memref<1024x768xf32, #tpu.memory_space<vmem_shared>> -> memref<1024x768xf32, #tpu.memory_space<vmem_shared>>
    tpu.enqueue_indirect_dma source(%arg8 : memref<32x768xf32, #tpu.memory_space<vmem>>) target(%dma_start3A_544 : memref<1024x768xf32, #tpu.memory_space<vmem_shared>>) offsets(%dma_start3A_541 : memref<32xi32, #tpu.memory_space<vmem>>) semaphore(%arg16 : memref<!tpu.dma_semaphore, #tpu.memory_space<semaphore_mem>>) {add = true}
    %dma_start3A_545 = arith.constant 0 : i32
    %dma_start3A_546 = arith.constant 0 : i32
    %dma_start3A_547 = tpu.memref_slice %arg12[%dma_start3A_545, %dma_start3A_546] : memref<1x32xi32, #tpu.memory_space<vmem>> -> memref<1x32xi32, #tpu.memory_space<vmem>>
    %dma_start3A_548 = tpu.memref_squeeze %dma_start3A_547 : memref<1x32xi32, #tpu.memory_space<vmem>> -> memref<32xi32, #tpu.memory_space<vmem>>
    %dma_start3A_549 = arith.constant 0 : i32
    %dma_start3A_550 = arith.constant 0 : i32
    %dma_start3A_551 = tpu.memref_slice %arg7[%dma_start3A_549, %dma_start3A_550] : memref<1024x128xf32, #tpu.memory_space<vmem_shared>> -> memref<1024x128xf32, #tpu.memory_space<vmem_shared>>
    tpu.enqueue_indirect_dma source(%arg10 : memref<32x128xf32, #tpu.memory_space<vmem>>) target(%dma_start3A_551 : memref<1024x128xf32, #tpu.memory_space<vmem_shared>>) offsets(%dma_start3A_548 : memref<32xi32, #tpu.memory_space<vmem>>) semaphore(%arg16 : memref<!tpu.dma_semaphore, #tpu.memory_space<semaphore_mem>>) {add = true}
    %dma_wait3A_552 = arith.constant 0 : i32
    %dma_wait3A_553 = arith.constant 0 : i32
    %dma_wait3A_554 = tpu.memref_slice %arg12[%dma_wait3A_552, %dma_wait3A_553] : memref<1x32xi32, #tpu.memory_space<vmem>> -> memref<1x32xi32, #tpu.memory_space<vmem>>
    %dma_wait3A_555 = tpu.memref_squeeze %dma_wait3A_554 : memref<1x32xi32, #tpu.memory_space<vmem>> -> memref<32xi32, #tpu.memory_space<vmem>>
    %dma_wait3A_556 = arith.constant 0 : i32
    %dma_wait3A_557 = arith.constant 0 : i32
    %dma_wait3A_558 = tpu.memref_slice %arg6[%dma_wait3A_556, %dma_wait3A_557] : memref<1024x768xf32, #tpu.memory_space<vmem_shared>> -> memref<1024x768xf32, #tpu.memory_space<vmem_shared>>
    tpu.wait_indirect_dma semaphore(%arg16 : memref<!tpu.dma_semaphore, #tpu.memory_space<semaphore_mem>>) src(%arg8 : memref<32x768xf32, #tpu.memory_space<vmem>>) dst(%dma_wait3A_558 : memref<1024x768xf32, #tpu.memory_space<vmem_shared>>)
    %dma_wait3A_559 = arith.constant 0 : i32
    %dma_wait3A_560 = arith.constant 0 : i32
    %dma_wait3A_561 = tpu.memref_slice %arg12[%dma_wait3A_559, %dma_wait3A_560] : memref<1x32xi32, #tpu.memory_space<vmem>> -> memref<1x32xi32, #tpu.memory_space<vmem>>
    %dma_wait3A_562 = tpu.memref_squeeze %dma_wait3A_561 : memref<1x32xi32, #tpu.memory_space<vmem>> -> memref<32xi32, #tpu.memory_space<vmem>>
    %dma_wait3A_563 = arith.constant 0 : i32
    %dma_wait3A_564 = arith.constant 0 : i32
    %dma_wait3A_565 = tpu.memref_slice %arg7[%dma_wait3A_563, %dma_wait3A_564] : memref<1024x128xf32, #tpu.memory_space<vmem_shared>> -> memref<1024x128xf32, #tpu.memory_space<vmem_shared>>
    tpu.wait_indirect_dma semaphore(%arg16 : memref<!tpu.dma_semaphore, #tpu.memory_space<semaphore_mem>>) src(%arg10 : memref<32x128xf32, #tpu.memory_space<vmem>>) dst(%dma_wait3A_565 : memref<1024x128xf32, #tpu.memory_space<vmem_shared>>)
    %mul3A_566 = arith.constant 512 : i32
    %mul3A_567 = arith.muli %add3A_28, %mul3A_566 : i32
    %add3A_568 = arith.constant 320 : i32
    %add3A_569 = arith.addi %mul3A_567, %add3A_568 : i32
    %dma_start3A_570 = arith.constant 0 : i32
    %dma_start3A_571 = arith.constant 0 : i32
    %dma_start3A_572 = tpu.memref_slice %arg12[%dma_start3A_570, %dma_start3A_571] : memref<1x32xi32, #tpu.memory_space<vmem>> -> memref<1x32xi32, #tpu.memory_space<vmem>>
    %dma_start3A_573 = tpu.memref_squeeze %dma_start3A_572 : memref<1x32xi32, #tpu.memory_space<vmem>> -> memref<32xi32, #tpu.memory_space<vmem>>
    %dma_start3A_574 = tpu.memref_slice %arg3[%add3A_569] : memref<16384xi32, #tpu.memory_space<hbm>> -> memref<32xi32, #tpu.memory_space<hbm>>
    %dma_start3A_575 = arith.constant 0 : i32
    %dma_start3A_576 = tpu.memref_slice %arg12[%dma_start3A_570, %dma_start3A_575] : memref<1x32xi32, #tpu.memory_space<vmem>> -> memref<1x32xi32, #tpu.memory_space<vmem>>
    %dma_start3A_577 = tpu.memref_squeeze %dma_start3A_576 : memref<1x32xi32, #tpu.memory_space<vmem>> -> memref<32xi32, #tpu.memory_space<vmem>>
    %dma_start3A_578 = tpu.memref_slice %arg3[%add3A_569] : memref<16384xi32, #tpu.memory_space<hbm>> -> memref<32xi32, #tpu.memory_space<hbm>>
    tpu.enqueue_dma source(%dma_start3A_578 : memref<32xi32, #tpu.memory_space<hbm>>) target(%dma_start3A_577 : memref<32xi32, #tpu.memory_space<vmem>>) target_semaphore(%arg14 : memref<!tpu.dma_semaphore, #tpu.memory_space<semaphore_mem>>)
    %dma_start3A_579 = arith.constant 0 : i32
    %dma_start3A_580 = tpu.memref_slice %arg2[%add3A_569, %dma_start3A_579] : memref<16384x768xf32, #tpu.memory_space<hbm>> -> memref<32x768xf32, #tpu.memory_space<hbm>>
    %dma_start3A_581 = arith.constant 0 : i32
    %dma_start3A_582 = tpu.memref_slice %arg2[%add3A_569, %dma_start3A_581] : memref<16384x768xf32, #tpu.memory_space<hbm>> -> memref<32x768xf32, #tpu.memory_space<hbm>>
    tpu.enqueue_dma source(%dma_start3A_582 : memref<32x768xf32, #tpu.memory_space<hbm>>) target(%arg8 : memref<32x768xf32, #tpu.memory_space<vmem>>) target_semaphore(%arg14 : memref<!tpu.dma_semaphore, #tpu.memory_space<semaphore_mem>>)
    %dma_wait3A_583 = arith.constant 0 : i32
    %dma_wait3A_584 = arith.constant 0 : i32
    %dma_wait3A_585 = tpu.memref_slice %arg13[%dma_wait3A_583, %dma_wait3A_584] : memref<1x32xi32, #tpu.memory_space<vmem>> -> memref<1x32xi32, #tpu.memory_space<vmem>>
    %dma_wait3A_586 = tpu.memref_squeeze %dma_wait3A_585 : memref<1x32xi32, #tpu.memory_space<vmem>> -> memref<32xi32, #tpu.memory_space<vmem>>
    %dma_wait3A_587 = tpu.memref_slice %arg3[%add3A_511] : memref<16384xi32, #tpu.memory_space<hbm>> -> memref<32xi32, #tpu.memory_space<hbm>>
    %dma_wait3A_588 = arith.constant 0 : i32
    %dma_wait3A_589 = tpu.memref_slice %arg13[%dma_wait3A_583, %dma_wait3A_588] : memref<1x32xi32, #tpu.memory_space<vmem>> -> memref<1x32xi32, #tpu.memory_space<vmem>>
    %dma_wait3A_590 = tpu.memref_squeeze %dma_wait3A_589 : memref<1x32xi32, #tpu.memory_space<vmem>> -> memref<32xi32, #tpu.memory_space<vmem>>
    %dma_wait3A_591 = tpu.memref_slice %arg3[%add3A_511] : memref<16384xi32, #tpu.memory_space<hbm>> -> memref<32xi32, #tpu.memory_space<hbm>>
    tpu.wait_dma2 semaphore(%arg15 : memref<!tpu.dma_semaphore, #tpu.memory_space<semaphore_mem>>) src(%dma_wait3A_591 : memref<32xi32, #tpu.memory_space<hbm>>) dst(%dma_wait3A_590 : memref<32xi32, #tpu.memory_space<vmem>>)
    %dma_wait3A_592 = arith.constant 0 : i32
    %dma_wait3A_593 = tpu.memref_slice %arg2[%add3A_511, %dma_wait3A_592] : memref<16384x768xf32, #tpu.memory_space<hbm>> -> memref<32x768xf32, #tpu.memory_space<hbm>>
    %dma_wait3A_594 = arith.constant 0 : i32
    %dma_wait3A_595 = tpu.memref_slice %arg2[%add3A_511, %dma_wait3A_594] : memref<16384x768xf32, #tpu.memory_space<hbm>> -> memref<32x768xf32, #tpu.memory_space<hbm>>
    tpu.wait_dma2 semaphore(%arg15 : memref<!tpu.dma_semaphore, #tpu.memory_space<semaphore_mem>>) src(%dma_wait3A_595 : memref<32x768xf32, #tpu.memory_space<hbm>>) dst(%arg9 : memref<32x768xf32, #tpu.memory_space<vmem>>)
    %dma_start3A_596 = arith.constant 0 : i32
    %dma_start3A_597 = arith.constant 0 : i32
    %dma_start3A_598 = tpu.memref_slice %arg13[%dma_start3A_596, %dma_start3A_597] : memref<1x32xi32, #tpu.memory_space<vmem>> -> memref<1x32xi32, #tpu.memory_space<vmem>>
    %dma_start3A_599 = tpu.memref_squeeze %dma_start3A_598 : memref<1x32xi32, #tpu.memory_space<vmem>> -> memref<32xi32, #tpu.memory_space<vmem>>
    %dma_start3A_600 = arith.constant 0 : i32
    %dma_start3A_601 = arith.constant 0 : i32
    %dma_start3A_602 = tpu.memref_slice %arg6[%dma_start3A_600, %dma_start3A_601] : memref<1024x768xf32, #tpu.memory_space<vmem_shared>> -> memref<1024x768xf32, #tpu.memory_space<vmem_shared>>
    tpu.enqueue_indirect_dma source(%arg9 : memref<32x768xf32, #tpu.memory_space<vmem>>) target(%dma_start3A_602 : memref<1024x768xf32, #tpu.memory_space<vmem_shared>>) offsets(%dma_start3A_599 : memref<32xi32, #tpu.memory_space<vmem>>) semaphore(%arg17 : memref<!tpu.dma_semaphore, #tpu.memory_space<semaphore_mem>>) {add = true}
    %dma_start3A_603 = arith.constant 0 : i32
    %dma_start3A_604 = arith.constant 0 : i32
    %dma_start3A_605 = tpu.memref_slice %arg13[%dma_start3A_603, %dma_start3A_604] : memref<1x32xi32, #tpu.memory_space<vmem>> -> memref<1x32xi32, #tpu.memory_space<vmem>>
    %dma_start3A_606 = tpu.memref_squeeze %dma_start3A_605 : memref<1x32xi32, #tpu.memory_space<vmem>> -> memref<32xi32, #tpu.memory_space<vmem>>
    %dma_start3A_607 = arith.constant 0 : i32
    %dma_start3A_608 = arith.constant 0 : i32
    %dma_start3A_609 = tpu.memref_slice %arg7[%dma_start3A_607, %dma_start3A_608] : memref<1024x128xf32, #tpu.memory_space<vmem_shared>> -> memref<1024x128xf32, #tpu.memory_space<vmem_shared>>
    tpu.enqueue_indirect_dma source(%arg10 : memref<32x128xf32, #tpu.memory_space<vmem>>) target(%dma_start3A_609 : memref<1024x128xf32, #tpu.memory_space<vmem_shared>>) offsets(%dma_start3A_606 : memref<32xi32, #tpu.memory_space<vmem>>) semaphore(%arg17 : memref<!tpu.dma_semaphore, #tpu.memory_space<semaphore_mem>>) {add = true}
    %dma_wait3A_610 = arith.constant 0 : i32
    %dma_wait3A_611 = arith.constant 0 : i32
    %dma_wait3A_612 = tpu.memref_slice %arg13[%dma_wait3A_610, %dma_wait3A_611] : memref<1x32xi32, #tpu.memory_space<vmem>> -> memref<1x32xi32, #tpu.memory_space<vmem>>
    %dma_wait3A_613 = tpu.memref_squeeze %dma_wait3A_612 : memref<1x32xi32, #tpu.memory_space<vmem>> -> memref<32xi32, #tpu.memory_space<vmem>>
    %dma_wait3A_614 = arith.constant 0 : i32
    %dma_wait3A_615 = arith.constant 0 : i32
    %dma_wait3A_616 = tpu.memref_slice %arg6[%dma_wait3A_614, %dma_wait3A_615] : memref<1024x768xf32, #tpu.memory_space<vmem_shared>> -> memref<1024x768xf32, #tpu.memory_space<vmem_shared>>
    tpu.wait_indirect_dma semaphore(%arg17 : memref<!tpu.dma_semaphore, #tpu.memory_space<semaphore_mem>>) src(%arg9 : memref<32x768xf32, #tpu.memory_space<vmem>>) dst(%dma_wait3A_616 : memref<1024x768xf32, #tpu.memory_space<vmem_shared>>)
    %dma_wait3A_617 = arith.constant 0 : i32
    %dma_wait3A_618 = arith.constant 0 : i32
    %dma_wait3A_619 = tpu.memref_slice %arg13[%dma_wait3A_617, %dma_wait3A_618] : memref<1x32xi32, #tpu.memory_space<vmem>> -> memref<1x32xi32, #tpu.memory_space<vmem>>
    %dma_wait3A_620 = tpu.memref_squeeze %dma_wait3A_619 : memref<1x32xi32, #tpu.memory_space<vmem>> -> memref<32xi32, #tpu.memory_space<vmem>>
    %dma_wait3A_621 = arith.constant 0 : i32
    %dma_wait3A_622 = arith.constant 0 : i32
    %dma_wait3A_623 = tpu.memref_slice %arg7[%dma_wait3A_621, %dma_wait3A_622] : memref<1024x128xf32, #tpu.memory_space<vmem_shared>> -> memref<1024x128xf32, #tpu.memory_space<vmem_shared>>
    tpu.wait_indirect_dma semaphore(%arg17 : memref<!tpu.dma_semaphore, #tpu.memory_space<semaphore_mem>>) src(%arg10 : memref<32x128xf32, #tpu.memory_space<vmem>>) dst(%dma_wait3A_623 : memref<1024x128xf32, #tpu.memory_space<vmem_shared>>)
    %mul3A_624 = arith.constant 512 : i32
    %mul3A_625 = arith.muli %add3A_28, %mul3A_624 : i32
    %add3A_626 = arith.constant 352 : i32
    %add3A_627 = arith.addi %mul3A_625, %add3A_626 : i32
    %dma_start3A_628 = arith.constant 0 : i32
    %dma_start3A_629 = arith.constant 0 : i32
    %dma_start3A_630 = tpu.memref_slice %arg13[%dma_start3A_628, %dma_start3A_629] : memref<1x32xi32, #tpu.memory_space<vmem>> -> memref<1x32xi32, #tpu.memory_space<vmem>>
    %dma_start3A_631 = tpu.memref_squeeze %dma_start3A_630 : memref<1x32xi32, #tpu.memory_space<vmem>> -> memref<32xi32, #tpu.memory_space<vmem>>
    %dma_start3A_632 = tpu.memref_slice %arg3[%add3A_627] : memref<16384xi32, #tpu.memory_space<hbm>> -> memref<32xi32, #tpu.memory_space<hbm>>
    %dma_start3A_633 = arith.constant 0 : i32
    %dma_start3A_634 = tpu.memref_slice %arg13[%dma_start3A_628, %dma_start3A_633] : memref<1x32xi32, #tpu.memory_space<vmem>> -> memref<1x32xi32, #tpu.memory_space<vmem>>
    %dma_start3A_635 = tpu.memref_squeeze %dma_start3A_634 : memref<1x32xi32, #tpu.memory_space<vmem>> -> memref<32xi32, #tpu.memory_space<vmem>>
    %dma_start3A_636 = tpu.memref_slice %arg3[%add3A_627] : memref<16384xi32, #tpu.memory_space<hbm>> -> memref<32xi32, #tpu.memory_space<hbm>>
    tpu.enqueue_dma source(%dma_start3A_636 : memref<32xi32, #tpu.memory_space<hbm>>) target(%dma_start3A_635 : memref<32xi32, #tpu.memory_space<vmem>>) target_semaphore(%arg15 : memref<!tpu.dma_semaphore, #tpu.memory_space<semaphore_mem>>)
    %dma_start3A_637 = arith.constant 0 : i32
    %dma_start3A_638 = tpu.memref_slice %arg2[%add3A_627, %dma_start3A_637] : memref<16384x768xf32, #tpu.memory_space<hbm>> -> memref<32x768xf32, #tpu.memory_space<hbm>>
    %dma_start3A_639 = arith.constant 0 : i32
    %dma_start3A_640 = tpu.memref_slice %arg2[%add3A_627, %dma_start3A_639] : memref<16384x768xf32, #tpu.memory_space<hbm>> -> memref<32x768xf32, #tpu.memory_space<hbm>>
    tpu.enqueue_dma source(%dma_start3A_640 : memref<32x768xf32, #tpu.memory_space<hbm>>) target(%arg9 : memref<32x768xf32, #tpu.memory_space<vmem>>) target_semaphore(%arg15 : memref<!tpu.dma_semaphore, #tpu.memory_space<semaphore_mem>>)
    %dma_wait3A_641 = arith.constant 0 : i32
    %dma_wait3A_642 = arith.constant 0 : i32
    %dma_wait3A_643 = tpu.memref_slice %arg12[%dma_wait3A_641, %dma_wait3A_642] : memref<1x32xi32, #tpu.memory_space<vmem>> -> memref<1x32xi32, #tpu.memory_space<vmem>>
    %dma_wait3A_644 = tpu.memref_squeeze %dma_wait3A_643 : memref<1x32xi32, #tpu.memory_space<vmem>> -> memref<32xi32, #tpu.memory_space<vmem>>
    %dma_wait3A_645 = tpu.memref_slice %arg3[%add3A_569] : memref<16384xi32, #tpu.memory_space<hbm>> -> memref<32xi32, #tpu.memory_space<hbm>>
    %dma_wait3A_646 = arith.constant 0 : i32
    %dma_wait3A_647 = tpu.memref_slice %arg12[%dma_wait3A_641, %dma_wait3A_646] : memref<1x32xi32, #tpu.memory_space<vmem>> -> memref<1x32xi32, #tpu.memory_space<vmem>>
    %dma_wait3A_648 = tpu.memref_squeeze %dma_wait3A_647 : memref<1x32xi32, #tpu.memory_space<vmem>> -> memref<32xi32, #tpu.memory_space<vmem>>
    %dma_wait3A_649 = tpu.memref_slice %arg3[%add3A_569] : memref<16384xi32, #tpu.memory_space<hbm>> -> memref<32xi32, #tpu.memory_space<hbm>>
    tpu.wait_dma2 semaphore(%arg14 : memref<!tpu.dma_semaphore, #tpu.memory_space<semaphore_mem>>) src(%dma_wait3A_649 : memref<32xi32, #tpu.memory_space<hbm>>) dst(%dma_wait3A_648 : memref<32xi32, #tpu.memory_space<vmem>>)
    %dma_wait3A_650 = arith.constant 0 : i32
    %dma_wait3A_651 = tpu.memref_slice %arg2[%add3A_569, %dma_wait3A_650] : memref<16384x768xf32, #tpu.memory_space<hbm>> -> memref<32x768xf32, #tpu.memory_space<hbm>>
    %dma_wait3A_652 = arith.constant 0 : i32
    %dma_wait3A_653 = tpu.memref_slice %arg2[%add3A_569, %dma_wait3A_652] : memref<16384x768xf32, #tpu.memory_space<hbm>> -> memref<32x768xf32, #tpu.memory_space<hbm>>
    tpu.wait_dma2 semaphore(%arg14 : memref<!tpu.dma_semaphore, #tpu.memory_space<semaphore_mem>>) src(%dma_wait3A_653 : memref<32x768xf32, #tpu.memory_space<hbm>>) dst(%arg8 : memref<32x768xf32, #tpu.memory_space<vmem>>)
    %dma_start3A_654 = arith.constant 0 : i32
    %dma_start3A_655 = arith.constant 0 : i32
    %dma_start3A_656 = tpu.memref_slice %arg12[%dma_start3A_654, %dma_start3A_655] : memref<1x32xi32, #tpu.memory_space<vmem>> -> memref<1x32xi32, #tpu.memory_space<vmem>>
    %dma_start3A_657 = tpu.memref_squeeze %dma_start3A_656 : memref<1x32xi32, #tpu.memory_space<vmem>> -> memref<32xi32, #tpu.memory_space<vmem>>
    %dma_start3A_658 = arith.constant 0 : i32
    %dma_start3A_659 = arith.constant 0 : i32
    %dma_start3A_660 = tpu.memref_slice %arg6[%dma_start3A_658, %dma_start3A_659] : memref<1024x768xf32, #tpu.memory_space<vmem_shared>> -> memref<1024x768xf32, #tpu.memory_space<vmem_shared>>
    tpu.enqueue_indirect_dma source(%arg8 : memref<32x768xf32, #tpu.memory_space<vmem>>) target(%dma_start3A_660 : memref<1024x768xf32, #tpu.memory_space<vmem_shared>>) offsets(%dma_start3A_657 : memref<32xi32, #tpu.memory_space<vmem>>) semaphore(%arg16 : memref<!tpu.dma_semaphore, #tpu.memory_space<semaphore_mem>>) {add = true}
    %dma_start3A_661 = arith.constant 0 : i32
    %dma_start3A_662 = arith.constant 0 : i32
    %dma_start3A_663 = tpu.memref_slice %arg12[%dma_start3A_661, %dma_start3A_662] : memref<1x32xi32, #tpu.memory_space<vmem>> -> memref<1x32xi32, #tpu.memory_space<vmem>>
    %dma_start3A_664 = tpu.memref_squeeze %dma_start3A_663 : memref<1x32xi32, #tpu.memory_space<vmem>> -> memref<32xi32, #tpu.memory_space<vmem>>
    %dma_start3A_665 = arith.constant 0 : i32
    %dma_start3A_666 = arith.constant 0 : i32
    %dma_start3A_667 = tpu.memref_slice %arg7[%dma_start3A_665, %dma_start3A_666] : memref<1024x128xf32, #tpu.memory_space<vmem_shared>> -> memref<1024x128xf32, #tpu.memory_space<vmem_shared>>
    tpu.enqueue_indirect_dma source(%arg10 : memref<32x128xf32, #tpu.memory_space<vmem>>) target(%dma_start3A_667 : memref<1024x128xf32, #tpu.memory_space<vmem_shared>>) offsets(%dma_start3A_664 : memref<32xi32, #tpu.memory_space<vmem>>) semaphore(%arg16 : memref<!tpu.dma_semaphore, #tpu.memory_space<semaphore_mem>>) {add = true}
    %dma_wait3A_668 = arith.constant 0 : i32
    %dma_wait3A_669 = arith.constant 0 : i32
    %dma_wait3A_670 = tpu.memref_slice %arg12[%dma_wait3A_668, %dma_wait3A_669] : memref<1x32xi32, #tpu.memory_space<vmem>> -> memref<1x32xi32, #tpu.memory_space<vmem>>
    %dma_wait3A_671 = tpu.memref_squeeze %dma_wait3A_670 : memref<1x32xi32, #tpu.memory_space<vmem>> -> memref<32xi32, #tpu.memory_space<vmem>>
    %dma_wait3A_672 = arith.constant 0 : i32
    %dma_wait3A_673 = arith.constant 0 : i32
    %dma_wait3A_674 = tpu.memref_slice %arg6[%dma_wait3A_672, %dma_wait3A_673] : memref<1024x768xf32, #tpu.memory_space<vmem_shared>> -> memref<1024x768xf32, #tpu.memory_space<vmem_shared>>
    tpu.wait_indirect_dma semaphore(%arg16 : memref<!tpu.dma_semaphore, #tpu.memory_space<semaphore_mem>>) src(%arg8 : memref<32x768xf32, #tpu.memory_space<vmem>>) dst(%dma_wait3A_674 : memref<1024x768xf32, #tpu.memory_space<vmem_shared>>)
    %dma_wait3A_675 = arith.constant 0 : i32
    %dma_wait3A_676 = arith.constant 0 : i32
    %dma_wait3A_677 = tpu.memref_slice %arg12[%dma_wait3A_675, %dma_wait3A_676] : memref<1x32xi32, #tpu.memory_space<vmem>> -> memref<1x32xi32, #tpu.memory_space<vmem>>
    %dma_wait3A_678 = tpu.memref_squeeze %dma_wait3A_677 : memref<1x32xi32, #tpu.memory_space<vmem>> -> memref<32xi32, #tpu.memory_space<vmem>>
    %dma_wait3A_679 = arith.constant 0 : i32
    %dma_wait3A_680 = arith.constant 0 : i32
    %dma_wait3A_681 = tpu.memref_slice %arg7[%dma_wait3A_679, %dma_wait3A_680] : memref<1024x128xf32, #tpu.memory_space<vmem_shared>> -> memref<1024x128xf32, #tpu.memory_space<vmem_shared>>
    tpu.wait_indirect_dma semaphore(%arg16 : memref<!tpu.dma_semaphore, #tpu.memory_space<semaphore_mem>>) src(%arg10 : memref<32x128xf32, #tpu.memory_space<vmem>>) dst(%dma_wait3A_681 : memref<1024x128xf32, #tpu.memory_space<vmem_shared>>)
    %mul3A_682 = arith.constant 512 : i32
    %mul3A_683 = arith.muli %add3A_28, %mul3A_682 : i32
    %add3A_684 = arith.constant 384 : i32
    %add3A_685 = arith.addi %mul3A_683, %add3A_684 : i32
    %dma_start3A_686 = arith.constant 0 : i32
    %dma_start3A_687 = arith.constant 0 : i32
    %dma_start3A_688 = tpu.memref_slice %arg12[%dma_start3A_686, %dma_start3A_687] : memref<1x32xi32, #tpu.memory_space<vmem>> -> memref<1x32xi32, #tpu.memory_space<vmem>>
    %dma_start3A_689 = tpu.memref_squeeze %dma_start3A_688 : memref<1x32xi32, #tpu.memory_space<vmem>> -> memref<32xi32, #tpu.memory_space<vmem>>
    %dma_start3A_690 = tpu.memref_slice %arg3[%add3A_685] : memref<16384xi32, #tpu.memory_space<hbm>> -> memref<32xi32, #tpu.memory_space<hbm>>
    %dma_start3A_691 = arith.constant 0 : i32
    %dma_start3A_692 = tpu.memref_slice %arg12[%dma_start3A_686, %dma_start3A_691] : memref<1x32xi32, #tpu.memory_space<vmem>> -> memref<1x32xi32, #tpu.memory_space<vmem>>
    %dma_start3A_693 = tpu.memref_squeeze %dma_start3A_692 : memref<1x32xi32, #tpu.memory_space<vmem>> -> memref<32xi32, #tpu.memory_space<vmem>>
    %dma_start3A_694 = tpu.memref_slice %arg3[%add3A_685] : memref<16384xi32, #tpu.memory_space<hbm>> -> memref<32xi32, #tpu.memory_space<hbm>>
    tpu.enqueue_dma source(%dma_start3A_694 : memref<32xi32, #tpu.memory_space<hbm>>) target(%dma_start3A_693 : memref<32xi32, #tpu.memory_space<vmem>>) target_semaphore(%arg14 : memref<!tpu.dma_semaphore, #tpu.memory_space<semaphore_mem>>)
    %dma_start3A_695 = arith.constant 0 : i32
    %dma_start3A_696 = tpu.memref_slice %arg2[%add3A_685, %dma_start3A_695] : memref<16384x768xf32, #tpu.memory_space<hbm>> -> memref<32x768xf32, #tpu.memory_space<hbm>>
    %dma_start3A_697 = arith.constant 0 : i32
    %dma_start3A_698 = tpu.memref_slice %arg2[%add3A_685, %dma_start3A_697] : memref<16384x768xf32, #tpu.memory_space<hbm>> -> memref<32x768xf32, #tpu.memory_space<hbm>>
    tpu.enqueue_dma source(%dma_start3A_698 : memref<32x768xf32, #tpu.memory_space<hbm>>) target(%arg8 : memref<32x768xf32, #tpu.memory_space<vmem>>) target_semaphore(%arg14 : memref<!tpu.dma_semaphore, #tpu.memory_space<semaphore_mem>>)
    %dma_wait3A_699 = arith.constant 0 : i32
    %dma_wait3A_700 = arith.constant 0 : i32
    %dma_wait3A_701 = tpu.memref_slice %arg13[%dma_wait3A_699, %dma_wait3A_700] : memref<1x32xi32, #tpu.memory_space<vmem>> -> memref<1x32xi32, #tpu.memory_space<vmem>>
    %dma_wait3A_702 = tpu.memref_squeeze %dma_wait3A_701 : memref<1x32xi32, #tpu.memory_space<vmem>> -> memref<32xi32, #tpu.memory_space<vmem>>
    %dma_wait3A_703 = tpu.memref_slice %arg3[%add3A_627] : memref<16384xi32, #tpu.memory_space<hbm>> -> memref<32xi32, #tpu.memory_space<hbm>>
    %dma_wait3A_704 = arith.constant 0 : i32
    %dma_wait3A_705 = tpu.memref_slice %arg13[%dma_wait3A_699, %dma_wait3A_704] : memref<1x32xi32, #tpu.memory_space<vmem>> -> memref<1x32xi32, #tpu.memory_space<vmem>>
    %dma_wait3A_706 = tpu.memref_squeeze %dma_wait3A_705 : memref<1x32xi32, #tpu.memory_space<vmem>> -> memref<32xi32, #tpu.memory_space<vmem>>
    %dma_wait3A_707 = tpu.memref_slice %arg3[%add3A_627] : memref<16384xi32, #tpu.memory_space<hbm>> -> memref<32xi32, #tpu.memory_space<hbm>>
    tpu.wait_dma2 semaphore(%arg15 : memref<!tpu.dma_semaphore, #tpu.memory_space<semaphore_mem>>) src(%dma_wait3A_707 : memref<32xi32, #tpu.memory_space<hbm>>) dst(%dma_wait3A_706 : memref<32xi32, #tpu.memory_space<vmem>>)
    %dma_wait3A_708 = arith.constant 0 : i32
    %dma_wait3A_709 = tpu.memref_slice %arg2[%add3A_627, %dma_wait3A_708] : memref<16384x768xf32, #tpu.memory_space<hbm>> -> memref<32x768xf32, #tpu.memory_space<hbm>>
    %dma_wait3A_710 = arith.constant 0 : i32
    %dma_wait3A_711 = tpu.memref_slice %arg2[%add3A_627, %dma_wait3A_710] : memref<16384x768xf32, #tpu.memory_space<hbm>> -> memref<32x768xf32, #tpu.memory_space<hbm>>
    tpu.wait_dma2 semaphore(%arg15 : memref<!tpu.dma_semaphore, #tpu.memory_space<semaphore_mem>>) src(%dma_wait3A_711 : memref<32x768xf32, #tpu.memory_space<hbm>>) dst(%arg9 : memref<32x768xf32, #tpu.memory_space<vmem>>)
    %dma_start3A_712 = arith.constant 0 : i32
    %dma_start3A_713 = arith.constant 0 : i32
    %dma_start3A_714 = tpu.memref_slice %arg13[%dma_start3A_712, %dma_start3A_713] : memref<1x32xi32, #tpu.memory_space<vmem>> -> memref<1x32xi32, #tpu.memory_space<vmem>>
    %dma_start3A_715 = tpu.memref_squeeze %dma_start3A_714 : memref<1x32xi32, #tpu.memory_space<vmem>> -> memref<32xi32, #tpu.memory_space<vmem>>
    %dma_start3A_716 = arith.constant 0 : i32
    %dma_start3A_717 = arith.constant 0 : i32
    %dma_start3A_718 = tpu.memref_slice %arg6[%dma_start3A_716, %dma_start3A_717] : memref<1024x768xf32, #tpu.memory_space<vmem_shared>> -> memref<1024x768xf32, #tpu.memory_space<vmem_shared>>
    tpu.enqueue_indirect_dma source(%arg9 : memref<32x768xf32, #tpu.memory_space<vmem>>) target(%dma_start3A_718 : memref<1024x768xf32, #tpu.memory_space<vmem_shared>>) offsets(%dma_start3A_715 : memref<32xi32, #tpu.memory_space<vmem>>) semaphore(%arg17 : memref<!tpu.dma_semaphore, #tpu.memory_space<semaphore_mem>>) {add = true}
    %dma_start3A_719 = arith.constant 0 : i32
    %dma_start3A_720 = arith.constant 0 : i32
    %dma_start3A_721 = tpu.memref_slice %arg13[%dma_start3A_719, %dma_start3A_720] : memref<1x32xi32, #tpu.memory_space<vmem>> -> memref<1x32xi32, #tpu.memory_space<vmem>>
    %dma_start3A_722 = tpu.memref_squeeze %dma_start3A_721 : memref<1x32xi32, #tpu.memory_space<vmem>> -> memref<32xi32, #tpu.memory_space<vmem>>
    %dma_start3A_723 = arith.constant 0 : i32
    %dma_start3A_724 = arith.constant 0 : i32
    %dma_start3A_725 = tpu.memref_slice %arg7[%dma_start3A_723, %dma_start3A_724] : memref<1024x128xf32, #tpu.memory_space<vmem_shared>> -> memref<1024x128xf32, #tpu.memory_space<vmem_shared>>
    tpu.enqueue_indirect_dma source(%arg10 : memref<32x128xf32, #tpu.memory_space<vmem>>) target(%dma_start3A_725 : memref<1024x128xf32, #tpu.memory_space<vmem_shared>>) offsets(%dma_start3A_722 : memref<32xi32, #tpu.memory_space<vmem>>) semaphore(%arg17 : memref<!tpu.dma_semaphore, #tpu.memory_space<semaphore_mem>>) {add = true}
    %dma_wait3A_726 = arith.constant 0 : i32
    %dma_wait3A_727 = arith.constant 0 : i32
    %dma_wait3A_728 = tpu.memref_slice %arg13[%dma_wait3A_726, %dma_wait3A_727] : memref<1x32xi32, #tpu.memory_space<vmem>> -> memref<1x32xi32, #tpu.memory_space<vmem>>
    %dma_wait3A_729 = tpu.memref_squeeze %dma_wait3A_728 : memref<1x32xi32, #tpu.memory_space<vmem>> -> memref<32xi32, #tpu.memory_space<vmem>>
    %dma_wait3A_730 = arith.constant 0 : i32
    %dma_wait3A_731 = arith.constant 0 : i32
    %dma_wait3A_732 = tpu.memref_slice %arg6[%dma_wait3A_730, %dma_wait3A_731] : memref<1024x768xf32, #tpu.memory_space<vmem_shared>> -> memref<1024x768xf32, #tpu.memory_space<vmem_shared>>
    tpu.wait_indirect_dma semaphore(%arg17 : memref<!tpu.dma_semaphore, #tpu.memory_space<semaphore_mem>>) src(%arg9 : memref<32x768xf32, #tpu.memory_space<vmem>>) dst(%dma_wait3A_732 : memref<1024x768xf32, #tpu.memory_space<vmem_shared>>)
    %dma_wait3A_733 = arith.constant 0 : i32
    %dma_wait3A_734 = arith.constant 0 : i32
    %dma_wait3A_735 = tpu.memref_slice %arg13[%dma_wait3A_733, %dma_wait3A_734] : memref<1x32xi32, #tpu.memory_space<vmem>> -> memref<1x32xi32, #tpu.memory_space<vmem>>
    %dma_wait3A_736 = tpu.memref_squeeze %dma_wait3A_735 : memref<1x32xi32, #tpu.memory_space<vmem>> -> memref<32xi32, #tpu.memory_space<vmem>>
    %dma_wait3A_737 = arith.constant 0 : i32
    %dma_wait3A_738 = arith.constant 0 : i32
    %dma_wait3A_739 = tpu.memref_slice %arg7[%dma_wait3A_737, %dma_wait3A_738] : memref<1024x128xf32, #tpu.memory_space<vmem_shared>> -> memref<1024x128xf32, #tpu.memory_space<vmem_shared>>
    tpu.wait_indirect_dma semaphore(%arg17 : memref<!tpu.dma_semaphore, #tpu.memory_space<semaphore_mem>>) src(%arg10 : memref<32x128xf32, #tpu.memory_space<vmem>>) dst(%dma_wait3A_739 : memref<1024x128xf32, #tpu.memory_space<vmem_shared>>)
    %mul3A_740 = arith.constant 512 : i32
    %mul3A_741 = arith.muli %add3A_28, %mul3A_740 : i32
    %add3A_742 = arith.constant 416 : i32
    %add3A_743 = arith.addi %mul3A_741, %add3A_742 : i32
    %dma_start3A_744 = arith.constant 0 : i32
    %dma_start3A_745 = arith.constant 0 : i32
    %dma_start3A_746 = tpu.memref_slice %arg13[%dma_start3A_744, %dma_start3A_745] : memref<1x32xi32, #tpu.memory_space<vmem>> -> memref<1x32xi32, #tpu.memory_space<vmem>>
    %dma_start3A_747 = tpu.memref_squeeze %dma_start3A_746 : memref<1x32xi32, #tpu.memory_space<vmem>> -> memref<32xi32, #tpu.memory_space<vmem>>
    %dma_start3A_748 = tpu.memref_slice %arg3[%add3A_743] : memref<16384xi32, #tpu.memory_space<hbm>> -> memref<32xi32, #tpu.memory_space<hbm>>
    %dma_start3A_749 = arith.constant 0 : i32
    %dma_start3A_750 = tpu.memref_slice %arg13[%dma_start3A_744, %dma_start3A_749] : memref<1x32xi32, #tpu.memory_space<vmem>> -> memref<1x32xi32, #tpu.memory_space<vmem>>
    %dma_start3A_751 = tpu.memref_squeeze %dma_start3A_750 : memref<1x32xi32, #tpu.memory_space<vmem>> -> memref<32xi32, #tpu.memory_space<vmem>>
    %dma_start3A_752 = tpu.memref_slice %arg3[%add3A_743] : memref<16384xi32, #tpu.memory_space<hbm>> -> memref<32xi32, #tpu.memory_space<hbm>>
    tpu.enqueue_dma source(%dma_start3A_752 : memref<32xi32, #tpu.memory_space<hbm>>) target(%dma_start3A_751 : memref<32xi32, #tpu.memory_space<vmem>>) target_semaphore(%arg15 : memref<!tpu.dma_semaphore, #tpu.memory_space<semaphore_mem>>)
    %dma_start3A_753 = arith.constant 0 : i32
    %dma_start3A_754 = tpu.memref_slice %arg2[%add3A_743, %dma_start3A_753] : memref<16384x768xf32, #tpu.memory_space<hbm>> -> memref<32x768xf32, #tpu.memory_space<hbm>>
    %dma_start3A_755 = arith.constant 0 : i32
    %dma_start3A_756 = tpu.memref_slice %arg2[%add3A_743, %dma_start3A_755] : memref<16384x768xf32, #tpu.memory_space<hbm>> -> memref<32x768xf32, #tpu.memory_space<hbm>>
    tpu.enqueue_dma source(%dma_start3A_756 : memref<32x768xf32, #tpu.memory_space<hbm>>) target(%arg9 : memref<32x768xf32, #tpu.memory_space<vmem>>) target_semaphore(%arg15 : memref<!tpu.dma_semaphore, #tpu.memory_space<semaphore_mem>>)
    %dma_wait3A_757 = arith.constant 0 : i32
    %dma_wait3A_758 = arith.constant 0 : i32
    %dma_wait3A_759 = tpu.memref_slice %arg12[%dma_wait3A_757, %dma_wait3A_758] : memref<1x32xi32, #tpu.memory_space<vmem>> -> memref<1x32xi32, #tpu.memory_space<vmem>>
    %dma_wait3A_760 = tpu.memref_squeeze %dma_wait3A_759 : memref<1x32xi32, #tpu.memory_space<vmem>> -> memref<32xi32, #tpu.memory_space<vmem>>
    %dma_wait3A_761 = tpu.memref_slice %arg3[%add3A_685] : memref<16384xi32, #tpu.memory_space<hbm>> -> memref<32xi32, #tpu.memory_space<hbm>>
    %dma_wait3A_762 = arith.constant 0 : i32
    %dma_wait3A_763 = tpu.memref_slice %arg12[%dma_wait3A_757, %dma_wait3A_762] : memref<1x32xi32, #tpu.memory_space<vmem>> -> memref<1x32xi32, #tpu.memory_space<vmem>>
    %dma_wait3A_764 = tpu.memref_squeeze %dma_wait3A_763 : memref<1x32xi32, #tpu.memory_space<vmem>> -> memref<32xi32, #tpu.memory_space<vmem>>
    %dma_wait3A_765 = tpu.memref_slice %arg3[%add3A_685] : memref<16384xi32, #tpu.memory_space<hbm>> -> memref<32xi32, #tpu.memory_space<hbm>>
    tpu.wait_dma2 semaphore(%arg14 : memref<!tpu.dma_semaphore, #tpu.memory_space<semaphore_mem>>) src(%dma_wait3A_765 : memref<32xi32, #tpu.memory_space<hbm>>) dst(%dma_wait3A_764 : memref<32xi32, #tpu.memory_space<vmem>>)
    %dma_wait3A_766 = arith.constant 0 : i32
    %dma_wait3A_767 = tpu.memref_slice %arg2[%add3A_685, %dma_wait3A_766] : memref<16384x768xf32, #tpu.memory_space<hbm>> -> memref<32x768xf32, #tpu.memory_space<hbm>>
    %dma_wait3A_768 = arith.constant 0 : i32
    %dma_wait3A_769 = tpu.memref_slice %arg2[%add3A_685, %dma_wait3A_768] : memref<16384x768xf32, #tpu.memory_space<hbm>> -> memref<32x768xf32, #tpu.memory_space<hbm>>
    tpu.wait_dma2 semaphore(%arg14 : memref<!tpu.dma_semaphore, #tpu.memory_space<semaphore_mem>>) src(%dma_wait3A_769 : memref<32x768xf32, #tpu.memory_space<hbm>>) dst(%arg8 : memref<32x768xf32, #tpu.memory_space<vmem>>)
    %dma_start3A_770 = arith.constant 0 : i32
    %dma_start3A_771 = arith.constant 0 : i32
    %dma_start3A_772 = tpu.memref_slice %arg12[%dma_start3A_770, %dma_start3A_771] : memref<1x32xi32, #tpu.memory_space<vmem>> -> memref<1x32xi32, #tpu.memory_space<vmem>>
    %dma_start3A_773 = tpu.memref_squeeze %dma_start3A_772 : memref<1x32xi32, #tpu.memory_space<vmem>> -> memref<32xi32, #tpu.memory_space<vmem>>
    %dma_start3A_774 = arith.constant 0 : i32
    %dma_start3A_775 = arith.constant 0 : i32
    %dma_start3A_776 = tpu.memref_slice %arg6[%dma_start3A_774, %dma_start3A_775] : memref<1024x768xf32, #tpu.memory_space<vmem_shared>> -> memref<1024x768xf32, #tpu.memory_space<vmem_shared>>
    tpu.enqueue_indirect_dma source(%arg8 : memref<32x768xf32, #tpu.memory_space<vmem>>) target(%dma_start3A_776 : memref<1024x768xf32, #tpu.memory_space<vmem_shared>>) offsets(%dma_start3A_773 : memref<32xi32, #tpu.memory_space<vmem>>) semaphore(%arg16 : memref<!tpu.dma_semaphore, #tpu.memory_space<semaphore_mem>>) {add = true}
    %dma_start3A_777 = arith.constant 0 : i32
    %dma_start3A_778 = arith.constant 0 : i32
    %dma_start3A_779 = tpu.memref_slice %arg12[%dma_start3A_777, %dma_start3A_778] : memref<1x32xi32, #tpu.memory_space<vmem>> -> memref<1x32xi32, #tpu.memory_space<vmem>>
    %dma_start3A_780 = tpu.memref_squeeze %dma_start3A_779 : memref<1x32xi32, #tpu.memory_space<vmem>> -> memref<32xi32, #tpu.memory_space<vmem>>
    %dma_start3A_781 = arith.constant 0 : i32
    %dma_start3A_782 = arith.constant 0 : i32
    %dma_start3A_783 = tpu.memref_slice %arg7[%dma_start3A_781, %dma_start3A_782] : memref<1024x128xf32, #tpu.memory_space<vmem_shared>> -> memref<1024x128xf32, #tpu.memory_space<vmem_shared>>
    tpu.enqueue_indirect_dma source(%arg10 : memref<32x128xf32, #tpu.memory_space<vmem>>) target(%dma_start3A_783 : memref<1024x128xf32, #tpu.memory_space<vmem_shared>>) offsets(%dma_start3A_780 : memref<32xi32, #tpu.memory_space<vmem>>) semaphore(%arg16 : memref<!tpu.dma_semaphore, #tpu.memory_space<semaphore_mem>>) {add = true}
    %dma_wait3A_784 = arith.constant 0 : i32
    %dma_wait3A_785 = arith.constant 0 : i32
    %dma_wait3A_786 = tpu.memref_slice %arg12[%dma_wait3A_784, %dma_wait3A_785] : memref<1x32xi32, #tpu.memory_space<vmem>> -> memref<1x32xi32, #tpu.memory_space<vmem>>
    %dma_wait3A_787 = tpu.memref_squeeze %dma_wait3A_786 : memref<1x32xi32, #tpu.memory_space<vmem>> -> memref<32xi32, #tpu.memory_space<vmem>>
    %dma_wait3A_788 = arith.constant 0 : i32
    %dma_wait3A_789 = arith.constant 0 : i32
    %dma_wait3A_790 = tpu.memref_slice %arg6[%dma_wait3A_788, %dma_wait3A_789] : memref<1024x768xf32, #tpu.memory_space<vmem_shared>> -> memref<1024x768xf32, #tpu.memory_space<vmem_shared>>
    tpu.wait_indirect_dma semaphore(%arg16 : memref<!tpu.dma_semaphore, #tpu.memory_space<semaphore_mem>>) src(%arg8 : memref<32x768xf32, #tpu.memory_space<vmem>>) dst(%dma_wait3A_790 : memref<1024x768xf32, #tpu.memory_space<vmem_shared>>)
    %dma_wait3A_791 = arith.constant 0 : i32
    %dma_wait3A_792 = arith.constant 0 : i32
    %dma_wait3A_793 = tpu.memref_slice %arg12[%dma_wait3A_791, %dma_wait3A_792] : memref<1x32xi32, #tpu.memory_space<vmem>> -> memref<1x32xi32, #tpu.memory_space<vmem>>
    %dma_wait3A_794 = tpu.memref_squeeze %dma_wait3A_793 : memref<1x32xi32, #tpu.memory_space<vmem>> -> memref<32xi32, #tpu.memory_space<vmem>>
    %dma_wait3A_795 = arith.constant 0 : i32
    %dma_wait3A_796 = arith.constant 0 : i32
    %dma_wait3A_797 = tpu.memref_slice %arg7[%dma_wait3A_795, %dma_wait3A_796] : memref<1024x128xf32, #tpu.memory_space<vmem_shared>> -> memref<1024x128xf32, #tpu.memory_space<vmem_shared>>
    tpu.wait_indirect_dma semaphore(%arg16 : memref<!tpu.dma_semaphore, #tpu.memory_space<semaphore_mem>>) src(%arg10 : memref<32x128xf32, #tpu.memory_space<vmem>>) dst(%dma_wait3A_797 : memref<1024x128xf32, #tpu.memory_space<vmem_shared>>)
    %mul3A_798 = arith.constant 512 : i32
    %mul3A_799 = arith.muli %add3A_28, %mul3A_798 : i32
    %add3A_800 = arith.constant 448 : i32
    %add3A_801 = arith.addi %mul3A_799, %add3A_800 : i32
    %dma_start3A_802 = arith.constant 0 : i32
    %dma_start3A_803 = arith.constant 0 : i32
    %dma_start3A_804 = tpu.memref_slice %arg12[%dma_start3A_802, %dma_start3A_803] : memref<1x32xi32, #tpu.memory_space<vmem>> -> memref<1x32xi32, #tpu.memory_space<vmem>>
    %dma_start3A_805 = tpu.memref_squeeze %dma_start3A_804 : memref<1x32xi32, #tpu.memory_space<vmem>> -> memref<32xi32, #tpu.memory_space<vmem>>
    %dma_start3A_806 = tpu.memref_slice %arg3[%add3A_801] : memref<16384xi32, #tpu.memory_space<hbm>> -> memref<32xi32, #tpu.memory_space<hbm>>
    %dma_start3A_807 = arith.constant 0 : i32
    %dma_start3A_808 = tpu.memref_slice %arg12[%dma_start3A_802, %dma_start3A_807] : memref<1x32xi32, #tpu.memory_space<vmem>> -> memref<1x32xi32, #tpu.memory_space<vmem>>
    %dma_start3A_809 = tpu.memref_squeeze %dma_start3A_808 : memref<1x32xi32, #tpu.memory_space<vmem>> -> memref<32xi32, #tpu.memory_space<vmem>>
    %dma_start3A_810 = tpu.memref_slice %arg3[%add3A_801] : memref<16384xi32, #tpu.memory_space<hbm>> -> memref<32xi32, #tpu.memory_space<hbm>>
    tpu.enqueue_dma source(%dma_start3A_810 : memref<32xi32, #tpu.memory_space<hbm>>) target(%dma_start3A_809 : memref<32xi32, #tpu.memory_space<vmem>>) target_semaphore(%arg14 : memref<!tpu.dma_semaphore, #tpu.memory_space<semaphore_mem>>)
    %dma_start3A_811 = arith.constant 0 : i32
    %dma_start3A_812 = tpu.memref_slice %arg2[%add3A_801, %dma_start3A_811] : memref<16384x768xf32, #tpu.memory_space<hbm>> -> memref<32x768xf32, #tpu.memory_space<hbm>>
    %dma_start3A_813 = arith.constant 0 : i32
    %dma_start3A_814 = tpu.memref_slice %arg2[%add3A_801, %dma_start3A_813] : memref<16384x768xf32, #tpu.memory_space<hbm>> -> memref<32x768xf32, #tpu.memory_space<hbm>>
    tpu.enqueue_dma source(%dma_start3A_814 : memref<32x768xf32, #tpu.memory_space<hbm>>) target(%arg8 : memref<32x768xf32, #tpu.memory_space<vmem>>) target_semaphore(%arg14 : memref<!tpu.dma_semaphore, #tpu.memory_space<semaphore_mem>>)
    %dma_wait3A_815 = arith.constant 0 : i32
    %dma_wait3A_816 = arith.constant 0 : i32
    %dma_wait3A_817 = tpu.memref_slice %arg13[%dma_wait3A_815, %dma_wait3A_816] : memref<1x32xi32, #tpu.memory_space<vmem>> -> memref<1x32xi32, #tpu.memory_space<vmem>>
    %dma_wait3A_818 = tpu.memref_squeeze %dma_wait3A_817 : memref<1x32xi32, #tpu.memory_space<vmem>> -> memref<32xi32, #tpu.memory_space<vmem>>
    %dma_wait3A_819 = tpu.memref_slice %arg3[%add3A_743] : memref<16384xi32, #tpu.memory_space<hbm>> -> memref<32xi32, #tpu.memory_space<hbm>>
    %dma_wait3A_820 = arith.constant 0 : i32
    %dma_wait3A_821 = tpu.memref_slice %arg13[%dma_wait3A_815, %dma_wait3A_820] : memref<1x32xi32, #tpu.memory_space<vmem>> -> memref<1x32xi32, #tpu.memory_space<vmem>>
    %dma_wait3A_822 = tpu.memref_squeeze %dma_wait3A_821 : memref<1x32xi32, #tpu.memory_space<vmem>> -> memref<32xi32, #tpu.memory_space<vmem>>
    %dma_wait3A_823 = tpu.memref_slice %arg3[%add3A_743] : memref<16384xi32, #tpu.memory_space<hbm>> -> memref<32xi32, #tpu.memory_space<hbm>>
    tpu.wait_dma2 semaphore(%arg15 : memref<!tpu.dma_semaphore, #tpu.memory_space<semaphore_mem>>) src(%dma_wait3A_823 : memref<32xi32, #tpu.memory_space<hbm>>) dst(%dma_wait3A_822 : memref<32xi32, #tpu.memory_space<vmem>>)
    %dma_wait3A_824 = arith.constant 0 : i32
    %dma_wait3A_825 = tpu.memref_slice %arg2[%add3A_743, %dma_wait3A_824] : memref<16384x768xf32, #tpu.memory_space<hbm>> -> memref<32x768xf32, #tpu.memory_space<hbm>>
    %dma_wait3A_826 = arith.constant 0 : i32
    %dma_wait3A_827 = tpu.memref_slice %arg2[%add3A_743, %dma_wait3A_826] : memref<16384x768xf32, #tpu.memory_space<hbm>> -> memref<32x768xf32, #tpu.memory_space<hbm>>
    tpu.wait_dma2 semaphore(%arg15 : memref<!tpu.dma_semaphore, #tpu.memory_space<semaphore_mem>>) src(%dma_wait3A_827 : memref<32x768xf32, #tpu.memory_space<hbm>>) dst(%arg9 : memref<32x768xf32, #tpu.memory_space<vmem>>)
    %dma_start3A_828 = arith.constant 0 : i32
    %dma_start3A_829 = arith.constant 0 : i32
    %dma_start3A_830 = tpu.memref_slice %arg13[%dma_start3A_828, %dma_start3A_829] : memref<1x32xi32, #tpu.memory_space<vmem>> -> memref<1x32xi32, #tpu.memory_space<vmem>>
    %dma_start3A_831 = tpu.memref_squeeze %dma_start3A_830 : memref<1x32xi32, #tpu.memory_space<vmem>> -> memref<32xi32, #tpu.memory_space<vmem>>
    %dma_start3A_832 = arith.constant 0 : i32
    %dma_start3A_833 = arith.constant 0 : i32
    %dma_start3A_834 = tpu.memref_slice %arg6[%dma_start3A_832, %dma_start3A_833] : memref<1024x768xf32, #tpu.memory_space<vmem_shared>> -> memref<1024x768xf32, #tpu.memory_space<vmem_shared>>
    tpu.enqueue_indirect_dma source(%arg9 : memref<32x768xf32, #tpu.memory_space<vmem>>) target(%dma_start3A_834 : memref<1024x768xf32, #tpu.memory_space<vmem_shared>>) offsets(%dma_start3A_831 : memref<32xi32, #tpu.memory_space<vmem>>) semaphore(%arg17 : memref<!tpu.dma_semaphore, #tpu.memory_space<semaphore_mem>>) {add = true}
    %dma_start3A_835 = arith.constant 0 : i32
    %dma_start3A_836 = arith.constant 0 : i32
    %dma_start3A_837 = tpu.memref_slice %arg13[%dma_start3A_835, %dma_start3A_836] : memref<1x32xi32, #tpu.memory_space<vmem>> -> memref<1x32xi32, #tpu.memory_space<vmem>>
    %dma_start3A_838 = tpu.memref_squeeze %dma_start3A_837 : memref<1x32xi32, #tpu.memory_space<vmem>> -> memref<32xi32, #tpu.memory_space<vmem>>
    %dma_start3A_839 = arith.constant 0 : i32
    %dma_start3A_840 = arith.constant 0 : i32
    %dma_start3A_841 = tpu.memref_slice %arg7[%dma_start3A_839, %dma_start3A_840] : memref<1024x128xf32, #tpu.memory_space<vmem_shared>> -> memref<1024x128xf32, #tpu.memory_space<vmem_shared>>
    tpu.enqueue_indirect_dma source(%arg10 : memref<32x128xf32, #tpu.memory_space<vmem>>) target(%dma_start3A_841 : memref<1024x128xf32, #tpu.memory_space<vmem_shared>>) offsets(%dma_start3A_838 : memref<32xi32, #tpu.memory_space<vmem>>) semaphore(%arg17 : memref<!tpu.dma_semaphore, #tpu.memory_space<semaphore_mem>>) {add = true}
    %dma_wait3A_842 = arith.constant 0 : i32
    %dma_wait3A_843 = arith.constant 0 : i32
    %dma_wait3A_844 = tpu.memref_slice %arg13[%dma_wait3A_842, %dma_wait3A_843] : memref<1x32xi32, #tpu.memory_space<vmem>> -> memref<1x32xi32, #tpu.memory_space<vmem>>
    %dma_wait3A_845 = tpu.memref_squeeze %dma_wait3A_844 : memref<1x32xi32, #tpu.memory_space<vmem>> -> memref<32xi32, #tpu.memory_space<vmem>>
    %dma_wait3A_846 = arith.constant 0 : i32
    %dma_wait3A_847 = arith.constant 0 : i32
    %dma_wait3A_848 = tpu.memref_slice %arg6[%dma_wait3A_846, %dma_wait3A_847] : memref<1024x768xf32, #tpu.memory_space<vmem_shared>> -> memref<1024x768xf32, #tpu.memory_space<vmem_shared>>
    tpu.wait_indirect_dma semaphore(%arg17 : memref<!tpu.dma_semaphore, #tpu.memory_space<semaphore_mem>>) src(%arg9 : memref<32x768xf32, #tpu.memory_space<vmem>>) dst(%dma_wait3A_848 : memref<1024x768xf32, #tpu.memory_space<vmem_shared>>)
    %dma_wait3A_849 = arith.constant 0 : i32
    %dma_wait3A_850 = arith.constant 0 : i32
    %dma_wait3A_851 = tpu.memref_slice %arg13[%dma_wait3A_849, %dma_wait3A_850] : memref<1x32xi32, #tpu.memory_space<vmem>> -> memref<1x32xi32, #tpu.memory_space<vmem>>
    %dma_wait3A_852 = tpu.memref_squeeze %dma_wait3A_851 : memref<1x32xi32, #tpu.memory_space<vmem>> -> memref<32xi32, #tpu.memory_space<vmem>>
    %dma_wait3A_853 = arith.constant 0 : i32
    %dma_wait3A_854 = arith.constant 0 : i32
    %dma_wait3A_855 = tpu.memref_slice %arg7[%dma_wait3A_853, %dma_wait3A_854] : memref<1024x128xf32, #tpu.memory_space<vmem_shared>> -> memref<1024x128xf32, #tpu.memory_space<vmem_shared>>
    tpu.wait_indirect_dma semaphore(%arg17 : memref<!tpu.dma_semaphore, #tpu.memory_space<semaphore_mem>>) src(%arg10 : memref<32x128xf32, #tpu.memory_space<vmem>>) dst(%dma_wait3A_855 : memref<1024x128xf32, #tpu.memory_space<vmem_shared>>)
    %mul3A_856 = arith.constant 512 : i32
    %mul3A_857 = arith.muli %add3A_28, %mul3A_856 : i32
    %add3A_858 = arith.constant 480 : i32
    %add3A_859 = arith.addi %mul3A_857, %add3A_858 : i32
    %dma_start3A_860 = arith.constant 0 : i32
    %dma_start3A_861 = arith.constant 0 : i32
    %dma_start3A_862 = tpu.memref_slice %arg13[%dma_start3A_860, %dma_start3A_861] : memref<1x32xi32, #tpu.memory_space<vmem>> -> memref<1x32xi32, #tpu.memory_space<vmem>>
    %dma_start3A_863 = tpu.memref_squeeze %dma_start3A_862 : memref<1x32xi32, #tpu.memory_space<vmem>> -> memref<32xi32, #tpu.memory_space<vmem>>
    %dma_start3A_864 = tpu.memref_slice %arg3[%add3A_859] : memref<16384xi32, #tpu.memory_space<hbm>> -> memref<32xi32, #tpu.memory_space<hbm>>
    %dma_start3A_865 = arith.constant 0 : i32
    %dma_start3A_866 = tpu.memref_slice %arg13[%dma_start3A_860, %dma_start3A_865] : memref<1x32xi32, #tpu.memory_space<vmem>> -> memref<1x32xi32, #tpu.memory_space<vmem>>
    %dma_start3A_867 = tpu.memref_squeeze %dma_start3A_866 : memref<1x32xi32, #tpu.memory_space<vmem>> -> memref<32xi32, #tpu.memory_space<vmem>>
    %dma_start3A_868 = tpu.memref_slice %arg3[%add3A_859] : memref<16384xi32, #tpu.memory_space<hbm>> -> memref<32xi32, #tpu.memory_space<hbm>>
    tpu.enqueue_dma source(%dma_start3A_868 : memref<32xi32, #tpu.memory_space<hbm>>) target(%dma_start3A_867 : memref<32xi32, #tpu.memory_space<vmem>>) target_semaphore(%arg15 : memref<!tpu.dma_semaphore, #tpu.memory_space<semaphore_mem>>)
    %dma_start3A_869 = arith.constant 0 : i32
    %dma_start3A_870 = tpu.memref_slice %arg2[%add3A_859, %dma_start3A_869] : memref<16384x768xf32, #tpu.memory_space<hbm>> -> memref<32x768xf32, #tpu.memory_space<hbm>>
    %dma_start3A_871 = arith.constant 0 : i32
    %dma_start3A_872 = tpu.memref_slice %arg2[%add3A_859, %dma_start3A_871] : memref<16384x768xf32, #tpu.memory_space<hbm>> -> memref<32x768xf32, #tpu.memory_space<hbm>>
    tpu.enqueue_dma source(%dma_start3A_872 : memref<32x768xf32, #tpu.memory_space<hbm>>) target(%arg9 : memref<32x768xf32, #tpu.memory_space<vmem>>) target_semaphore(%arg15 : memref<!tpu.dma_semaphore, #tpu.memory_space<semaphore_mem>>)
    %dma_wait3A_873 = arith.constant 0 : i32
    %dma_wait3A_874 = arith.constant 0 : i32
    %dma_wait3A_875 = tpu.memref_slice %arg12[%dma_wait3A_873, %dma_wait3A_874] : memref<1x32xi32, #tpu.memory_space<vmem>> -> memref<1x32xi32, #tpu.memory_space<vmem>>
    %dma_wait3A_876 = tpu.memref_squeeze %dma_wait3A_875 : memref<1x32xi32, #tpu.memory_space<vmem>> -> memref<32xi32, #tpu.memory_space<vmem>>
    %dma_wait3A_877 = tpu.memref_slice %arg3[%add3A_801] : memref<16384xi32, #tpu.memory_space<hbm>> -> memref<32xi32, #tpu.memory_space<hbm>>
    %dma_wait3A_878 = arith.constant 0 : i32
    %dma_wait3A_879 = tpu.memref_slice %arg12[%dma_wait3A_873, %dma_wait3A_878] : memref<1x32xi32, #tpu.memory_space<vmem>> -> memref<1x32xi32, #tpu.memory_space<vmem>>
    %dma_wait3A_880 = tpu.memref_squeeze %dma_wait3A_879 : memref<1x32xi32, #tpu.memory_space<vmem>> -> memref<32xi32, #tpu.memory_space<vmem>>
    %dma_wait3A_881 = tpu.memref_slice %arg3[%add3A_801] : memref<16384xi32, #tpu.memory_space<hbm>> -> memref<32xi32, #tpu.memory_space<hbm>>
    tpu.wait_dma2 semaphore(%arg14 : memref<!tpu.dma_semaphore, #tpu.memory_space<semaphore_mem>>) src(%dma_wait3A_881 : memref<32xi32, #tpu.memory_space<hbm>>) dst(%dma_wait3A_880 : memref<32xi32, #tpu.memory_space<vmem>>)
    %dma_wait3A_882 = arith.constant 0 : i32
    %dma_wait3A_883 = tpu.memref_slice %arg2[%add3A_801, %dma_wait3A_882] : memref<16384x768xf32, #tpu.memory_space<hbm>> -> memref<32x768xf32, #tpu.memory_space<hbm>>
    %dma_wait3A_884 = arith.constant 0 : i32
    %dma_wait3A_885 = tpu.memref_slice %arg2[%add3A_801, %dma_wait3A_884] : memref<16384x768xf32, #tpu.memory_space<hbm>> -> memref<32x768xf32, #tpu.memory_space<hbm>>
    tpu.wait_dma2 semaphore(%arg14 : memref<!tpu.dma_semaphore, #tpu.memory_space<semaphore_mem>>) src(%dma_wait3A_885 : memref<32x768xf32, #tpu.memory_space<hbm>>) dst(%arg8 : memref<32x768xf32, #tpu.memory_space<vmem>>)
    %dma_start3A_886 = arith.constant 0 : i32
    %dma_start3A_887 = arith.constant 0 : i32
    %dma_start3A_888 = tpu.memref_slice %arg12[%dma_start3A_886, %dma_start3A_887] : memref<1x32xi32, #tpu.memory_space<vmem>> -> memref<1x32xi32, #tpu.memory_space<vmem>>
    %dma_start3A_889 = tpu.memref_squeeze %dma_start3A_888 : memref<1x32xi32, #tpu.memory_space<vmem>> -> memref<32xi32, #tpu.memory_space<vmem>>
    %dma_start3A_890 = arith.constant 0 : i32
    %dma_start3A_891 = arith.constant 0 : i32
    %dma_start3A_892 = tpu.memref_slice %arg6[%dma_start3A_890, %dma_start3A_891] : memref<1024x768xf32, #tpu.memory_space<vmem_shared>> -> memref<1024x768xf32, #tpu.memory_space<vmem_shared>>
    tpu.enqueue_indirect_dma source(%arg8 : memref<32x768xf32, #tpu.memory_space<vmem>>) target(%dma_start3A_892 : memref<1024x768xf32, #tpu.memory_space<vmem_shared>>) offsets(%dma_start3A_889 : memref<32xi32, #tpu.memory_space<vmem>>) semaphore(%arg16 : memref<!tpu.dma_semaphore, #tpu.memory_space<semaphore_mem>>) {add = true}
    %dma_start3A_893 = arith.constant 0 : i32
    %dma_start3A_894 = arith.constant 0 : i32
    %dma_start3A_895 = tpu.memref_slice %arg12[%dma_start3A_893, %dma_start3A_894] : memref<1x32xi32, #tpu.memory_space<vmem>> -> memref<1x32xi32, #tpu.memory_space<vmem>>
    %dma_start3A_896 = tpu.memref_squeeze %dma_start3A_895 : memref<1x32xi32, #tpu.memory_space<vmem>> -> memref<32xi32, #tpu.memory_space<vmem>>
    %dma_start3A_897 = arith.constant 0 : i32
    %dma_start3A_898 = arith.constant 0 : i32
    %dma_start3A_899 = tpu.memref_slice %arg7[%dma_start3A_897, %dma_start3A_898] : memref<1024x128xf32, #tpu.memory_space<vmem_shared>> -> memref<1024x128xf32, #tpu.memory_space<vmem_shared>>
    tpu.enqueue_indirect_dma source(%arg10 : memref<32x128xf32, #tpu.memory_space<vmem>>) target(%dma_start3A_899 : memref<1024x128xf32, #tpu.memory_space<vmem_shared>>) offsets(%dma_start3A_896 : memref<32xi32, #tpu.memory_space<vmem>>) semaphore(%arg16 : memref<!tpu.dma_semaphore, #tpu.memory_space<semaphore_mem>>) {add = true}
    %dma_wait3A_900 = arith.constant 0 : i32
    %dma_wait3A_901 = arith.constant 0 : i32
    %dma_wait3A_902 = tpu.memref_slice %arg13[%dma_wait3A_900, %dma_wait3A_901] : memref<1x32xi32, #tpu.memory_space<vmem>> -> memref<1x32xi32, #tpu.memory_space<vmem>>
    %dma_wait3A_903 = tpu.memref_squeeze %dma_wait3A_902 : memref<1x32xi32, #tpu.memory_space<vmem>> -> memref<32xi32, #tpu.memory_space<vmem>>
    %dma_wait3A_904 = tpu.memref_slice %arg3[%add3A_859] : memref<16384xi32, #tpu.memory_space<hbm>> -> memref<32xi32, #tpu.memory_space<hbm>>
    %dma_wait3A_905 = arith.constant 0 : i32
    %dma_wait3A_906 = tpu.memref_slice %arg13[%dma_wait3A_900, %dma_wait3A_905] : memref<1x32xi32, #tpu.memory_space<vmem>> -> memref<1x32xi32, #tpu.memory_space<vmem>>
    %dma_wait3A_907 = tpu.memref_squeeze %dma_wait3A_906 : memref<1x32xi32, #tpu.memory_space<vmem>> -> memref<32xi32, #tpu.memory_space<vmem>>
    %dma_wait3A_908 = tpu.memref_slice %arg3[%add3A_859] : memref<16384xi32, #tpu.memory_space<hbm>> -> memref<32xi32, #tpu.memory_space<hbm>>
    tpu.wait_dma2 semaphore(%arg15 : memref<!tpu.dma_semaphore, #tpu.memory_space<semaphore_mem>>) src(%dma_wait3A_908 : memref<32xi32, #tpu.memory_space<hbm>>) dst(%dma_wait3A_907 : memref<32xi32, #tpu.memory_space<vmem>>)
    %dma_wait3A_909 = arith.constant 0 : i32
    %dma_wait3A_910 = tpu.memref_slice %arg2[%add3A_859, %dma_wait3A_909] : memref<16384x768xf32, #tpu.memory_space<hbm>> -> memref<32x768xf32, #tpu.memory_space<hbm>>
    %dma_wait3A_911 = arith.constant 0 : i32
    %dma_wait3A_912 = tpu.memref_slice %arg2[%add3A_859, %dma_wait3A_911] : memref<16384x768xf32, #tpu.memory_space<hbm>> -> memref<32x768xf32, #tpu.memory_space<hbm>>
    tpu.wait_dma2 semaphore(%arg15 : memref<!tpu.dma_semaphore, #tpu.memory_space<semaphore_mem>>) src(%dma_wait3A_912 : memref<32x768xf32, #tpu.memory_space<hbm>>) dst(%arg9 : memref<32x768xf32, #tpu.memory_space<vmem>>)
    %dma_start3A_913 = arith.constant 0 : i32
    %dma_start3A_914 = arith.constant 0 : i32
    %dma_start3A_915 = tpu.memref_slice %arg13[%dma_start3A_913, %dma_start3A_914] : memref<1x32xi32, #tpu.memory_space<vmem>> -> memref<1x32xi32, #tpu.memory_space<vmem>>
    %dma_start3A_916 = tpu.memref_squeeze %dma_start3A_915 : memref<1x32xi32, #tpu.memory_space<vmem>> -> memref<32xi32, #tpu.memory_space<vmem>>
    %dma_start3A_917 = arith.constant 0 : i32
    %dma_start3A_918 = arith.constant 0 : i32
    %dma_start3A_919 = tpu.memref_slice %arg6[%dma_start3A_917, %dma_start3A_918] : memref<1024x768xf32, #tpu.memory_space<vmem_shared>> -> memref<1024x768xf32, #tpu.memory_space<vmem_shared>>
    tpu.enqueue_indirect_dma source(%arg9 : memref<32x768xf32, #tpu.memory_space<vmem>>) target(%dma_start3A_919 : memref<1024x768xf32, #tpu.memory_space<vmem_shared>>) offsets(%dma_start3A_916 : memref<32xi32, #tpu.memory_space<vmem>>) semaphore(%arg17 : memref<!tpu.dma_semaphore, #tpu.memory_space<semaphore_mem>>) {add = true}
    %dma_start3A_920 = arith.constant 0 : i32
    %dma_start3A_921 = arith.constant 0 : i32
    %dma_start3A_922 = tpu.memref_slice %arg13[%dma_start3A_920, %dma_start3A_921] : memref<1x32xi32, #tpu.memory_space<vmem>> -> memref<1x32xi32, #tpu.memory_space<vmem>>
    %dma_start3A_923 = tpu.memref_squeeze %dma_start3A_922 : memref<1x32xi32, #tpu.memory_space<vmem>> -> memref<32xi32, #tpu.memory_space<vmem>>
    %dma_start3A_924 = arith.constant 0 : i32
    %dma_start3A_925 = arith.constant 0 : i32
    %dma_start3A_926 = tpu.memref_slice %arg7[%dma_start3A_924, %dma_start3A_925] : memref<1024x128xf32, #tpu.memory_space<vmem_shared>> -> memref<1024x128xf32, #tpu.memory_space<vmem_shared>>
    tpu.enqueue_indirect_dma source(%arg10 : memref<32x128xf32, #tpu.memory_space<vmem>>) target(%dma_start3A_926 : memref<1024x128xf32, #tpu.memory_space<vmem_shared>>) offsets(%dma_start3A_923 : memref<32xi32, #tpu.memory_space<vmem>>) semaphore(%arg17 : memref<!tpu.dma_semaphore, #tpu.memory_space<semaphore_mem>>) {add = true}
    %dma_wait3A_927 = arith.constant 0 : i32
    %dma_wait3A_928 = arith.constant 0 : i32
    %dma_wait3A_929 = tpu.memref_slice %arg12[%dma_wait3A_927, %dma_wait3A_928] : memref<1x32xi32, #tpu.memory_space<vmem>> -> memref<1x32xi32, #tpu.memory_space<vmem>>
    %dma_wait3A_930 = tpu.memref_squeeze %dma_wait3A_929 : memref<1x32xi32, #tpu.memory_space<vmem>> -> memref<32xi32, #tpu.memory_space<vmem>>
    %dma_wait3A_931 = arith.constant 0 : i32
    %dma_wait3A_932 = arith.constant 0 : i32
    %dma_wait3A_933 = tpu.memref_slice %arg6[%dma_wait3A_931, %dma_wait3A_932] : memref<1024x768xf32, #tpu.memory_space<vmem_shared>> -> memref<1024x768xf32, #tpu.memory_space<vmem_shared>>
    tpu.wait_indirect_dma semaphore(%arg16 : memref<!tpu.dma_semaphore, #tpu.memory_space<semaphore_mem>>) src(%arg8 : memref<32x768xf32, #tpu.memory_space<vmem>>) dst(%dma_wait3A_933 : memref<1024x768xf32, #tpu.memory_space<vmem_shared>>)
    %dma_wait3A_934 = arith.constant 0 : i32
    %dma_wait3A_935 = arith.constant 0 : i32
    %dma_wait3A_936 = tpu.memref_slice %arg12[%dma_wait3A_934, %dma_wait3A_935] : memref<1x32xi32, #tpu.memory_space<vmem>> -> memref<1x32xi32, #tpu.memory_space<vmem>>
    %dma_wait3A_937 = tpu.memref_squeeze %dma_wait3A_936 : memref<1x32xi32, #tpu.memory_space<vmem>> -> memref<32xi32, #tpu.memory_space<vmem>>
    %dma_wait3A_938 = arith.constant 0 : i32
    %dma_wait3A_939 = arith.constant 0 : i32
    %dma_wait3A_940 = tpu.memref_slice %arg7[%dma_wait3A_938, %dma_wait3A_939] : memref<1024x128xf32, #tpu.memory_space<vmem_shared>> -> memref<1024x128xf32, #tpu.memory_space<vmem_shared>>
    tpu.wait_indirect_dma semaphore(%arg16 : memref<!tpu.dma_semaphore, #tpu.memory_space<semaphore_mem>>) src(%arg10 : memref<32x128xf32, #tpu.memory_space<vmem>>) dst(%dma_wait3A_940 : memref<1024x128xf32, #tpu.memory_space<vmem_shared>>)
    %dma_wait3A_941 = arith.constant 0 : i32
    %dma_wait3A_942 = arith.constant 0 : i32
    %dma_wait3A_943 = tpu.memref_slice %arg13[%dma_wait3A_941, %dma_wait3A_942] : memref<1x32xi32, #tpu.memory_space<vmem>> -> memref<1x32xi32, #tpu.memory_space<vmem>>
    %dma_wait3A_944 = tpu.memref_squeeze %dma_wait3A_943 : memref<1x32xi32, #tpu.memory_space<vmem>> -> memref<32xi32, #tpu.memory_space<vmem>>
    %dma_wait3A_945 = arith.constant 0 : i32
    %dma_wait3A_946 = arith.constant 0 : i32
    %dma_wait3A_947 = tpu.memref_slice %arg6[%dma_wait3A_945, %dma_wait3A_946] : memref<1024x768xf32, #tpu.memory_space<vmem_shared>> -> memref<1024x768xf32, #tpu.memory_space<vmem_shared>>
    tpu.wait_indirect_dma semaphore(%arg17 : memref<!tpu.dma_semaphore, #tpu.memory_space<semaphore_mem>>) src(%arg9 : memref<32x768xf32, #tpu.memory_space<vmem>>) dst(%dma_wait3A_947 : memref<1024x768xf32, #tpu.memory_space<vmem_shared>>)
    %dma_wait3A_948 = arith.constant 0 : i32
    %dma_wait3A_949 = arith.constant 0 : i32
    %dma_wait3A_950 = tpu.memref_slice %arg13[%dma_wait3A_948, %dma_wait3A_949] : memref<1x32xi32, #tpu.memory_space<vmem>> -> memref<1x32xi32, #tpu.memory_space<vmem>>
    %dma_wait3A_951 = tpu.memref_squeeze %dma_wait3A_950 : memref<1x32xi32, #tpu.memory_space<vmem>> -> memref<32xi32, #tpu.memory_space<vmem>>
    %dma_wait3A_952 = arith.constant 0 : i32
    %dma_wait3A_953 = arith.constant 0 : i32
    %dma_wait3A_954 = tpu.memref_slice %arg7[%dma_wait3A_952, %dma_wait3A_953] : memref<1024x128xf32, #tpu.memory_space<vmem_shared>> -> memref<1024x128xf32, #tpu.memory_space<vmem_shared>>
    tpu.wait_indirect_dma semaphore(%arg17 : memref<!tpu.dma_semaphore, #tpu.memory_space<semaphore_mem>>) src(%arg10 : memref<32x128xf32, #tpu.memory_space<vmem>>) dst(%dma_wait3A_954 : memref<1024x128xf32, #tpu.memory_space<vmem_shared>>)
    %barrier3A_955 = arith.constant 0 : index
    tpu.barrier barrier_id(%barrier3A_955)
    "tpu.region"() ({
      %run_scoped3A = tpu.sem_alloc : memref<!tpu.dma_semaphore, #tpu.memory_space<semaphore_mem>>
      %dma_start3A_956 = arith.constant 0 : i32
      %dma_start3A_957 = tpu.memref_slice %arg4[%arg0, %mul3A_6, %dma_start3A_956] : memref<2x1024x768xf32, #tpu.memory_space<hbm>> -> memref<1x64x768xf32, #tpu.memory_space<hbm>>
      %dma_start3A_958 = tpu.memref_squeeze %dma_start3A_957 : memref<1x64x768xf32, #tpu.memory_space<hbm>> -> memref<64x768xf32, #tpu.memory_space<hbm>>
      %dma_start3A_959 = arith.constant 0 : i32
      %dma_start3A_960 = tpu.memref_slice %arg6[%mul3A_6, %dma_start3A_959] : memref<1024x768xf32, #tpu.memory_space<vmem_shared>> -> memref<64x768xf32, #tpu.memory_space<vmem_shared>>
      tpu.enqueue_dma source(%dma_start3A_960 : memref<64x768xf32, #tpu.memory_space<vmem_shared>>) target(%dma_start3A_958 : memref<64x768xf32, #tpu.memory_space<hbm>>) target_semaphore(%run_scoped3A : memref<!tpu.dma_semaphore, #tpu.memory_space<semaphore_mem>>)
      %dma_wait3A_961 = arith.constant 0 : i32
      %dma_wait3A_962 = tpu.memref_slice %arg4[%arg0, %mul3A_6, %dma_wait3A_961] : memref<2x1024x768xf32, #tpu.memory_space<hbm>> -> memref<1x64x768xf32, #tpu.memory_space<hbm>>
      %dma_wait3A_963 = tpu.memref_squeeze %dma_wait3A_962 : memref<1x64x768xf32, #tpu.memory_space<hbm>> -> memref<64x768xf32, #tpu.memory_space<hbm>>
      %dma_wait3A_964 = arith.constant 0 : i32
      %dma_wait3A_965 = tpu.memref_slice %arg6[%mul3A_6, %dma_wait3A_964] : memref<1024x768xf32, #tpu.memory_space<vmem_shared>> -> memref<64x768xf32, #tpu.memory_space<vmem_shared>>
      tpu.wait_dma2 semaphore(%run_scoped3A : memref<!tpu.dma_semaphore, #tpu.memory_space<semaphore_mem>>) src(%dma_wait3A_965 : memref<64x768xf32, #tpu.memory_space<vmem_shared>>) dst(%dma_wait3A_963 : memref<64x768xf32, #tpu.memory_space<hbm>>)
      tpu.yield
    }) : () -> ()
    "tpu.region"() ({
      %run_scoped3A = tpu.sem_alloc : memref<!tpu.dma_semaphore, #tpu.memory_space<semaphore_mem>>
      %dma_start3A_956 = arith.constant 0 : i32
      %dma_start3A_957 = tpu.memref_slice %arg5[%arg0, %mul3A_6, %dma_start3A_956] : memref<2x1024x128xf32, #tpu.memory_space<hbm>> -> memref<1x64x128xf32, #tpu.memory_space<hbm>>
      %dma_start3A_958 = tpu.memref_squeeze %dma_start3A_957 : memref<1x64x128xf32, #tpu.memory_space<hbm>> -> memref<64x128xf32, #tpu.memory_space<hbm>>
      %dma_start3A_959 = arith.constant 0 : i32
      %dma_start3A_960 = tpu.memref_slice %arg7[%mul3A_6, %dma_start3A_959] : memref<1024x128xf32, #tpu.memory_space<vmem_shared>> -> memref<64x128xf32, #tpu.memory_space<vmem_shared>>
      tpu.enqueue_dma source(%dma_start3A_960 : memref<64x128xf32, #tpu.memory_space<vmem_shared>>) target(%dma_start3A_958 : memref<64x128xf32, #tpu.memory_space<hbm>>) target_semaphore(%run_scoped3A : memref<!tpu.dma_semaphore, #tpu.memory_space<semaphore_mem>>)
      %dma_wait3A_961 = arith.constant 0 : i32
      %dma_wait3A_962 = tpu.memref_slice %arg5[%arg0, %mul3A_6, %dma_wait3A_961] : memref<2x1024x128xf32, #tpu.memory_space<hbm>> -> memref<1x64x128xf32, #tpu.memory_space<hbm>>
      %dma_wait3A_963 = tpu.memref_squeeze %dma_wait3A_962 : memref<1x64x128xf32, #tpu.memory_space<hbm>> -> memref<64x128xf32, #tpu.memory_space<hbm>>
      %dma_wait3A_964 = arith.constant 0 : i32
      %dma_wait3A_965 = tpu.memref_slice %arg7[%mul3A_6, %dma_wait3A_964] : memref<1024x128xf32, #tpu.memory_space<vmem_shared>> -> memref<64x128xf32, #tpu.memory_space<vmem_shared>>
      tpu.wait_dma2 semaphore(%run_scoped3A : memref<!tpu.dma_semaphore, #tpu.memory_space<semaphore_mem>>) src(%dma_wait3A_965 : memref<64x128xf32, #tpu.memory_space<vmem_shared>>) dst(%dma_wait3A_963 : memref<64x128xf32, #tpu.memory_space<hbm>>)
      tpu.yield
    }) : () -> ()
    return
  }
}

module attributes {stable_mosaic.version = 14 : i64} {
  func.func @_trgsum_body(%arg0: i32, %arg1: memref<2048x1xi32, #tpu.memory_space<vmem>>, %arg2: memref<2048x768xf32, #tpu.memory_space<vmem>>, %arg3: memref<2048x1xf32, #tpu.memory_space<vmem>>, %arg4: memref<1024x768xf32, #tpu.memory_space<vmem>>, %arg5: memref<1024x2xf32, #tpu.memory_space<vmem>>) attributes {dimension_semantics = [#tpu.dimension_semantics<arbitrary>], iteration_bounds = array<i64: 8>, scalar_prefetch = 0 : i64, scratch_operands = 0 : i64, tpu.core_type = #tpu.core_type<tc>, window_params = [{transform_indices = @transform_0, window_bounds = array<i64: 2048, 1>}, {transform_indices = @transform_1, window_bounds = array<i64: 2048, 768>}, {transform_indices = @transform_2, window_bounds = array<i64: 2048, 1>}, {pipeline_mode = #tpu.pipeline_mode<synchronous>, transform_indices = @transform_3, window_bounds = array<i64: 1024, 768>}, {pipeline_mode = #tpu.pipeline_mode<synchronous>, transform_indices = @transform_4, window_bounds = array<i64: 1024, 2>}]} {
    %eq3A = arith.constant 0 : i32
    %eq3A_0 = arith.cmpi eq, %arg0, %eq3A : i32
    %convert_element_type3A = arith.extui %eq3A_0 : i1 to i32
    %cond3A = arith.constant 0 : i32
    %cond3A_1 = arith.cmpi ne, %convert_element_type3A, %cond3A : i32
    scf.if %cond3A_1 {
      %broadcast_in_dim3A_31 = arith.constant 0.000000e+00 : f32
      %broadcast_in_dim3A_32 = vector.broadcast %broadcast_in_dim3A_31 : f32 to vector<1024x768xf32>
      %swap3A_33 = arith.constant 0 : index
      %swap3A_34 = arith.constant 0 : index
      %swap3A_35 = vector.load %arg4[%swap3A_33, %swap3A_34] : memref<1024x768xf32, #tpu.memory_space<vmem>>, vector<1024x768xf32>
      tpu.vector_store %arg4[%swap3A_33, %swap3A_34], %broadcast_in_dim3A_32 {strides = array<i32>} : memref<1024x768xf32, #tpu.memory_space<vmem>>, vector<1024x768xf32>,
      %broadcast_in_dim3A_36 = arith.constant 0.000000e+00 : f32
      %broadcast_in_dim3A_37 = vector.broadcast %broadcast_in_dim3A_36 : f32 to vector<1024x2xf32>
      %swap3A_38 = arith.constant 0 : index
      %swap3A_39 = arith.constant 0 : index
      %swap3A_40 = vector.load %arg5[%swap3A_38, %swap3A_39] : memref<1024x2xf32, #tpu.memory_space<vmem>>, vector<1024x2xf32>
      tpu.vector_store %arg5[%swap3A_38, %swap3A_39], %broadcast_in_dim3A_37 {strides = array<i32>} : memref<1024x2xf32, #tpu.memory_space<vmem>>, vector<1024x2xf32>,
    } else {
    }
    %iota3A = tpu.iota {dimensions = array<i32: 1>} : vector<2048x1024xi32>
    %get3A = arith.constant 0 : index
    %get3A_2 = arith.constant 0 : index
    %get3A_3 = vector.load %arg1[%get3A, %get3A_2] : memref<2048x1xi32, #tpu.memory_space<vmem>>, vector<2048x1xi32>
    %eq3A_4 = vector.broadcast %get3A_3 : vector<2048x1xi32> to vector<2048x1024xi32>
    %eq3A_5 = arith.cmpi eq, %eq3A_4, %iota3A : vector<2048x1024xi32>
    %convert_element_type3A_6 = arith.extui %eq3A_5 : vector<2048x1024xi1> to vector<2048x1024xi32>
    %convert_element_type3A_7 = arith.sitofp %convert_element_type3A_6 : vector<2048x1024xi32> to vector<2048x1024xf32>
    %get3A_8 = arith.constant 0 : index
    %get3A_9 = arith.constant 0 : index
    %get3A_10 = vector.load %arg3[%get3A_8, %get3A_9] : memref<2048x1xf32, #tpu.memory_space<vmem>>, vector<2048x1xf32>
    %get3A_11 = arith.constant 0 : index
    %get3A_12 = arith.constant 0 : index
    %get3A_13 = vector.load %arg4[%get3A_11, %get3A_12] : memref<1024x768xf32, #tpu.memory_space<vmem>>, vector<1024x768xf32>
    %get3A_14 = arith.constant 0 : index
    %get3A_15 = arith.constant 0 : index
    %get3A_16 = vector.load %arg2[%get3A_14, %get3A_15] : memref<2048x768xf32, #tpu.memory_space<vmem>>, vector<2048x768xf32>
    %mul3A = vector.broadcast %get3A_10 : vector<2048x1xf32> to vector<2048x768xf32>
    %mul3A_17 = arith.mulf %get3A_16, %mul3A : vector<2048x768xf32>
    %dot_general3A = arith.constant dense<0.000000e+00> : vector<1024x768xf32>
    %dot_general3A_18 = tpu.matmul %convert_element_type3A_7, %mul3A_17, %dot_general3A {dimension_numbers = #tpu.dot_dimension_numbers<[0], [0], [1], [1], [0, 1, 1, 1], [], []>, transpose_lhs_hint = false} : vector<2048x1024xf32>, vector<2048x768xf32>, vector<1024x768xf32> -> vector<1024x768xf32>
    %add3A = arith.addf %get3A_13, %dot_general3A_18 : vector<1024x768xf32>
    %swap3A = arith.constant 0 : index
    %swap3A_19 = arith.constant 0 : index
    %swap3A_20 = vector.load %arg4[%swap3A, %swap3A_19] : memref<1024x768xf32, #tpu.memory_space<vmem>>, vector<1024x768xf32>
    tpu.vector_store %arg4[%swap3A, %swap3A_19], %add3A {strides = array<i32>} : memref<1024x768xf32, #tpu.memory_space<vmem>>, vector<1024x768xf32>,
    %broadcast_in_dim3A = arith.constant 1.000000e+00 : f32
    %broadcast_in_dim3A_21 = vector.broadcast %broadcast_in_dim3A : f32 to vector<2048x1xf32>
    %concatenate3A = tpu.concatenate %get3A_10, %broadcast_in_dim3A_21 in 1 : vector<2048x1xf32>, vector<2048x1xf32> -> vector<2048x2xf32>
    %get3A_22 = arith.constant 0 : index
    %get3A_23 = arith.constant 0 : index
    %get3A_24 = vector.load %arg5[%get3A_22, %get3A_23] : memref<1024x2xf32, #tpu.memory_space<vmem>>, vector<1024x2xf32>
    %dot_general3A_25 = arith.constant dense<0.000000e+00> : vector<1024x2xf32>
    %dot_general3A_26 = tpu.matmul %convert_element_type3A_7, %concatenate3A, %dot_general3A_25 {dimension_numbers = #tpu.dot_dimension_numbers<[0], [0], [1], [1], [0, 1, 1, 1], [], []>, transpose_lhs_hint = false} : vector<2048x1024xf32>, vector<2048x2xf32>, vector<1024x2xf32> -> vector<1024x2xf32>
    %add3A_27 = arith.addf %get3A_24, %dot_general3A_26 : vector<1024x2xf32>
    %swap3A_28 = arith.constant 0 : index
    %swap3A_29 = arith.constant 0 : index
    %swap3A_30 = vector.load %arg5[%swap3A_28, %swap3A_29] : memref<1024x2xf32, #tpu.memory_space<vmem>>, vector<1024x2xf32>
    tpu.vector_store %arg5[%swap3A_28, %swap3A_29], %add3A_27 {strides = array<i32>} : memref<1024x2xf32, #tpu.memory_space<vmem>>, vector<1024x2xf32>,
    return
  }
  func.func @transform_0(%arg0: i32) -> (i32, i32) {
    %c0_i32 = arith.constant 0 : i32
    %c0_i32_0 = arith.constant 0 : i32
    return %arg0, %c0_i32 : i32, i32
  }
  func.func @transform_1(%arg0: i32) -> (i32, i32) {
    %c0_i32 = arith.constant 0 : i32
    %c0_i32_0 = arith.constant 0 : i32
    return %arg0, %c0_i32 : i32, i32
  }
  func.func @transform_2(%arg0: i32) -> (i32, i32) {
    %c0_i32 = arith.constant 0 : i32
    %c0_i32_0 = arith.constant 0 : i32
    return %arg0, %c0_i32 : i32, i32
  }
  func.func @transform_3(%arg0: i32) -> (i32, i32) {
    %c0_i32 = arith.constant 0 : i32
    %c0_i32_0 = arith.constant 0 : i32
    %c0_i32_1 = arith.constant 0 : i32
    return %c0_i32, %c0_i32_0 : i32, i32
  }
  func.func @transform_4(%arg0: i32) -> (i32, i32) {
    %c0_i32 = arith.constant 0 : i32
    %c0_i32_0 = arith.constant 0 : i32
    %c0_i32_1 = arith.constant 0 : i32
    return %c0_i32, %c0_i32_0 : i32, i32
  }
}

module attributes {stable_mosaic.version = 14 : i64} {
  func.func @_finish_body(%arg0: memref<2x1024x768xf32, #tpu.memory_space<vmem>>, %arg1: memref<2x1024x128xf32, #tpu.memory_space<vmem>>, %arg2: memref<1024x768xf32, #tpu.memory_space<vmem>>, %arg3: memref<1024x2xf32, #tpu.memory_space<vmem>>, %arg4: memref<1x1xf32, #tpu.memory_space<smem>>) attributes {dimension_semantics = [], scalar_prefetch = 0 : i64, scratch_operands = 0 : i64, tpu.core_type = #tpu.core_type<tc>} {
    %get3A = arith.constant 0 : index
    %get3A_0 = arith.constant 0 : index
    %get3A_1 = arith.constant 0 : index
    %get3A_2 = vector.load %arg0[%get3A, %get3A_0, %get3A_1] : memref<2x1024x768xf32, #tpu.memory_space<vmem>>, vector<1x1024x768xf32>
    %get3A_3 = vector.shape_cast %get3A_2 : vector<1x1024x768xf32> to vector<1024x768xf32>
    %get3A_4 = arith.constant 1 : index
    %get3A_5 = arith.constant 0 : index
    %get3A_6 = arith.constant 0 : index
    %get3A_7 = vector.load %arg0[%get3A_4, %get3A_5, %get3A_6] : memref<2x1024x768xf32, #tpu.memory_space<vmem>>, vector<1x1024x768xf32>
    %get3A_8 = vector.shape_cast %get3A_7 : vector<1x1024x768xf32> to vector<1024x768xf32>
    %add3A = arith.addf %get3A_3, %get3A_8 : vector<1024x768xf32>
    %get3A_9 = arith.constant 0 : index
    %get3A_10 = arith.constant 0 : index
    %get3A_11 = arith.constant 0 : index
    %get3A_12 = vector.load %arg1[%get3A_9, %get3A_10, %get3A_11] : memref<2x1024x128xf32, #tpu.memory_space<vmem>>, vector<1x1024x1xf32>
    %get3A_13 = vector.shape_cast %get3A_12 : vector<1x1024x1xf32> to vector<1024x1xf32>
    %get3A_14 = arith.constant 1 : index
    %get3A_15 = arith.constant 0 : index
    %get3A_16 = arith.constant 0 : index
    %get3A_17 = vector.load %arg1[%get3A_14, %get3A_15, %get3A_16] : memref<2x1024x128xf32, #tpu.memory_space<vmem>>, vector<1x1024x1xf32>
    %get3A_18 = vector.shape_cast %get3A_17 : vector<1x1024x1xf32> to vector<1024x1xf32>
    %add3A_19 = arith.addf %get3A_13, %get3A_18 : vector<1024x1xf32>
    %get3A_20 = arith.constant 0 : index
    %get3A_21 = arith.constant 0 : index
    %get3A_22 = vector.load %arg2[%get3A_20, %get3A_21] : memref<1024x768xf32, #tpu.memory_space<vmem>>, vector<1024x768xf32>
    %get3A_23 = arith.constant 0 : index
    %get3A_24 = arith.constant 0 : index
    %get3A_25 = vector.load %arg3[%get3A_23, %get3A_24] : memref<1024x2xf32, #tpu.memory_space<vmem>>, vector<1024x1xf32>
    %get3A_26 = arith.constant 0 : index
    %get3A_27 = arith.constant 1 : index
    %get3A_28 = vector.load %arg3[%get3A_26, %get3A_27] : memref<1024x2xf32, #tpu.memory_space<vmem>>, vector<1024x1xf32>
    %gt3A = arith.constant 0.000000e+00 : f32
    %gt3A_29 = vector.broadcast %gt3A : f32 to vector<1024x1xf32>
    %gt3A_30 = arith.cmpf ogt, %add3A_19, %gt3A_29 : vector<1024x1xf32>
    %convert_element_type3A = arith.extui %gt3A_30 : vector<1024x1xi1> to vector<1024x1xi32>
    %convert_element_type3A_31 = arith.sitofp %convert_element_type3A : vector<1024x1xi32> to vector<1024x1xf32>
    %gt3A_32 = arith.constant 0.000000e+00 : f32
    %gt3A_33 = vector.broadcast %gt3A_32 : f32 to vector<1024x1xf32>
    %gt3A_34 = arith.cmpf ogt, %get3A_28, %gt3A_33 : vector<1024x1xf32>
    %convert_element_type3A_35 = arith.extui %gt3A_34 : vector<1024x1xi1> to vector<1024x1xi32>
    %convert_element_type3A_36 = arith.sitofp %convert_element_type3A_35 : vector<1024x1xi32> to vector<1024x1xf32>
    %max3A = arith.constant 1.000000e+00 : f32
    %max3A_37 = vector.broadcast %max3A : f32 to vector<1024x1xf32>
    %max3A_38 = arith.maximumf %add3A_19, %max3A_37 : vector<1024x1xf32>
    %div3A = vector.broadcast %max3A_38 : vector<1024x1xf32> to vector<1024x768xf32>
    %div3A_39 = arith.divf %add3A, %div3A : vector<1024x768xf32>
    %mul3A = arith.constant 1.000000e-01 : f32
    %mul3A_40 = vector.broadcast %mul3A : f32 to vector<1024x768xf32>
    %mul3A_41 = arith.mulf %mul3A_40, %div3A_39 : vector<1024x768xf32>
    %mul3A_42 = vector.broadcast %convert_element_type3A_31 : vector<1024x1xf32> to vector<1024x768xf32>
    %mul3A_43 = arith.mulf %mul3A_41, %mul3A_42 : vector<1024x768xf32>
    %max3A_44 = arith.constant 9.99999996E-13 : f32
    %max3A_45 = vector.broadcast %max3A_44 : f32 to vector<1024x1xf32>
    %max3A_46 = arith.maximumf %get3A_25, %max3A_45 : vector<1024x1xf32>
    %div3A_47 = vector.broadcast %max3A_46 : vector<1024x1xf32> to vector<1024x768xf32>
    %div3A_48 = arith.divf %get3A_22, %div3A_47 : vector<1024x768xf32>
    %mul3A_49 = arith.constant 1.000000e-01 : f32
    %mul3A_50 = vector.broadcast %mul3A_49 : f32 to vector<1024x768xf32>
    %mul3A_51 = arith.mulf %mul3A_50, %div3A_48 : vector<1024x768xf32>
    %mul3A_52 = vector.broadcast %convert_element_type3A_36 : vector<1024x1xf32> to vector<1024x768xf32>
    %mul3A_53 = arith.mulf %mul3A_51, %mul3A_52 : vector<1024x768xf32>
    %mul3A_54 = arith.mulf %mul3A_43, %mul3A_43 : vector<1024x768xf32>
    %reduce_sum3A = arith.constant dense<0.000000e+00> : vector<1024xf32>
    %reduce_sum3A_55 = vector.multi_reduction <add>, %mul3A_54, %reduce_sum3A [1] : vector<1024x768xf32> to vector<1024xf32>
    %broadcast_in_dim3A = vector.shape_cast %reduce_sum3A_55 : vector<1024xf32> to vector<1024x1xf32>
    %sqrt3A = math.sqrt %broadcast_in_dim3A : vector<1024x1xf32>
    %mul3A_56 = arith.mulf %mul3A_53, %mul3A_53 : vector<1024x768xf32>
    %reduce_sum3A_57 = arith.constant dense<0.000000e+00> : vector<1024xf32>
    %reduce_sum3A_58 = vector.multi_reduction <add>, %mul3A_56, %reduce_sum3A_57 [1] : vector<1024x768xf32> to vector<1024xf32>
    %broadcast_in_dim3A_59 = vector.shape_cast %reduce_sum3A_58 : vector<1024xf32> to vector<1024x1xf32>
    %sqrt3A_60 = math.sqrt %broadcast_in_dim3A_59 : vector<1024x1xf32>
    %mul3A_61 = arith.mulf %convert_element_type3A_31, %convert_element_type3A_36 : vector<1024x1xf32>
    %gt3A_62 = arith.constant 9.99999997E-7 : f32
    %gt3A_63 = vector.broadcast %gt3A_62 : f32 to vector<1024x1xf32>
    %gt3A_64 = arith.cmpf ogt, %sqrt3A, %gt3A_63 : vector<1024x1xf32>
    %convert_element_type3A_65 = arith.extui %gt3A_64 : vector<1024x1xi1> to vector<1024x1xi32>
    %convert_element_type3A_66 = arith.sitofp %convert_element_type3A_65 : vector<1024x1xi32> to vector<1024x1xf32>
    %mul3A_67 = arith.mulf %mul3A_61, %convert_element_type3A_66 : vector<1024x1xf32>
    %gt3A_68 = arith.constant 9.99999997E-7 : f32
    %gt3A_69 = vector.broadcast %gt3A_68 : f32 to vector<1024x1xf32>
    %gt3A_70 = arith.cmpf ogt, %sqrt3A_60, %gt3A_69 : vector<1024x1xf32>
    %convert_element_type3A_71 = arith.extui %gt3A_70 : vector<1024x1xi1> to vector<1024x1xi32>
    %convert_element_type3A_72 = arith.sitofp %convert_element_type3A_71 : vector<1024x1xi32> to vector<1024x1xf32>
    %mul3A_73 = arith.mulf %mul3A_67, %convert_element_type3A_72 : vector<1024x1xf32>
    %reduce_sum3A_74 = vector.shape_cast %mul3A_73 : vector<1024x1xf32> to vector<1x1024x1xf32>
    %reduce_sum3A_75 = arith.constant dense<0.000000e+00> : vector<1xf32>
    %reduce_sum3A_76 = vector.multi_reduction <add>, %reduce_sum3A_74, %reduce_sum3A_75 [1, 2] : vector<1x1024x1xf32> to vector<1xf32>
    %reduce_sum3A_77 = vector.shape_cast %reduce_sum3A_76 : vector<1xf32> to vector<1x1x1xf32>
    %reduce_sum3A_78 = vector.extract %reduce_sum3A_77[0, 0, 0] : f32 from vector<1x1x1xf32>
    %sub3A = arith.subf %mul3A_43, %mul3A_53 : vector<1024x768xf32>
    %mul3A_79 = arith.mulf %sub3A, %sub3A : vector<1024x768xf32>
    %mul3A_80 = vector.broadcast %mul3A_73 : vector<1024x1xf32> to vector<1024x768xf32>
    %mul3A_81 = arith.mulf %mul3A_79, %mul3A_80 : vector<1024x768xf32>
    %reduce_sum3A_82 = vector.shape_cast %mul3A_81 : vector<1024x768xf32> to vector<1x1024x768xf32>
    %reduce_sum3A_83 = arith.constant dense<0.000000e+00> : vector<1xf32>
    %reduce_sum3A_84 = vector.multi_reduction <add>, %reduce_sum3A_82, %reduce_sum3A_83 [1, 2] : vector<1x1024x768xf32> to vector<1xf32>
    %reduce_sum3A_85 = vector.shape_cast %reduce_sum3A_84 : vector<1xf32> to vector<1x1x1xf32>
    %reduce_sum3A_86 = vector.extract %reduce_sum3A_85[0, 0, 0] : f32 from vector<1x1x1xf32>
    %mul3A_87 = arith.constant 7.680000e+02 : f32
    %mul3A_88 = arith.mulf %reduce_sum3A_78, %mul3A_87 : f32
    %max3A_89 = arith.constant 1.000000e+00 : f32
    %max3A_90 = arith.maximumf %mul3A_88, %max3A_89 : f32
    %min3A = arith.constant 1.000000e+00 : f32
    %min3A_91 = arith.minimumf %reduce_sum3A_78, %min3A : f32
    %div3A_92 = arith.divf %reduce_sum3A_86, %max3A_90 : f32
    %mul3A_93 = arith.mulf %min3A_91, %div3A_92 : f32
    %swap3A = arith.constant 0 : index
    %swap3A_94 = arith.constant 0 : index
    %swap3A_95 = memref.load %arg4[%swap3A, %swap3A_94] : memref<1x1xf32, #tpu.memory_space<smem>>
    memref.store %mul3A_93, %arg4[%swap3A, %swap3A_94] : memref<1x1xf32, #tpu.memory_space<smem>>
    return
  }
}

</mosaic_0001>

<sc_bundles>
// kernel: kernel.5.cloned.1.call-start
scs
__scs_entry_jumppad:
0x0: {  	(pc) =	sbr.rel $0x88, $3  }
0x1: {  	(tag) =	ssettag $0x0;
	lr =	simm.s32 $0x1  }
0x2: {  	[smem:$0x3F9C] =	sst lr;
	_ =	strace $0xD0000000  }
0x3: {  	_ = 	snop  }
0x4: {  	_ = 	snop  }
0x5: {  	_ = 	snop  }
0x6: {  	_ = 	snop  }
0x7: {  	_ = 	snop  }
__scs_overlays_trampoline_lowered:
0x8: {  	[smem:$0x3FAB] =	sst s0  }
0x9: {  	[smem:$0x3FAC] =	sst s1  }
0xa: {  	[smem:$0x3FAD] =	sst s2  }
0xb: {  	[smem:$0x3FAE] =	sst s3  }
0xc: {  	[smem:$0x3FAF] =	sst s4  }
0xd: {  	[smem:$0x3FB0] =	sst s5  }
0xe: {  	[smem:$0x3FB1] =	sst s6  }
0xf: {  	[smem:$0x3FB2] =	sst s7  }
0x10: {  	[smem:$0x3FB3] =	sst s8  }
0x11: {  	[smem:$0x3FB4] =	sst s9;
	s0 =	simm.s32 @!p0 $0x0  }
0x12: {  	s1 =	sld [smem:$0x3F9A];
	s0 =	simm.s32 @p0 $0x1  }
0x13: {  	[smem:$0x3FB5] =	sst s0;
	s0 =	simm.s32 @!p1 $0x0  }
0x14: {  	s2 =	sld [smem:$0x3F99];
	s0 =	simm.s32 @p1 $0x1  }
0x15: {  	[smem:$0x3FB6] =	sst s0;
	s0 =	simm.s32 @!p2 $0x0  }
0x16: {  	s3 =	sld [smem:$0x3FDB];
	s0 =	simm.s32 @p2 $0x1  }
0x17: {  	s4 =	simm.s32 $0x1BF5;
	[smem:$0x3FB8] =	sst s0  }
0x18: {  	s0 =	sld [smem:$0x3F9B];
	_ =	swait.ge [sflag:s4], $0x0  }
0x19: {  	s7 =	sld [smem:$0x3F9C]  }
0x1a: {  	s8 =	sadd.s32 $0xFFFFE003, lr  }
0x1b: {  	s9 =	sadd.s32 $0xFFFFFEF7, lr;
	s5 =	simm.s32 $0xFFFFFFFF;
	p2 =	slt.u32 s8, $0xFFFFF086  }
0x1c: {  	p1 =	slt.u32 s9, $0xF7A;
	s5 =	simm.s32 @!p2 $0x0  }
0x1d: {  	s5 =	simm.s32 @p1 $0x1;
	p0 =	seq.s32 s7, s2  }
0x1e: {  	s7 =	smul.u32 @!p0 $0xF7A, s2;
	p2 =	seq.s32 @!p0 s5, $0x0  }
0x1f: {  	s9 =	smul.u32 $0xF7A, s1;
	s8 =	simm.s32 @!p0 $0x1BF5;
	p2 =	por !p2, p0  }
0x20: {  	[sflag:s8] =	ssyncset.s32 @!p0 $0xFFFFF086;
	s6 =	sadd.s32 @!p0 s3, s7;
	s7 =	simm.s32 @!p0 $0x108  }
0x21: {  	s3 =	sadd.s32 s3, s9;
	s6 =	sadd.s32 @!p0 $0x88, s6;
	s7 =	simm.s32 @p2 $0x1082  }
0x22: {  	[simem:s7], [sflag:s8] =	dma.local @!p0 [hbm:s6], $0xF7A  }
0x23: {  	s9 =	sor.u32 $0xD0000000, s2;
	s6 =	simm.s32 $0x108;
	_ =	swait.ge @!p0 [sflag:s8], $0x0  }
0x24: {  	s3 =	sadd.s32 $0x88, s3;
	s6 =	simm.s32 @!p1 $0x1082;
	[sflag:s4] =	ssyncset.s32 $0xFFFFF086  }
0x25: {  	[simem:s6], [sflag:s4] =	dma.local [hbm:s3], $0xF7A  }
0x26: {  	[smem:$0x3F9C] =	sst s1;
	(tag) =	ssettag s2;
	_ =	strace s9  }
0x27: {  	s1 =	sld [smem:$0x3FAC]  }
0x28: {  	s2 =	sld [smem:$0x3FAD]  }
0x29: {  	s4 =	sld [smem:$0x3FAF]  }
0x2a: {  	p0 =	seq.s32 s5, $0x0;
	s5 =	sld [smem:$0x3FB0]  }
0x2b: {  	s6 =	sld [smem:$0x3FB1]  }
0x2c: {  	s7 =	sld [smem:$0x3FB2]  }
0x2d: {  	s3 =	simm.s32 $0x108;
	s8 =	sld [smem:$0x3FB3]  }
0x2e: {  	s3 =	simm.s32 @!p0 $0x1082;
	s9 =	sld [smem:$0x3FB4]  }
0x2f: {  	lr =	sadd.s32 s0, s3;
	s0 =	sld [smem:$0x3FAB]  }
0x30: {  	s3 =	sld [smem:$0x3FAE]  }
0x31: {  	[smem:$0x3FB7] =	sst s10  }
0x32: {  	s10 =	sld [smem:$0x3FB5];
	_ =	sdelay $0x3  }
0x33: {  	p0 =	seq.s32 s10, $0x1;
	s10 =	sld [smem:$0x3FB7];
	_ =	sdelay $0x3  }
0x34: {  	[smem:$0x3FB7] =	sst s10  }
0x35: {  	s10 =	sld [smem:$0x3FB6];
	_ =	sdelay $0x3  }
0x36: {  	p1 =	seq.s32 s10, $0x1;
	s10 =	sld [smem:$0x3FB7];
	_ =	sdelay $0x3  }
0x37: {  	[smem:$0x3FB7] =	sst s10  }
0x38: {  	s10 =	sld [smem:$0x3FB8]  }
0x39: {  	_ = 	snop;
	(pc) =	sbr.ind lr, $3  }
0x3a: {  	_ = 	snop  }
0x3b: {  	_ = 	snop  }
0x3c: {  	p2 =	seq.s32 s10, $0x1;
	s10 =	sld [smem:$0x3FB7]  }
0x3d: {  	_ =	shalt  }
0x3e: {  	_ =	shalt  }
0x3f: {  	_ =	shalt  }
0x40: {  	_ =	shalt  }
0x41: {  	_ =	shalt  }
0x42: {  	_ =	shalt  }
0x43: {  	_ =	shalt  }
0x44: {  	_ =	shalt  }
0x45: {  	_ =	shalt  }
0x46: {  	_ =	shalt  }
0x47: {  	_ =	shalt  }
0x48: {  	_ =	shalt  }
0x49: {  	_ =	shalt  }
0x4a: {  	_ =	shalt  }
0x4b: {  	_ =	shalt  }
0x4c: {  	_ =	shalt  }
0x4d: {  	_ =	shalt  }
0x4e: {  	_ =	shalt  }
0x4f: {  	_ =	shalt  }
0x50: {  	_ =	shalt  }
0x51: {  	_ =	shalt  }
0x52: {  	_ =	shalt  }
0x53: {  	_ =	shalt  }
0x54: {  	_ =	shalt  }
0x55: {  	_ =	shalt  }
0x56: {  	_ =	shalt  }
0x57: {  	_ =	shalt  }
0x58: {  	_ =	shalt  }
0x59: {  	_ =	shalt  }
0x5a: {  	_ =	shalt  }
0x5b: {  	_ =	shalt  }
0x5c: {  	_ =	shalt  }
0x5d: {  	_ =	shalt  }
0x5e: {  	_ =	shalt  }
0x5f: {  	_ =	shalt  }
0x60: {  	_ =	shalt  }
0x61: {  	_ =	shalt  }
0x62: {  	_ =	shalt  }
0x63: {  	_ =	shalt  }
0x64: {  	_ =	shalt  }
0x65: {  	_ =	shalt  }
0x66: {  	_ =	shalt  }
0x67: {  	_ =	shalt  }
0x68: {  	_ =	shalt  }
0x69: {  	_ =	shalt  }
0x6a: {  	_ =	shalt  }
0x6b: {  	_ =	shalt  }
0x6c: {  	_ =	shalt  }
0x6d: {  	_ =	shalt  }
0x6e: {  	_ =	shalt  }
0x6f: {  	_ =	shalt  }
0x70: {  	_ =	shalt  }
0x71: {  	_ =	shalt  }
0x72: {  	_ =	shalt  }
0x73: {  	_ =	shalt  }
0x74: {  	_ =	shalt  }
0x75: {  	_ =	shalt  }
0x76: {  	_ =	shalt  }
0x77: {  	_ =	shalt  }
0x78: {  	_ =	shalt  }
0x79: {  	_ =	shalt  }
0x7a: {  	_ =	shalt  }
0x7b: {  	_ =	shalt  }
0x7c: {  	_ =	shalt  }
0x7d: {  	_ =	shalt  }
0x7e: {  	_ =	shalt  }
0x7f: {  	_ =	shalt  }
0x80: {  	_ =	shalt  }
0x81: {  	_ =	shalt  }
0x82: {  	_ =	shalt  }
0x83: {  	_ =	shalt  }
0x84: {  	_ =	shalt  }
0x85: {  	_ =	shalt  }
0x86: {  	_ =	shalt  }
0x87: {  	_ =	shalt  }
.Lfunc_end0:
.L_simem_size_0:
called_computation_lowered:
.L_overlay_start_0:
0x88: {  	s2 =	sld [smem:$0x3FD9]  }
0x89: {  	s3 =	sld [smem:$0x3FFE];
	_ =	sdelay $0x1  }
0x8a: {  	s1 =	srdreg.scid  }
0x8b: {  	s0 =	sand.u32 $0x1, s1  }
0x8c: {  	s17 =	sshll.u32 s0, $0xA;
	s2 =	sadd.s32 s3, s2  }
0x8d: {  	s2 =	sadd.s32 s2, s17  }
0x8e: {  	[smem:$0x3FC3] =	sst s2  }
0x8f: {  	_ = 	snop  }
0x90: {  	s2 =	sld [smem:$0x3FC8];
	(tm) =	ssettm $0x1  }
0x91: {  	s18 =	sld [smem:$0x3FFB];
	_ =	sdelay $0x3  }
0x92: {  	_ =	strace s18  }
0x93: {  	s3 =	sld [smem:$0x3FFC];
	_ =	sdelay $0x3  }
0x94: {  	_ =	strace s3  }
0x95: {  	s3 =	sld [smem:$0x3FFD];
	_ =	sdelay $0x3  }
0x96: {  	_ =	strace s3  }
0x97: {  	_ =	strace $0x8FFFFFFF  }
0x98: {  	s19 =	sld [smem:$0x3FDB];
	_ =	sdelay $0x1  }
0x99: {  	s4 =	simm.s32 $_scs_section_size  }
0x9a: {  	s5 =	simm.s32 $_size__tile_overlayer_lowered;
	s6 =	simm.s32 $_tile_overlayer_lowered  }
0x9b: {  	s22 =	simm.s32 $0x1BFF;
	s21 =	sshll.u32 s6, $0x1;
	s3 =	sadd.s32 s4, s19  }
0x9c: {  	s7 =	simm.s32 $0x0;
	s20 =	sshll.u32 s5, $0x1;
	s5 =	sadd.s32 s21, s3  }
0x9d: {  	[timem:s7], [sflag:s22] =	dma.local [hbm:s5], s20  }
0x9e: {  	_ =	swait.ge [sflag:s22], s20  }
0x9f: {  	s4 =	ssub.s32 $0x0, s20;
	[sflag:s22] =	ssyncset.done $0x0  }
0xa0: {  	[sflag:s22] =	ssyncadd.s32 s4;
	_ =	sdelay $0x1  }
0xa1: {  	s23 =	simm.s32 $0x1B8B  }
0xa2: {  	_ =	swait.ge [sflag:s23], $0x1  }
0xa3: {  	[sflag:s23] =	ssyncset.done $0x0  }
0xa4: {  	s25 =	simm.s32 $0x1B8E;
	s24 =	sld [smem:$0x3FFE];
	[sflag:s23] =	ssyncadd.s32 $0xFFFFFFFF  }
0xa5: {  	s26 =	simm.s32 $execute0_lowered;
	[smem:$0x3FD2] =	sst s25  }
0xa6: {  	s5 =	sshll.u32 s26, $0x1;
	_ =	strace $0x80000046;
	[dreg:$0x1] =	wrdreg $0xFFFFFFFF  }
0xa7: {  	s28 =	simm.s32 $_size_execute0_lowered;
	s3 =	sadd.s32 s3, s5;
	[dreg:$0x0] =	wrdreg $0x0  }
0xa8: {  	s5 =	sshll.u32 s28, $0x1;
	[dreg:$0x2] =	wrdreg s3  }
0xa9: {  	[dreg:$0x3] =	wrdreg s5  }
0xaa: {  	[dreg:$0x4] =	wrdreg $0xC0  }
0xab: {  	_ =	task [dreg:s7], $0x5FFFF  }
0xac: {  	[dreg:$0x1] =	wrdreg $0xFFFFFFFF  }
0xad: {  	[dreg:$0x0] =	wrdreg $0x60  }
0xae: {  	[dreg:$0x2] =	wrdreg s24  }
0xaf: {  	[dreg:$0x3] =	wrdreg s2  }
0xb0: {  	[dreg:$0x4] =	wrdreg $0x0  }
0xb1: {  	[dreg:$0x5] =	wrdreg $0xC0000  }
0xb2: {  	[dreg:$0x6] =	wrdreg $0x9  }
0xb3: {  	_ =	task.clear_ibuf [dreg:s7], $0x7FFFF;
	_ =	strace $0x90000046  }
0xb4: {  	s29 =	simm.s32 $0x9;
	_ =	strace $0x80000048  }
0xb5: {  	_ =	swait.ge [sflag:s29], $0x1  }
0xb6: {  	[sflag:s29] =	ssyncadd.s32 $0xFFFFFFFF  }
0xb7: {  	_ =	strace $0x90000048  }
0xb8: {  	_ =	sfence  }
0xb9: {  	s30 =	sld [smem:$0x0];
	_ =	sdelay $0x2  }
0xba: {  	s31 =	sshll.u32 s1, $0xD;
	s1 =	sshrl.u32 s1, $0x2  }
0xbb: {  	s3 =	sand.u32 $0x4000, s31;
	s1 =	sadd.s32 s1, s30  }
0xbc: {  	s0 =	sor.u32 s3, s0;
	s1 =	sshll.u32 s1, $0x11  }
0xbd: {  	s0 =	sor.u32 s1, s0  }
0xbe: {  	s0 =	sadd.s32 $0x8F2B, s0  }
0xbf: {  	[sflag:s0] =	ssyncadd.remote.s32 $0x1  }
0xc0: {  	_ =	sfence.sel $0xFFFF  }
0xc1: {  	[dreg:$0x0] =	wrdreg $0xFFFFFFFF;
	(pc) =	sbr.abs _section_cstart, $3  }
0xc2: {  	[dreg:$0x1] =	wrdreg $0xFFFFFFFF  }
0xc3: {  	_ =	task.clear_ibuf [dreg:s7], $0x2FFFF;
	_ =	strace $0x9FFFFFFF  }
0xc4: {  	(tm) =	ssettm $0x7FFFFFFF  }
0xc5: {  	_ =	shalt  }
tec
execute0_lowered:
.L_overlay_start_1:
0x0: {  	(tag) =	ssettag $0x1  }
0x1: {  	s0 =	srdreg.scid  }
0x2: {  	s25 =	stileid.u32;
	s0 =	sand.u32 $0x1, s0  }
0x3: {  	s1 =	sshll.u32 s25, $0xA;
	s2 =	sshll.u32 s0, $0x9  }
0x4: {  	s4 =	ssub.s32 $0x2, s0;
	s2 =	sor.u32 s2, s1  }
0x5: {  	s3 =	rddreg [dreg:$0x1];
	s21 =	sshrl.u32 s4, $0x1;
	s5 =	sshrl.u32 s2, $0x3  }
0x6: {  	s6 =	sor.u32 $0x20, s2;
	s12 =	ssub.s32 s4, s21;
	s4 =	sor.u32 $0x40, s2  }
0x7: {  	s7 =	sor.u32 $0x80, s2;
	s29 =	sor.u32 $0xA0, s2;
	s9 =	sor.u32 $0xC0, s2  }
0x8: {  	s10 =	sor.u32 $0xE0, s2;
	s13 =	sor.u32 $0x120, s2;
	s14 =	sor.u32 $0x140, s2  }
0x9: {  	s22 =	sadd.s32 s3, s5;
	s23 =	sshrl.u32 s6, $0x3;
	s24 =	sshrl.u32 s4, $0x3  }
0xa: {  	s8 =	sshrl.u32 s7, $0x3;
	s16 =	sshrl.u32 s29, $0x3;
	s17 =	sshrl.u32 s9, $0x3  }
0xb: {  	s11 =	sshrl.u32 s10, $0x3;
	s20 =	sshrl.u32 s13, $0x3;
	s15 =	sshrl.u32 s14, $0x3  }
0xc: {  	s7 =	smul.u32 $0x60, s7;
	[dreg:$0x5] =	wrdreg s22;
	s1 =	sadd.s32 s3, s23  }
0xd: {  	s9 =	smul.u32 $0x60, s9;
	s5 =	sadd.s32 s3, s24;
	[dreg:$0x6] =	wrdreg s1  }
0xe: {  	s12 =	smax.u32 s12, $0x1;
	s28 =	sadd.s32 s3, s8;
	[dreg:$0x7] =	wrdreg s5  }
0xf: {  	s8 =	sadd.s32 s3, s16;
	s18 =	sadd.s32 s3, s11;
	[dreg:$0x9] =	wrdreg s28  }
0x10: {  	s21 =	sadd.s32 s3, s15;
	s16 =	sor.u32 $0x180, s2;
	[dreg:$0xa] =	wrdreg s8  }
0x11: {  	s1 =	smul.u32 $0x60, s6;
	s6 =	sor.u32 $0x60, s2;
	[dreg:$0xc] =	wrdreg s18  }
0x12: {  	s8 =	sadd.s32 s3, s17;
	[dreg:$0xf] =	wrdreg s21;
	s18 =	sor.u32 $0x1A0, s2  }
0x13: {  	s23 =	sshrl.u32 s16, $0x3;
	s26 =	sshrl.u32 s6, $0x3;
	[dreg:$0xb] =	wrdreg s8  }
0x14: {  	s8 =	sor.u32 $0x100, s2;
	s17 =	sshrl.u32 s18, $0x3;
	s5 =	sadd.s32 s3, s26  }
0x15: {  	s6 =	smul.u32 $0x60, s6;
	s24 =	sadd.s32 s3, s17;
	[dreg:$0x8] =	wrdreg s5  }
0x16: {  	s19 =	sshrl.u32 s8, $0x3;
	s17 =	simm.s32 $0x0;
	[dreg:$0x12] =	wrdreg s24  }
0x17: {  	s18 =	smul.u32 $0x60, s18;
	s11 =	sadd.s32 s3, s19;
	[smem:$0x7FF] =	sst s17  }
0x18: {  	s26 =	smul.u32 $0xC0000, s0;
	[dreg:$0xd] =	wrdreg s11;
	s11 =	sadd.s32 s3, s20  }
0x19: {  	s19 =	sor.u32 $0x1C0, s2;
	[dreg:$0xe] =	wrdreg s11;
	s11 =	sor.u32 $0x160, s2  }
0x1a: {  	s5 =	smul.u32 $0x60, s29;
	s29 =	rddreg [dreg:$0x0];
	s22 =	sshrl.u32 s11, $0x3  }
0x1b: {  	s20 =	smul.u32 $0xC000, s25;
	s21 =	sshrl.u32 s19, $0x3;
	s15 =	sadd.s32 s3, s22  }
0x1c: {  	s21 =	sadd.s32 s3, s21;
	[dreg:$0x10] =	wrdreg s15;
	s15 =	sadd.s32 s3, s23  }
0x1d: {  	[dreg:$0x11] =	wrdreg s15;
	s15 =	smul.u32 $0x60, s2;
	s2 =	sor.u32 $0x1E0, s2  }
0x1e: {  	s0 =	sshll.u32 s0, $0x11;
	[dreg:$0x13] =	wrdreg s21;
	s22 =	sshrl.u32 s2, $0x3  }
0x1f: {  	s28 =	sadd.s32 s20, s26;
	s26 =	smul.u32 $0x60, s13;
	s3 =	sadd.s32 s3, s22  }
0x20: {  	[dreg:$0x14] =	wrdreg s3;
	s3 =	smul.u32 $0x60, s4;
	s4 =	sshrl.u32 s28, $0x3  }
0x21: {  	s23 =	sadd.s32 s4, s29;
	s4 =	smul.u32 $0x60, s10;
	s10 =	sadd.s32 $0x1000, s29  }
0x22: {  	s21 =	sshll.u32 s25, $0xD;
	s11 =	smul.u32 $0x60, s11;
	s22 =	sadd.s32 s10, s15  }
0x23: {  	s0 =	sor.u32 s21, s0;
	s1 =	sadd.s32 s10, s1;
	[dreg:$0x15] =	wrdreg s22  }
0x24: {  	s0 =	sshrl.u32 s0, $0x3;
	s3 =	sadd.s32 s10, s3;
	[dreg:$0x16] =	wrdreg s1  }
0x25: {  	s24 =	sadd.s32 s0, s29;
	s28 =	sadd.s32 s10, s6;
	[dreg:$0x17] =	wrdreg s3  }
0x26: {  	s0 =	smul.u32 $0x60, s8;
	s8 =	sadd.s32 s10, s7;
	[dreg:$0x18] =	wrdreg s28  }
0x27: {  	s29 =	smul.u32 $0x60, s14;
	s5 =	sadd.s32 s10, s5;
	[dreg:$0x19] =	wrdreg s8  }
0x28: {  	s14 =	smul.u32 $0x60, s16;
	s13 =	sadd.s32 s10, s9;
	[dreg:$0x1a] =	wrdreg s5  }
0x29: {  	s0 =	sadd.s32 s10, s0;
	s15 =	sadd.s32 s10, s26;
	[dreg:$0x1b] =	wrdreg s13  }
0x2a: {  	s30 =	sadd.s32 s10, s11;
	s11 =	sadd.s32 $0x1B1000, s24;
	[dreg:$0x1d] =	wrdreg s0  }
0x2b: {  	s24 =	simm.s32 $0x4;
	s4 =	sadd.s32 s10, s4;
	[dreg:$0x1e] =	wrdreg s15  }
0x2c: {  	s16 =	sadd.s32 s10, s29;
	s31 =	sadd.s32 s10, s14;
	s22 =	smul.u32 $0x60, s19  }
0x2d: {  	s0 =	rddreg [dreg:$0x2];
	s1 =	sshll.u32 s25, $0x6;
	s25 =	smul.u32 $0x60, s2  }
0x2e: {  	s2 =	rddreg [dreg:$0x3];
	s3 =	sadd.s32 s10, s18;
	s13 =	simm.s32 $0xE000  }
0x2f: {  	s14 =	simm.s32 $0x5;
	s15 =	simm.s32 $0x1A000;
	[dreg:$0x1c] =	wrdreg s4  }
0x30: {  	s18 =	simm.s32 $0x1B020;
	s19 =	simm.s32 $0x14000;
	[dreg:$0x1f] =	wrdreg s16  }
0x31: {  	s26 =	sor.u32 $0x20, s1;
	s6 =	sadd.s32 s20, s0;
	s7 =	sadd.s32 s21, s2  }
0x32: {  	s16 =	simm.s32 $0x1B000;
	s20 =	simm.s32 $0x1;
	s21 =	simm.s32 $0x20  }
0x33: {  	s28 =	smul.u32 $0xC00, s26;
	s4 =	sadd.s32 s10, s22;
	s5 =	sadd.s32 s10, s25  }
0x34: {  	_ =	strace $0x80000047;
	s29 =	sshll.u32 s26, $0x7;
	s10 =	sadd.s32 $0x181000, s23  }
0x35: {  	v0 =	vimm.f32 $0.0e+00;
	vm0 =	vcmask $0x300;
	s22 =	simm.s32 $0x3;
	s23 =	simm.s32 $0x2;
	s8 =	sshrl.u32 s28, $0x2  }
0x36: {  	v1 =	vsel vm0, $0x3F800000, v0;
	s25 =	simm.s32 $0x0;
	s9 =	sadd.s32 s29, s2;
	s8 =	sadd.s32 s8, s0  }
.LBB2_1:
0x37: {  	s26 =	simm.s32 $0xE180  }
0x38: {  	[tilespmem:s26+$0xA0] =	vst v0  }
0x39: {  	[tilespmem:s26+$0xB0] =	vst v0  }
0x3a: {  	[tilespmem:s26+$0xD0] =	vst v0  }
0x3b: {  	[tilespmem:s26+$0xFFFFFE80] =	vst v0  }
0x3c: {  	[tilespmem:s26+$0xFFFFFEA0] =	vst v0  }
0x3d: {  	[tilespmem:s26+$0xFFFFFEB0] =	vst v0  }
0x3e: {  	[tilespmem:s26+$0xFFFFFEC0] =	vst v0  }
0x3f: {  	[tilespmem:s26+$0xFFFFFED0] =	vst v0  }
0x40: {  	[tilespmem:s26+$0xFFFFFEE0] =	vst v0  }
0x41: {  	[tilespmem:s26+$0xFFFFFEF0] =	vst v0  }
0x42: {  	[tilespmem:s26+$0xFFFFFF00] =	vst v0  }
0x43: {  	[tilespmem:s26+$0xFFFFFF10] =	vst v0  }
0x44: {  	[tilespmem:s26+$0xFFFFFF20] =	vst v0  }
0x45: {  	[tilespmem:s26+$0xFFFFFF30] =	vst v0  }
0x46: {  	[tilespmem:s26+$0xFFFFFF40] =	vst v0  }
0x47: {  	[tilespmem:s26+$0xFFFFFF50] =	vst v0  }
0x48: {  	[tilespmem:s26+$0xFFFFFF60] =	vst v0  }
0x49: {  	[tilespmem:s26+$0xFFFFFF70] =	vst v0  }
0x4a: {  	[tilespmem:s26+$0xFFFFFF80] =	vst v0  }
0x4b: {  	[tilespmem:s26+$0xFFFFFF90] =	vst v0  }
0x4c: {  	[tilespmem:s26+$0xFFFFFFA0] =	vst v0  }
0x4d: {  	[tilespmem:s26+$0xFFFFFFB0] =	vst v0  }
0x4e: {  	[tilespmem:s26+$0xFFFFFFC0] =	vst v0  }
0x4f: {  	[tilespmem:s26+$0xFFFFFFD0] =	vst v0  }
0x50: {  	[tilespmem:s26+$0xFFFFFFE0] =	vst v0  }
0x51: {  	[tilespmem:s26+$0xFFFFFFF0] =	vst v0  }
0x52: {  	[tilespmem:s26+$0x0] =	vst v0  }
0x53: {  	[tilespmem:s26+$0x10] =	vst v0  }
0x54: {  	[tilespmem:s26+$0x20] =	vst v0  }
0x55: {  	[tilespmem:s26+$0x30] =	vst v0  }
0x56: {  	[tilespmem:s26+$0x40] =	vst v0  }
0x57: {  	[tilespmem:s26+$0x50] =	vst v0  }
0x58: {  	[tilespmem:s26+$0x60] =	vst v0  }
0x59: {  	[tilespmem:s26+$0x70] =	vst v0  }
0x5a: {  	[tilespmem:s26+$0x80] =	vst v0  }
0x5b: {  	[tilespmem:s26+$0xE0] =	vst v0  }
0x5c: {  	[tilespmem:s26+$0xF0] =	vst v0  }
0x5d: {  	[tilespmem:s26+$0x100] =	vst v0  }
0x5e: {  	[tilespmem:s26+$0x110] =	vst v0  }
0x5f: {  	[tilespmem:s26+$0x120] =	vst v0  }
0x60: {  	[tilespmem:s26+$0xFFFFFE90] =	vst v0  }
0x61: {  	[tilespmem:s26+$0x90] =	vst v0  }
0x62: {  	[tilespmem:s26+$0xC0] =	vst v0  }
0x63: {  	[tilespmem:s26+$0x130] =	vst v0  }
0x64: {  	[tilespmem:s26+$0x140] =	vst v0  }
0x65: {  	[tilespmem:s26+$0x150] =	vst v0  }
0x66: {  	[tilespmem:s26+$0x160] =	vst v0  }
0x67: {  	s29 =	simm.s32 $0x0;
	s28 =	simm.s32 $0x200;
	[tilespmem:s26+$0x170] =	vst v0  }
.LBB2_2:
0x68: {  	p0 =	sne.s32 s28, $0x3E00;
	[tilespmem:s29+$0x1A070] =	vst v0  }
0x69: {  	[tilespmem:s29+$0x1A000] =	vst v0  }
0x6a: {  	[tilespmem:s29+$0x1A010] =	vst v0  }
0x6b: {  	[tilespmem:s29+$0x1A020] =	vst v0  }
0x6c: {  	[tilespmem:s29+$0x1A030] =	vst v0  }
0x6d: {  	[tilespmem:s29+$0x1A040] =	vst v0  }
0x6e: {  	[tilespmem:s29+$0x1A050] =	vst v0  }
0x6f: {  	s26 =	sadd.s32 $0x300, s26;
	[tilespmem:s29+$0x1A060] =	vst v0  }
0x70: {  	[tilespmem:s26+$0xA0] =	vst v0  }
0x71: {  	[tilespmem:s26+$0xB0] =	vst v0  }
0x72: {  	[tilespmem:s26+$0xD0] =	vst v0  }
0x73: {  	[tilespmem:s26+$0xFFFFFE80] =	vst v0  }
0x74: {  	[tilespmem:s26+$0xFFFFFEA0] =	vst v0  }
0x75: {  	[tilespmem:s26+$0xFFFFFEB0] =	vst v0  }
0x76: {  	[tilespmem:s26+$0xFFFFFEC0] =	vst v0  }
0x77: {  	[tilespmem:s26+$0xFFFFFED0] =	vst v0  }
0x78: {  	[tilespmem:s26+$0xFFFFFEE0] =	vst v0  }
0x79: {  	[tilespmem:s26+$0xFFFFFEF0] =	vst v0  }
0x7a: {  	[tilespmem:s26+$0xFFFFFF00] =	vst v0  }
0x7b: {  	[tilespmem:s26+$0xFFFFFF10] =	vst v0  }
0x7c: {  	[tilespmem:s26+$0xFFFFFF20] =	vst v0  }
0x7d: {  	[tilespmem:s26+$0xFFFFFF30] =	vst v0  }
0x7e: {  	[tilespmem:s26+$0xFFFFFF40] =	vst v0  }
0x7f: {  	[tilespmem:s26+$0xFFFFFF50] =	vst v0  }
0x80: {  	[tilespmem:s26+$0xFFFFFF60] =	vst v0  }
0x81: {  	[tilespmem:s26+$0xFFFFFF70] =	vst v0  }
0x82: {  	[tilespmem:s26+$0xFFFFFF80] =	vst v0  }
0x83: {  	[tilespmem:s26+$0xFFFFFF90] =	vst v0  }
0x84: {  	[tilespmem:s26+$0xFFFFFFA0] =	vst v0  }
0x85: {  	[tilespmem:s26+$0xFFFFFFB0] =	vst v0  }
0x86: {  	[tilespmem:s26+$0xFFFFFFC0] =	vst v0  }
0x87: {  	[tilespmem:s26+$0xFFFFFFD0] =	vst v0  }
0x88: {  	[tilespmem:s26+$0xFFFFFFE0] =	vst v0  }
0x89: {  	[tilespmem:s26+$0xFFFFFFF0] =	vst v0  }
0x8a: {  	[tilespmem:s26+$0x0] =	vst v0  }
0x8b: {  	[tilespmem:s26+$0x10] =	vst v0  }
0x8c: {  	[tilespmem:s26+$0x20] =	vst v0  }
0x8d: {  	[tilespmem:s26+$0x30] =	vst v0  }
0x8e: {  	[tilespmem:s26+$0x40] =	vst v0  }
0x8f: {  	[tilespmem:s26+$0x50] =	vst v0  }
0x90: {  	[tilespmem:s26+$0x60] =	vst v0  }
0x91: {  	[tilespmem:s26+$0x70] =	vst v0  }
0x92: {  	[tilespmem:s26+$0x80] =	vst v0  }
0x93: {  	[tilespmem:s26+$0xE0] =	vst v0  }
0x94: {  	[tilespmem:s26+$0xF0] =	vst v0  }
0x95: {  	[tilespmem:s26+$0x100] =	vst v0  }
0x96: {  	[tilespmem:s26+$0x110] =	vst v0  }
0x97: {  	[tilespmem:s26+$0x120] =	vst v0  }
0x98: {  	[tilespmem:s26+$0xFFFFFE90] =	vst v0  }
0x99: {  	[tilespmem:s26+$0x90] =	vst v0  }
0x9a: {  	[tilespmem:s26+$0xC0] =	vst v0  }
.Ltmp0:
0x9b: {  	[tilespmem:s26+$0x130] =	vst v0;
	(pc) =	sbr.rel @p0 .LBB2_2-.Ltmp0, $4  }
0x9c: {  	[tilespmem:s26+$0x140] =	vst v0  }
0x9d: {  	[tilespmem:s26+$0x150] =	vst v0  }
0x9e: {  	[tilespmem:s26+$0x160] =	vst v0  }
0x9f: {  	s29 =	sshra.s32 s28, $0x2;
	s28 =	sadd.s32 $0x200, s28;
	[tilespmem:s26+$0x170] =	vst v0  }
0xa0: {  	[tilespmem:s29+$0x1A070] =	vst v0  }
0xa1: {  	[tilespmem:s29+$0x1A000] =	vst v0  }
0xa2: {  	[tilespmem:s29+$0x1A010] =	vst v0  }
0xa3: {  	[tilespmem:s29+$0x1A020] =	vst v0  }
0xa4: {  	[tilespmem:s29+$0x1A030] =	vst v0  }
0xa5: {  	[tilespmem:s29+$0x1A040] =	vst v0  }
0xa6: {  	[tilespmem:s29+$0x1A050] =	vst v0  }
0xa7: {  	[tilespmem:s29+$0x1A060] =	vst v0  }
0xa8: {  	[spmem:s6] =	stream.linear.scatter [tilespmem:s13], [sflag:$0x5], $0x6000, $0x38;
	[tilespmem:$0x1B040] =	vst v63  }
0xa9: {  	_ =	swait.ge [sflag:s14], $0x6000  }
0xaa: {  	[sflag:s14] =	ssyncset.done $0x0  }
0xab: {  	[sflag:s14] =	ssyncadd.s32 $0xFFFFA000  }
0xac: {  	[spmem:s7] =	stream.linear.scatter [tilespmem:s15], [sflag:$0x5], $0x1000, $0x38;
	[tilespmem:$0x1B040] =	vst v63  }
0xad: {  	_ =	swait.ge [sflag:s14], $0x1000  }
0xae: {  	[sflag:s14] =	ssyncset.done $0x0  }
0xaf: {  	[sflag:s14] =	ssyncadd.s32 $0xFFFFF000  }
0xb0: {  	[spmem:s8] =	stream.linear.scatter [tilespmem:s13], [sflag:$0x5], $0x6000, $0x38;
	[tilespmem:$0x1B040] =	vst v63  }
0xb1: {  	_ =	swait.ge [sflag:s14], $0x6000  }
0xb2: {  	[sflag:s14] =	ssyncset.done $0x0  }
0xb3: {  	[sflag:s14] =	ssyncadd.s32 $0xFFFFA000  }
0xb4: {  	[spmem:s9] =	stream.linear.scatter [tilespmem:s15], [sflag:$0x5], $0x1000, $0x38;
	[tilespmem:$0x1B040] =	vst v63  }
0xb5: {  	_ =	swait.ge [sflag:s14], $0x1000  }
0xb6: {  	[sflag:s14] =	ssyncset.done $0x0  }
0xb7: {  	[sflag:s14] =	ssyncadd.s32 $0xFFFFF000  }
0xb8: {  	s26 =	simm.s32 $0x0;
	s28 =	simm.s32 $0x200;
	[bflag:$0x0] =	sbarrier.arrive $0xFFFF  }
.LBB2_4:
0xb9: {  	p0 =	sne.s32 s28, $0x3E00;
	[tilespmem:s26+$0x1A070] =	vst v0  }
0xba: {  	[tilespmem:s26+$0x1A000] =	vst v1  }
0xbb: {  	[tilespmem:s26+$0x1A010] =	vst v0  }
.Ltmp1:
0xbc: {  	[tilespmem:s26+$0x1A020] =	vst v0;
	(pc) =	sbr.rel @p0 .LBB2_4-.Ltmp1, $4  }
0xbd: {  	[tilespmem:s26+$0x1A030] =	vst v0  }
0xbe: {  	[tilespmem:s26+$0x1A040] =	vst v0  }
0xbf: {  	[tilespmem:s26+$0x1A050] =	vst v0  }
0xc0: {  	[tilespmem:s26+$0x1A060] =	vst v0;
	s26 =	sshra.s32 s28, $0x2;
	s28 =	sadd.s32 $0x200, s28  }
0xc1: {  	[tilespmem:s26+$0x1A070] =	vst v0  }
0xc2: {  	[tilespmem:s26+$0x1A000] =	vst v1  }
0xc3: {  	[tilespmem:s26+$0x1A010] =	vst v0  }
0xc4: {  	[tilespmem:s26+$0x1A020] =	vst v0  }
0xc5: {  	[tilespmem:s26+$0x1A030] =	vst v0  }
0xc6: {  	[tilespmem:s26+$0x1A040] =	vst v0  }
0xc7: {  	[tilespmem:s26+$0x1A050] =	vst v0  }
0xc8: {  	[tilespmem:s26+$0x1A060] =	vst v0;
	s28 =	rddreg [dreg:$0x5]  }
0xc9: {  	[tilespmem:s16], [sflag:$0x1] =	stream.linear.gather [hbm4b:s28+s17], $0x20, $0x38;
	[tilespmem:$0x1B040] =	vst v63  }
0xca: {  	s29 =	rddreg [dreg:$0x15]  }
0xcb: {  	[tilespmem:s13], [sflag:$0x1] =	stream.linear.gather [hbm4b:s29+s17], $0x6000, $0x38;
	[tilespmem:$0x1B040] =	vst v63  }
0xcc: {  	s28 =	rddreg [dreg:$0x6]  }
0xcd: {  	[tilespmem:s18], [sflag:$0x2] =	stream.linear.gather [hbm4b:s28+s17], $0x20, $0x38;
	[tilespmem:$0x1B040] =	vst v63  }
0xce: {  	s29 =	rddreg [dreg:$0x16]  }
0xcf: {  	[tilespmem:s19], [sflag:$0x2] =	stream.linear.gather [hbm4b:s29+s17], $0x6000, $0x38;
	[tilespmem:$0x1B040] =	vst v63  }
0xd0: {  	_ =	swait.ge [sflag:s20], $0x20  }
0xd1: {  	[sflag:s20] =	ssyncset.done $0x0  }
0xd2: {  	[sflag:s20] =	ssyncadd.s32 $0xFFFFFFE0  }
0xd3: {  	_ =	swait.ge [sflag:s20], $0x6000  }
0xd4: {  	[sflag:s20] =	ssyncset.done $0x0  }
0xd5: {  	[sflag:s20] =	ssyncadd.s32 $0xFFFFA000  }
0xd6: {  	[spmem:s0] =	stream.indirect.scatter.add.f32 [tilespmem:s13], [sflag:$0x3], $0x300, s16, s21, $0xb8;
	[tilespmem:$0x1B040] =	vst v63  }
0xd7: {  	_ = 	snop  }
0xd8: {  	[spmem:s2] =	stream.indirect.scatter.add.f32 [tilespmem:s15], [sflag:$0x3], $0x80, s16, s21, $0xb8;
	[tilespmem:$0x1B040] =	vst v63  }
0xd9: {  	_ =	swait.ge [sflag:s22], $0x6000  }
0xda: {  	[sflag:s22] =	ssyncset.done $0x0  }
0xdb: {  	[sflag:s22] =	ssyncadd.s32 $0xFFFFA000  }
0xdc: {  	_ =	swait.ge [sflag:s22], $0x1000  }
0xdd: {  	[sflag:s22] =	ssyncset.done $0x0  }
0xde: {  	s28 =	rddreg [dreg:$0x7];
	[sflag:s22] =	ssyncadd.s32 $0xFFFFF000  }
0xdf: {  	[tilespmem:s16], [sflag:$0x1] =	stream.linear.gather [hbm4b:s28+s17], $0x20, $0x38;
	[tilespmem:$0x1B040] =	vst v63  }
0xe0: {  	s29 =	rddreg [dreg:$0x17]  }
0xe1: {  	[tilespmem:s13], [sflag:$0x1] =	stream.linear.gather [hbm4b:s29+s17], $0x6000, $0x38;
	[tilespmem:$0x1B040] =	vst v63  }
0xe2: {  	_ =	swait.ge [sflag:s23], $0x20  }
0xe3: {  	[sflag:s23] =	ssyncset.done $0x0  }
0xe4: {  	[sflag:s23] =	ssyncadd.s32 $0xFFFFFFE0  }
0xe5: {  	_ =	swait.ge [sflag:s23], $0x6000  }
0xe6: {  	[sflag:s23] =	ssyncset.done $0x0  }
0xe7: {  	[sflag:s23] =	ssyncadd.s32 $0xFFFFA000  }
0xe8: {  	[spmem:s0] =	stream.indirect.scatter.add.f32 [tilespmem:s19], [sflag:$0x4], $0x300, s18, s21, $0xb8;
	[tilespmem:$0x1B040] =	vst v63  }
0xe9: {  	_ = 	snop  }
0xea: {  	[spmem:s2] =	stream.indirect.scatter.add.f32 [tilespmem:s15], [sflag:$0x4], $0x80, s18, s21, $0xb8;
	[tilespmem:$0x1B040] =	vst v63  }
0xeb: {  	_ =	swait.ge [sflag:s24], $0x6000  }
0xec: {  	[sflag:s24] =	ssyncset.done $0x0  }
0xed: {  	[sflag:s24] =	ssyncadd.s32 $0xFFFFA000  }
0xee: {  	_ =	swait.ge [sflag:s24], $0x1000  }
0xef: {  	[sflag:s24] =	ssyncset.done $0x0  }
0xf0: {  	s28 =	rddreg [dreg:$0x8];
	[sflag:s24] =	ssyncadd.s32 $0xFFFFF000  }
0xf1: {  	[tilespmem:s18], [sflag:$0x2] =	stream.linear.gather [hbm4b:s28+s17], $0x20, $0x38;
	[tilespmem:$0x1B040] =	vst v63  }
0xf2: {  	s29 =	rddreg [dreg:$0x18]  }
0xf3: {  	[tilespmem:s19], [sflag:$0x2] =	stream.linear.gather [hbm4b:s29+s17], $0x6000, $0x38;
	[tilespmem:$0x1B040] =	vst v63  }
0xf4: {  	_ =	swait.ge [sflag:s20], $0x20  }
0xf5: {  	[sflag:s20] =	ssyncset.done $0x0  }
0xf6: {  	[sflag:s20] =	ssyncadd.s32 $0xFFFFFFE0  }
0xf7: {  	_ =	swait.ge [sflag:s20], $0x6000  }
0xf8: {  	[sflag:s20] =	ssyncset.done $0x0  }
0xf9: {  	[sflag:s20] =	ssyncadd.s32 $0xFFFFA000  }
0xfa: {  	[spmem:s0] =	stream.indirect.scatter.add.f32 [tilespmem:s13], [sflag:$0x3], $0x300, s16, s21, $0xb8;
	[tilespmem:$0x1B040] =	vst v63  }
0xfb: {  	_ = 	snop  }
0xfc: {  	[spmem:s2] =	stream.indirect.scatter.add.f32 [tilespmem:s15], [sflag:$0x3], $0x80, s16, s21, $0xb8;
	[tilespmem:$0x1B040] =	vst v63  }
0xfd: {  	_ =	swait.ge [sflag:s22], $0x6000  }
0xfe: {  	[sflag:s22] =	ssyncset.done $0x0  }
0xff: {  	[sflag:s22] =	ssyncadd.s32 $0xFFFFA000  }
0x100: {  	_ =	swait.ge [sflag:s22], $0x1000  }
0x101: {  	[sflag:s22] =	ssyncset.done $0x0  }
0x102: {  	s28 =	rddreg [dreg:$0x9];
	[sflag:s22] =	ssyncadd.s32 $0xFFFFF000  }
0x103: {  	[tilespmem:s16], [sflag:$0x1] =	stream.linear.gather [hbm4b:s28+s17], $0x20, $0x38;
	[tilespmem:$0x1B040] =	vst v63  }
0x104: {  	s29 =	rddreg [dreg:$0x19]  }
0x105: {  	[tilespmem:s13], [sflag:$0x1] =	stream.linear.gather [hbm4b:s29+s17], $0x6000, $0x38;
	[tilespmem:$0x1B040] =	vst v63  }
0x106: {  	_ =	swait.ge [sflag:s23], $0x20  }
0x107: {  	[sflag:s23] =	ssyncset.done $0x0  }
0x108: {  	[sflag:s23] =	ssyncadd.s32 $0xFFFFFFE0  }
0x109: {  	_ =	swait.ge [sflag:s23], $0x6000  }
0x10a: {  	[sflag:s23] =	ssyncset.done $0x0  }
0x10b: {  	[sflag:s23] =	ssyncadd.s32 $0xFFFFA000  }
0x10c: {  	[spmem:s0] =	stream.indirect.scatter.add.f32 [tilespmem:s19], [sflag:$0x4], $0x300, s18, s21, $0xb8;
	[tilespmem:$0x1B040] =	vst v63  }
0x10d: {  	_ = 	snop  }
0x10e: {  	[spmem:s2] =	stream.indirect.scatter.add.f32 [tilespmem:s15], [sflag:$0x4], $0x80, s18, s21, $0xb8;
	[tilespmem:$0x1B040] =	vst v63  }
0x10f: {  	_ =	swait.ge [sflag:s24], $0x6000  }
0x110: {  	[sflag:s24] =	ssyncset.done $0x0  }
0x111: {  	[sflag:s24] =	ssyncadd.s32 $0xFFFFA000  }
0x112: {  	_ =	swait.ge [sflag:s24], $0x1000  }
0x113: {  	[sflag:s24] =	ssyncset.done $0x0  }
0x114: {  	s28 =	rddreg [dreg:$0xa];
	[sflag:s24] =	ssyncadd.s32 $0xFFFFF000  }
0x115: {  	[tilespmem:s18], [sflag:$0x2] =	stream.linear.gather [hbm4b:s28+s17], $0x20, $0x38;
	[tilespmem:$0x1B040] =	vst v63  }
0x116: {  	s29 =	rddreg [dreg:$0x1a]  }
0x117: {  	[tilespmem:s19], [sflag:$0x2] =	stream.linear.gather [hbm4b:s29+s17], $0x6000, $0x38;
	[tilespmem:$0x1B040] =	vst v63  }
0x118: {  	_ =	swait.ge [sflag:s20], $0x20  }
0x119: {  	[sflag:s20] =	ssyncset.done $0x0  }
0x11a: {  	[sflag:s20] =	ssyncadd.s32 $0xFFFFFFE0  }
0x11b: {  	_ =	swait.ge [sflag:s20], $0x6000  }
0x11c: {  	[sflag:s20] =	ssyncset.done $0x0  }
0x11d: {  	[sflag:s20] =	ssyncadd.s32 $0xFFFFA000  }
0x11e: {  	[spmem:s0] =	stream.indirect.scatter.add.f32 [tilespmem:s13], [sflag:$0x3], $0x300, s16, s21, $0xb8;
	[tilespmem:$0x1B040] =	vst v63  }
0x11f: {  	_ = 	snop  }
0x120: {  	[spmem:s2] =	stream.indirect.scatter.add.f32 [tilespmem:s15], [sflag:$0x3], $0x80, s16, s21, $0xb8;
	[tilespmem:$0x1B040] =	vst v63  }
0x121: {  	_ =	swait.ge [sflag:s22], $0x6000  }
0x122: {  	[sflag:s22] =	ssyncset.done $0x0  }
0x123: {  	[sflag:s22] =	ssyncadd.s32 $0xFFFFA000  }
0x124: {  	_ =	swait.ge [sflag:s22], $0x1000  }
0x125: {  	[sflag:s22] =	ssyncset.done $0x0  }
0x126: {  	s28 =	rddreg [dreg:$0xb];
	[sflag:s22] =	ssyncadd.s32 $0xFFFFF000  }
0x127: {  	[tilespmem:s16], [sflag:$0x1] =	stream.linear.gather [hbm4b:s28+s17], $0x20, $0x38;
	[tilespmem:$0x1B040] =	vst v63  }
0x128: {  	s29 =	rddreg [dreg:$0x1b]  }
0x129: {  	[tilespmem:s13], [sflag:$0x1] =	stream.linear.gather [hbm4b:s29+s17], $0x6000, $0x38;
	[tilespmem:$0x1B040] =	vst v63  }
0x12a: {  	_ =	swait.ge [sflag:s23], $0x20  }
0x12b: {  	[sflag:s23] =	ssyncset.done $0x0  }
0x12c: {  	[sflag:s23] =	ssyncadd.s32 $0xFFFFFFE0  }
0x12d: {  	_ =	swait.ge [sflag:s23], $0x6000  }
0x12e: {  	[sflag:s23] =	ssyncset.done $0x0  }
0x12f: {  	[sflag:s23] =	ssyncadd.s32 $0xFFFFA000  }
0x130: {  	[spmem:s0] =	stream.indirect.scatter.add.f32 [tilespmem:s19], [sflag:$0x4], $0x300, s18, s21, $0xb8;
	[tilespmem:$0x1B040] =	vst v63  }
0x131: {  	_ = 	snop  }
0x132: {  	[spmem:s2] =	stream.indirect.scatter.add.f32 [tilespmem:s15], [sflag:$0x4], $0x80, s18, s21, $0xb8;
	[tilespmem:$0x1B040] =	vst v63  }
0x133: {  	_ =	swait.ge [sflag:s24], $0x6000  }
0x134: {  	[sflag:s24] =	ssyncset.done $0x0  }
0x135: {  	[sflag:s24] =	ssyncadd.s32 $0xFFFFA000  }
0x136: {  	_ =	swait.ge [sflag:s24], $0x1000  }
0x137: {  	[sflag:s24] =	ssyncset.done $0x0  }
0x138: {  	s28 =	rddreg [dreg:$0xc];
	[sflag:s24] =	ssyncadd.s32 $0xFFFFF000  }
0x139: {  	[tilespmem:s18], [sflag:$0x2] =	stream.linear.gather [hbm4b:s28+s17], $0x20, $0x38;
	[tilespmem:$0x1B040] =	vst v63  }
0x13a: {  	s29 =	rddreg [dreg:$0x1c]  }
0x13b: {  	[tilespmem:s19], [sflag:$0x2] =	stream.linear.gather [hbm4b:s29+s17], $0x6000, $0x38;
	[tilespmem:$0x1B040] =	vst v63  }
0x13c: {  	_ =	swait.ge [sflag:s20], $0x20  }
0x13d: {  	[sflag:s20] =	ssyncset.done $0x0  }
0x13e: {  	[sflag:s20] =	ssyncadd.s32 $0xFFFFFFE0  }
0x13f: {  	_ =	swait.ge [sflag:s20], $0x6000  }
0x140: {  	[sflag:s20] =	ssyncset.done $0x0  }
0x141: {  	[sflag:s20] =	ssyncadd.s32 $0xFFFFA000  }
0x142: {  	[spmem:s0] =	stream.indirect.scatter.add.f32 [tilespmem:s13], [sflag:$0x3], $0x300, s16, s21, $0xb8;
	[tilespmem:$0x1B040] =	vst v63  }
0x143: {  	_ = 	snop  }
0x144: {  	[spmem:s2] =	stream.indirect.scatter.add.f32 [tilespmem:s15], [sflag:$0x3], $0x80, s16, s21, $0xb8;
	[tilespmem:$0x1B040] =	vst v63  }
0x145: {  	_ =	swait.ge [sflag:s22], $0x6000  }
0x146: {  	[sflag:s22] =	ssyncset.done $0x0  }
0x147: {  	[sflag:s22] =	ssyncadd.s32 $0xFFFFA000  }
0x148: {  	_ =	swait.ge [sflag:s22], $0x1000  }
0x149: {  	[sflag:s22] =	ssyncset.done $0x0  }
0x14a: {  	s28 =	rddreg [dreg:$0xd];
	[sflag:s22] =	ssyncadd.s32 $0xFFFFF000  }
0x14b: {  	[tilespmem:s16], [sflag:$0x1] =	stream.linear.gather [hbm4b:s28+s17], $0x20, $0x38;
	[tilespmem:$0x1B040] =	vst v63  }
0x14c: {  	s29 =	rddreg [dreg:$0x1d]  }
0x14d: {  	[tilespmem:s13], [sflag:$0x1] =	stream.linear.gather [hbm4b:s29+s17], $0x6000, $0x38;
	[tilespmem:$0x1B040] =	vst v63  }
0x14e: {  	_ =	swait.ge [sflag:s23], $0x20  }
0x14f: {  	[sflag:s23] =	ssyncset.done $0x0  }
0x150: {  	[sflag:s23] =	ssyncadd.s32 $0xFFFFFFE0  }
0x151: {  	_ =	swait.ge [sflag:s23], $0x6000  }
0x152: {  	[sflag:s23] =	ssyncset.done $0x0  }
0x153: {  	[sflag:s23] =	ssyncadd.s32 $0xFFFFA000  }
0x154: {  	[spmem:s0] =	stream.indirect.scatter.add.f32 [tilespmem:s19], [sflag:$0x4], $0x300, s18, s21, $0xb8;
	[tilespmem:$0x1B040] =	vst v63  }
0x155: {  	_ = 	snop  }
0x156: {  	[spmem:s2] =	stream.indirect.scatter.add.f32 [tilespmem:s15], [sflag:$0x4], $0x80, s18, s21, $0xb8;
	[tilespmem:$0x1B040] =	vst v63  }
0x157: {  	_ =	swait.ge [sflag:s24], $0x6000  }
0x158: {  	[sflag:s24] =	ssyncset.done $0x0  }
0x159: {  	[sflag:s24] =	ssyncadd.s32 $0xFFFFA000  }
0x15a: {  	_ =	swait.ge [sflag:s24], $0x1000  }
0x15b: {  	[sflag:s24] =	ssyncset.done $0x0  }
0x15c: {  	s28 =	rddreg [dreg:$0xe];
	[sflag:s24] =	ssyncadd.s32 $0xFFFFF000  }
0x15d: {  	[tilespmem:s18], [sflag:$0x2] =	stream.linear.gather [hbm4b:s28+s17], $0x20, $0x38;
	[tilespmem:$0x1B040] =	vst v63  }
0x15e: {  	s29 =	rddreg [dreg:$0x1e]  }
0x15f: {  	[tilespmem:s19], [sflag:$0x2] =	stream.linear.gather [hbm4b:s29+s17], $0x6000, $0x38;
	[tilespmem:$0x1B040] =	vst v63  }
0x160: {  	_ =	swait.ge [sflag:s20], $0x20  }
0x161: {  	[sflag:s20] =	ssyncset.done $0x0  }
0x162: {  	[sflag:s20] =	ssyncadd.s32 $0xFFFFFFE0  }
0x163: {  	_ =	swait.ge [sflag:s20], $0x6000  }
0x164: {  	[sflag:s20] =	ssyncset.done $0x0  }
0x165: {  	[sflag:s20] =	ssyncadd.s32 $0xFFFFA000  }
0x166: {  	[spmem:s0] =	stream.indirect.scatter.add.f32 [tilespmem:s13], [sflag:$0x3], $0x300, s16, s21, $0xb8;
	[tilespmem:$0x1B040] =	vst v63  }
0x167: {  	_ = 	snop  }
0x168: {  	[spmem:s2] =	stream.indirect.scatter.add.f32 [tilespmem:s15], [sflag:$0x3], $0x80, s16, s21, $0xb8;
	[tilespmem:$0x1B040] =	vst v63  }
0x169: {  	_ =	swait.ge [sflag:s22], $0x6000  }
0x16a: {  	[sflag:s22] =	ssyncset.done $0x0  }
0x16b: {  	[sflag:s22] =	ssyncadd.s32 $0xFFFFA000  }
0x16c: {  	_ =	swait.ge [sflag:s22], $0x1000  }
0x16d: {  	[sflag:s22] =	ssyncset.done $0x0  }
0x16e: {  	s28 =	rddreg [dreg:$0xf];
	[sflag:s22] =	ssyncadd.s32 $0xFFFFF000  }
0x16f: {  	[tilespmem:s16], [sflag:$0x1] =	stream.linear.gather [hbm4b:s28+s17], $0x20, $0x38;
	[tilespmem:$0x1B040] =	vst v63  }
0x170: {  	s29 =	rddreg [dreg:$0x1f]  }
0x171: {  	[tilespmem:s13], [sflag:$0x1] =	stream.linear.gather [hbm4b:s29+s17], $0x6000, $0x38;
	[tilespmem:$0x1B040] =	vst v63  }
0x172: {  	_ =	swait.ge [sflag:s23], $0x20  }
0x173: {  	[sflag:s23] =	ssyncset.done $0x0  }
0x174: {  	[sflag:s23] =	ssyncadd.s32 $0xFFFFFFE0  }
0x175: {  	_ =	swait.ge [sflag:s23], $0x6000  }
0x176: {  	[sflag:s23] =	ssyncset.done $0x0  }
0x177: {  	[sflag:s23] =	ssyncadd.s32 $0xFFFFA000  }
0x178: {  	[spmem:s0] =	stream.indirect.scatter.add.f32 [tilespmem:s19], [sflag:$0x4], $0x300, s18, s21, $0xb8;
	[tilespmem:$0x1B040] =	vst v63  }
0x179: {  	_ = 	snop  }
0x17a: {  	[spmem:s2] =	stream.indirect.scatter.add.f32 [tilespmem:s15], [sflag:$0x4], $0x80, s18, s21, $0xb8;
	[tilespmem:$0x1B040] =	vst v63  }
0x17b: {  	_ =	swait.ge [sflag:s24], $0x6000  }
0x17c: {  	[sflag:s24] =	ssyncset.done $0x0  }
0x17d: {  	[sflag:s24] =	ssyncadd.s32 $0xFFFFA000  }
0x17e: {  	_ =	swait.ge [sflag:s24], $0x1000  }
0x17f: {  	[sflag:s24] =	ssyncset.done $0x0  }
0x180: {  	s28 =	rddreg [dreg:$0x10];
	[sflag:s24] =	ssyncadd.s32 $0xFFFFF000  }
0x181: {  	[tilespmem:s18], [sflag:$0x2] =	stream.linear.gather [hbm4b:s28+s17], $0x20, $0x38;
	[tilespmem:$0x1B040] =	vst v63  }
0x182: {  	_ = 	snop  }
0x183: {  	[tilespmem:s19], [sflag:$0x2] =	stream.linear.gather [hbm4b:s30+s17], $0x6000, $0x38;
	[tilespmem:$0x1B040] =	vst v63  }
0x184: {  	_ =	swait.ge [sflag:s20], $0x20  }
0x185: {  	[sflag:s20] =	ssyncset.done $0x0  }
0x186: {  	[sflag:s20] =	ssyncadd.s32 $0xFFFFFFE0  }
0x187: {  	_ =	swait.ge [sflag:s20], $0x6000  }
0x188: {  	[sflag:s20] =	ssyncset.done $0x0  }
0x189: {  	[sflag:s20] =	ssyncadd.s32 $0xFFFFA000  }
0x18a: {  	[spmem:s0] =	stream.indirect.scatter.add.f32 [tilespmem:s13], [sflag:$0x3], $0x300, s16, s21, $0xb8;
	[tilespmem:$0x1B040] =	vst v63  }
0x18b: {  	_ = 	snop  }
0x18c: {  	[spmem:s2] =	stream.indirect.scatter.add.f32 [tilespmem:s15], [sflag:$0x3], $0x80, s16, s21, $0xb8;
	[tilespmem:$0x1B040] =	vst v63  }
0x18d: {  	_ =	swait.ge [sflag:s22], $0x6000  }
0x18e: {  	[sflag:s22] =	ssyncset.done $0x0  }
0x18f: {  	[sflag:s22] =	ssyncadd.s32 $0xFFFFA000  }
0x190: {  	_ =	swait.ge [sflag:s22], $0x1000  }
0x191: {  	[sflag:s22] =	ssyncset.done $0x0  }
0x192: {  	s29 =	rddreg [dreg:$0x11];
	[sflag:s22] =	ssyncadd.s32 $0xFFFFF000  }
0x193: {  	[tilespmem:s16], [sflag:$0x1] =	stream.linear.gather [hbm4b:s29+s17], $0x20, $0x38;
	[tilespmem:$0x1B040] =	vst v63  }
0x194: {  	_ = 	snop  }
0x195: {  	[tilespmem:s13], [sflag:$0x1] =	stream.linear.gather [hbm4b:s31+s17], $0x6000, $0x38;
	[tilespmem:$0x1B040] =	vst v63  }
0x196: {  	_ =	swait.ge [sflag:s23], $0x20  }
0x197: {  	[sflag:s23] =	ssyncset.done $0x0  }
0x198: {  	[sflag:s23] =	ssyncadd.s32 $0xFFFFFFE0  }
0x199: {  	_ =	swait.ge [sflag:s23], $0x6000  }
0x19a: {  	[sflag:s23] =	ssyncset.done $0x0  }
0x19b: {  	[sflag:s23] =	ssyncadd.s32 $0xFFFFA000  }
0x19c: {  	[spmem:s0] =	stream.indirect.scatter.add.f32 [tilespmem:s19], [sflag:$0x4], $0x300, s18, s21, $0xb8;
	[tilespmem:$0x1B040] =	vst v63  }
0x19d: {  	_ = 	snop  }
0x19e: {  	[spmem:s2] =	stream.indirect.scatter.add.f32 [tilespmem:s15], [sflag:$0x4], $0x80, s18, s21, $0xb8;
	[tilespmem:$0x1B040] =	vst v63  }
0x19f: {  	_ =	swait.ge [sflag:s24], $0x6000  }
0x1a0: {  	[sflag:s24] =	ssyncset.done $0x0  }
0x1a1: {  	[sflag:s24] =	ssyncadd.s32 $0xFFFFA000  }
0x1a2: {  	_ =	swait.ge [sflag:s24], $0x1000  }
0x1a3: {  	[sflag:s24] =	ssyncset.done $0x0  }
0x1a4: {  	s28 =	rddreg [dreg:$0x12];
	[sflag:s24] =	ssyncadd.s32 $0xFFFFF000  }
0x1a5: {  	[tilespmem:s18], [sflag:$0x2] =	stream.linear.gather [hbm4b:s28+s17], $0x20, $0x38;
	[tilespmem:$0x1B040] =	vst v63  }
0x1a6: {  	_ = 	snop  }
0x1a7: {  	[tilespmem:s19], [sflag:$0x2] =	stream.linear.gather [hbm4b:s3+s17], $0x6000, $0x38;
	[tilespmem:$0x1B040] =	vst v63  }
0x1a8: {  	_ =	swait.ge [sflag:s20], $0x20  }
0x1a9: {  	[sflag:s20] =	ssyncset.done $0x0  }
0x1aa: {  	[sflag:s20] =	ssyncadd.s32 $0xFFFFFFE0  }
0x1ab: {  	_ =	swait.ge [sflag:s20], $0x6000  }
0x1ac: {  	[sflag:s20] =	ssyncset.done $0x0  }
0x1ad: {  	[sflag:s20] =	ssyncadd.s32 $0xFFFFA000  }
0x1ae: {  	[spmem:s0] =	stream.indirect.scatter.add.f32 [tilespmem:s13], [sflag:$0x3], $0x300, s16, s21, $0xb8;
	[tilespmem:$0x1B040] =	vst v63  }
0x1af: {  	_ = 	snop  }
0x1b0: {  	[spmem:s2] =	stream.indirect.scatter.add.f32 [tilespmem:s15], [sflag:$0x3], $0x80, s16, s21, $0xb8;
	[tilespmem:$0x1B040] =	vst v63  }
0x1b1: {  	_ =	swait.ge [sflag:s22], $0x6000  }
0x1b2: {  	[sflag:s22] =	ssyncset.done $0x0  }
0x1b3: {  	[sflag:s22] =	ssyncadd.s32 $0xFFFFA000  }
0x1b4: {  	_ =	swait.ge [sflag:s22], $0x1000  }
0x1b5: {  	[sflag:s22] =	ssyncset.done $0x0  }
0x1b6: {  	s29 =	rddreg [dreg:$0x13];
	[sflag:s22] =	ssyncadd.s32 $0xFFFFF000  }
0x1b7: {  	[tilespmem:s16], [sflag:$0x1] =	stream.linear.gather [hbm4b:s29+s17], $0x20, $0x38;
	[tilespmem:$0x1B040] =	vst v63  }
0x1b8: {  	_ = 	snop  }
0x1b9: {  	[tilespmem:s13], [sflag:$0x1] =	stream.linear.gather [hbm4b:s4+s17], $0x6000, $0x38;
	[tilespmem:$0x1B040] =	vst v63  }
0x1ba: {  	_ =	swait.ge [sflag:s23], $0x20  }
0x1bb: {  	[sflag:s23] =	ssyncset.done $0x0  }
0x1bc: {  	[sflag:s23] =	ssyncadd.s32 $0xFFFFFFE0  }
0x1bd: {  	_ =	swait.ge [sflag:s23], $0x6000  }
0x1be: {  	[sflag:s23] =	ssyncset.done $0x0  }
0x1bf: {  	[sflag:s23] =	ssyncadd.s32 $0xFFFFA000  }
0x1c0: {  	[spmem:s0] =	stream.indirect.scatter.add.f32 [tilespmem:s19], [sflag:$0x4], $0x300, s18, s21, $0xb8;
	[tilespmem:$0x1B040] =	vst v63  }
0x1c1: {  	_ = 	snop  }
0x1c2: {  	[spmem:s2] =	stream.indirect.scatter.add.f32 [tilespmem:s15], [sflag:$0x4], $0x80, s18, s21, $0xb8;
	[tilespmem:$0x1B040] =	vst v63  }
0x1c3: {  	_ =	swait.ge [sflag:s24], $0x6000  }
0x1c4: {  	[sflag:s24] =	ssyncset.done $0x0  }
0x1c5: {  	[sflag:s24] =	ssyncadd.s32 $0xFFFFA000  }
0x1c6: {  	_ =	swait.ge [sflag:s24], $0x1000  }
0x1c7: {  	[sflag:s24] =	ssyncset.done $0x0  }
0x1c8: {  	s28 =	rddreg [dreg:$0x14];
	[sflag:s24] =	ssyncadd.s32 $0xFFFFF000  }
0x1c9: {  	[tilespmem:s18], [sflag:$0x2] =	stream.linear.gather [hbm4b:s28+s17], $0x20, $0x38;
	[tilespmem:$0x1B040] =	vst v63  }
0x1ca: {  	_ = 	snop  }
0x1cb: {  	[tilespmem:s19], [sflag:$0x2] =	stream.linear.gather [hbm4b:s5+s17], $0x6000, $0x38;
	[tilespmem:$0x1B040] =	vst v63  }
0x1cc: {  	_ =	swait.ge [sflag:s20], $0x20  }
0x1cd: {  	[sflag:s20] =	ssyncset.done $0x0  }
0x1ce: {  	[sflag:s20] =	ssyncadd.s32 $0xFFFFFFE0  }
0x1cf: {  	_ =	swait.ge [sflag:s20], $0x6000  }
0x1d0: {  	[sflag:s20] =	ssyncset.done $0x0  }
0x1d1: {  	[sflag:s20] =	ssyncadd.s32 $0xFFFFA000  }
0x1d2: {  	[spmem:s0] =	stream.indirect.scatter.add.f32 [tilespmem:s13], [sflag:$0x3], $0x300, s16, s21, $0xb8;
	[tilespmem:$0x1B040] =	vst v63  }
0x1d3: {  	_ = 	snop  }
0x1d4: {  	[spmem:s2] =	stream.indirect.scatter.add.f32 [tilespmem:s15], [sflag:$0x3], $0x80, s16, s21, $0xb8;
	[tilespmem:$0x1B040] =	vst v63  }
0x1d5: {  	_ =	swait.ge [sflag:s23], $0x20  }
0x1d6: {  	[sflag:s23] =	ssyncset.done $0x0  }
0x1d7: {  	[sflag:s23] =	ssyncadd.s32 $0xFFFFFFE0  }
0x1d8: {  	_ =	swait.ge [sflag:s23], $0x6000  }
0x1d9: {  	[sflag:s23] =	ssyncset.done $0x0  }
0x1da: {  	[sflag:s23] =	ssyncadd.s32 $0xFFFFA000  }
0x1db: {  	[spmem:s0] =	stream.indirect.scatter.add.f32 [tilespmem:s19], [sflag:$0x4], $0x300, s18, s21, $0xb8;
	[tilespmem:$0x1B040] =	vst v63  }
0x1dc: {  	_ = 	snop  }
0x1dd: {  	[spmem:s2] =	stream.indirect.scatter.add.f32 [tilespmem:s15], [sflag:$0x4], $0x80, s18, s21, $0xb8;
	[tilespmem:$0x1B040] =	vst v63  }
0x1de: {  	_ =	swait.ge [sflag:s22], $0x6000  }
0x1df: {  	[sflag:s22] =	ssyncset.done $0x0  }
0x1e0: {  	[sflag:s22] =	ssyncadd.s32 $0xFFFFA000  }
0x1e1: {  	_ =	swait.ge [sflag:s22], $0x1000  }
0x1e2: {  	[sflag:s22] =	ssyncset.done $0x0  }
0x1e3: {  	[sflag:s22] =	ssyncadd.s32 $0xFFFFF000  }
0x1e4: {  	_ =	swait.ge [sflag:s24], $0x6000  }
0x1e5: {  	[sflag:s24] =	ssyncset.done $0x0  }
0x1e6: {  	[sflag:s24] =	ssyncadd.s32 $0xFFFFA000  }
0x1e7: {  	_ =	swait.ge [sflag:s24], $0x1000  }
0x1e8: {  	[sflag:s24] =	ssyncset.done $0x0  }
0x1e9: {  	[sflag:s24] =	ssyncadd.s32 $0xFFFFF000  }
0x1ea: {  	s26 =	sor.u32 $0x1C05, s1;
	s28 =	sshrl.u32 s6, $0x3;
	[bflag:$0x0] =	sbarrier.arrive $0xFFFF  }
0x1eb: {  	[hbm:s10], [sflag:s26] =	dma.local [spmem:s28], $0x1800  }
0x1ec: {  	s25 =	sadd.s32 $0x1, s25;
	_ =	swait.ge [sflag:s14], $0x1800  }
0x1ed: {  	p0 =	sne.s32 s25, s12;
	[sflag:s14] =	ssyncset.done $0x0  }
.Ltmp2:
0x1ee: {  	s29 =	sshrl.u32 s7, $0x3;
	[sflag:s14] =	ssyncadd.s32 $0xFFFFE800;
	(pc) =	sbr.rel @p0 .LBB2_1-.Ltmp2, $4  }
0x1ef: {  	[hbm:s11], [sflag:s26] =	dma.local [spmem:s29], $0x400  }
0x1f0: {  	_ =	swait.ge [sflag:s14], $0x400  }
0x1f1: {  	[sflag:s14] =	ssyncset.done $0x0  }
0x1f2: {  	[sflag:s14] =	ssyncadd.s32 $0xFFFFFC00  }
0x1f3: {  	_ =	sfence.sel $0x180000  }
0x1f4: {  	[bflag:$0x0] =	sbarrier.arrive $0xFFFF  }
0x1f5: {  	_ =	strace $0x90000047  }
0x1f6: {  	s0 =	stileid.u32;
	[bflag:$0x2] =	sbarrier.arrive $0xFFFF  }
0x1f7: {  	p0 =	sne.s32 s0, $0x0;
	s0 =	rddreg [dreg:$0x4]  }
0x1f8: {  	s0 =	sadd.s32 @!p0 $0x100000, s0  }
0x1f9: {  	[sflag:s0] =	ssyncadd.tile.s32 @!p0 $0x1;
	_ =	shalt  }
.Lfunc_end2:
_tile_overlayer_lowered:
.L_overlay_start_2:
0x1fa: {  	(tag) =	ssettag $0x2  }
0x1fb: {  	s0 =	rddreg [dreg:$0x0];
	s2 =	stileid.u32  }
0x1fc: {  	s1 =	rddreg [dreg:$0x1];
	p0 =	sne.s32 s2, $0x0  }
0x1fd: {  	s3 =	rddreg [dreg:$0x2];
	[bflag:$0x3] =	sbarrier.arrive $0xFFFF;
	s2 =	simm.s32 @!p0 $0x1C05  }
0x1fe: {  	[timem:s3], [sflag:s2] =	dma.local @!p0 [hbm:s0], s1  }
0x1ff: {  	s0 =	simm.s32 @!p0 $0x5  }
0x200: {  	_ =	swait.ge @!p0 [sflag:s0], s1  }
0x201: {  	s1 =	ssub.s32 @!p0 $0x0, s1;
	[sflag:s0] =	ssyncset.done @!p0 $0x0  }
0x202: {  	[sflag:s0] =	ssyncadd.s32 @!p0 s1  }
0x203: {  	[bflag:$0x3] =	sbarrier.arrive $0xFFFF  }
0x204: {  	_ =	shalt  }

</sc_bundles>
